<compile_context>
chip_gen: v7x
topology: tpu7x:2x2x1
jax: 0.10.2.dev20260603
libtpu: 0.0.44.dev20260713+nightly
codegen_flags: <defaults>
</compile_context>

<pallas_src>
import functools

import jax
import jax.numpy as jnp
from jax import lax
from jax.experimental import pallas as pl
from jax.experimental.pallas import tpu as pltpu
from jax.experimental.pallas import tpu_sc as plsc

N_NODES = 10000
N_EDGES = 320000
D_FEAT = 128
DW = D_FEAT // 2
NUM_CORES = 2
NUM_SUBCORES = 16
NW = NUM_CORES * NUM_SUBCORES
EPW = N_EDGES // NW
CHUNK = 80
NUM_CHUNKS = EPW // CHUNK
GROUPS = CHUNK // 16


def _dot_scores(hpk, src, dst):
    mesh = plsc.VectorSubcoreMesh(core_axis_name="c", subcore_axis_name="s")

    @functools.partial(
        pl.kernel,
        out_type=jax.ShapeDtypeStruct((N_EDGES,), jnp.float32),
        mesh=mesh,
        compiler_params=pltpu.CompilerParams(
            needs_layout_passes=False, use_tc_tiling_on_sc=False),
        scratch_types=[
            pltpu.VMEM((EPW,), jnp.int32),
            pltpu.VMEM((EPW,), jnp.int32),
            pltpu.VMEM((4, CHUNK, DW), jnp.int32),
            pltpu.VMEM((4, CHUNK, DW), jnp.int32),
            pltpu.VMEM((EPW,), jnp.float32),
            pltpu.SemaphoreType.DMA,
            pltpu.SemaphoreType.DMA,
            pltpu.SemaphoreType.DMA,
            pltpu.SemaphoreType.DMA,
            pltpu.SemaphoreType.DMA,
        ],
    )
    def scores_kernel(h_hbm, src_hbm, dst_hbm, out_hbm,
                      idx_s, idx_d, rows_a, rows_b, scores, sem0, sem1,
                      sem2, sem3, sem_idx):
        wid = lax.axis_index("s") * NUM_CORES + lax.axis_index("c")
        wbase = pl.multiple_of(wid * EPW, 8)
        sems = (sem0, sem1, sem2, sem3)
        lane = lax.iota(jnp.int32, 16)
        rid = [g * 16 + lane for g in range(GROUPS)]
        zero = jnp.zeros((16,), jnp.float32)

        head = 4 * CHUNK
        cp_s = pltpu.async_copy(
            src_hbm.at[pl.ds(wbase, head)], idx_s.at[pl.ds(0, head)], sem_idx)
        cp_d = pltpu.async_copy(
            dst_hbm.at[pl.ds(wbase, head)], idx_d.at[pl.ds(0, head)], sem_idx)
        cp_s.wait()
        cp_d.wait()

        def issue(i, p):
            off = pl.multiple_of(i * CHUNK, 8)
            pltpu.async_copy(
                h_hbm.at[idx_s.at[pl.ds(off, CHUNK)]], rows_a.at[p], sems[p])
            pltpu.async_copy(
                h_hbm.at[idx_d.at[pl.ds(off, CHUNK)]], rows_b.at[p], sems[p])

        def wait(i, p):
            off = pl.multiple_of(i * CHUNK, 8)
            pltpu.make_async_copy(
                h_hbm.at[idx_s.at[pl.ds(off, CHUNK)]], rows_a.at[p],
                sems[p]).wait()
            pltpu.make_async_copy(
                h_hbm.at[idx_d.at[pl.ds(off, CHUNK)]], rows_b.at[p],
                sems[p]).wait()

        def compute(i, p):
            off = i * CHUNK
            ra = rows_a.at[p]
            rb = rows_b.at[p]

            himask = jnp.full((16,), -65536, jnp.int32)

            def unpack2(v_i32):
                lo = plsc.bitcast(v_i32 << 16, jnp.float32)
                hi = plsc.bitcast(v_i32 & himask, jnp.float32)
                return lo, hi

            def d_body(j, accs):
                accs = list(accs)
                for k in range(2):
                    w = j * 2 + k
                    col = (lane + w) & (DW - 1)
                    for g in range(GROUPS):
                        va = plsc.load_gather(ra, [rid[g], col])
                        vb = plsc.load_gather(rb, [rid[g], col])
                        alo, ahi = unpack2(va)
                        blo, bhi = unpack2(vb)
                        accs[g] = accs[g] + alo * blo + ahi * bhi
                return tuple(accs)

            accs = lax.fori_loop(0, DW // 2, d_body, (zero,) * GROUPS)
            for g in range(GROUPS):
                scores[pl.ds(off + g * 16, 16)] = accs[g]

        for t in range(4):
            issue(t, t)

        cp_s2 = pltpu.async_copy(
            src_hbm.at[pl.ds(wbase + head, EPW - head)],
            idx_s.at[pl.ds(head, EPW - head)], sem_idx)
        cp_d2 = pltpu.async_copy(
            dst_hbm.at[pl.ds(wbase + head, EPW - head)],
            idx_d.at[pl.ds(head, EPW - head)], sem_idx)
        cp_s2.wait()
        cp_d2.wait()

        def body4(j, carry):
            for t in range(4):
                i = 4 * j + t
                wait(i, t)
                compute(i, t)
                if t == 0:
                    issue(i + 4, t)
                else:
                    @pl.when(j < (NUM_CHUNKS - 1) // 4 - 1)
                    def _():
                        issue(i + 4, t)
            return carry

        lax.fori_loop(0, (NUM_CHUNKS - 1) // 4, body4, 0)
        for t in range(NUM_CHUNKS % 4):
            last = NUM_CHUNKS - (NUM_CHUNKS % 4) + t
            wait(last, t)
            compute(last, t)

        pltpu.sync_copy(scores, out_hbm.at[pl.ds(wbase, EPW)])

    return scores_kernel(hpk, src, dst)


def kernel(h, edge_index):
    hb = h.astype(jnp.bfloat16).reshape(N_NODES, DW, 2)
    hpk = jax.lax.bitcast_convert_type(hb, jnp.int32)
    src = edge_index[0].astype(jnp.int32)
    dst = edge_index[1].astype(jnp.int32)
    return _dot_scores(hpk, src, dst)

# --- scband reference (transcript-rebuilt; emitter-appended) ---
"""Pipeline reference for scband-dot-link-predictor-10024453669138 (READ-ONLY COPY).

The authoritative reference and input builder live on the scoring server;
editing this copy changes nothing except your own understanding.
"""

import jax, jax.numpy as jnp
import numpy as np

N_NODES = 10000
N_EDGES = 320000
D_FEAT = 128

def setup_inputs(seed: int = 0) -> dict:
    key = jax.random.key(seed)
    k1, k2 = jax.random.split(key)
    h = jax.random.normal(k1, (N_NODES, D_FEAT), dtype=jnp.float32)
    edge_index = jax.random.randint(k2, (2, N_EDGES), 0, N_NODES, dtype=jnp.int64)
    return {"h": h, "edge_index": edge_index}

def reference(h, edge_index):
    # DGL apply_edges(fn.u_dot_v('h','h','score')): per-edge dot product of
    # source and destination node features, then take column 0 of the [E,1] score.
    src = edge_index[0]
    dst = edge_index[1]
    h_u = jnp.take(h, src, axis=0)
    h_v = jnp.take(h, dst, axis=0)
    score = jnp.sum(h_u * h_v, axis=-1, keepdims=True)  # [E, 1]
    return score[:, 0]

if __name__ == "__main__":
    import jax
    _d = setup_inputs()
    print(jax.jit(kernel)(*tuple(_d.values())))

</pallas_src>

<mosaic_0001>
#map = affine_map<(d0, d1) -> (0, 0)>
#map1 = affine_map<(d0, d1) -> (0)>
module attributes {stable_mosaic.version = 14 : i64} {
  func.func @scores_kernel(%arg0: i32, %arg1: i32, %arg2: memref<10000x64xi32, #tpu.memory_space<hbm>>, %arg3: memref<320000xi32, #tpu.memory_space<hbm>>, %arg4: memref<320000xi32, #tpu.memory_space<hbm>>, %arg5: memref<320000xf32, #tpu.memory_space<hbm>>, %arg6: memref<10000xi32, #tpu.memory_space<vmem>>, %arg7: memref<10000xi32, #tpu.memory_space<vmem>>, %arg8: memref<4x80x64xi32, #tpu.memory_space<vmem>>, %arg9: memref<4x80x64xi32, #tpu.memory_space<vmem>>, %arg10: memref<10000xf32, #tpu.memory_space<vmem>>, %arg11: memref<!tpu.dma_semaphore, #tpu.memory_space<semaphore_mem>>, %arg12: memref<!tpu.dma_semaphore, #tpu.memory_space<semaphore_mem>>, %arg13: memref<!tpu.dma_semaphore, #tpu.memory_space<semaphore_mem>>, %arg14: memref<!tpu.dma_semaphore, #tpu.memory_space<semaphore_mem>>, %arg15: memref<!tpu.dma_semaphore, #tpu.memory_space<semaphore_mem>>) attributes {dimension_semantics = [#tpu.dimension_semantics<core_parallel>, #tpu.dimension_semantics<subcore_parallel>], iteration_bounds = array<i64: 2, 16>, scalar_prefetch = 0 : i64, scratch_operands = 10 : i64, tpu.core_type = #tpu.core_type<sc_vector_subcore>, window_params = [{transform_indices = #map}, {transform_indices = #map1}, {transform_indices = #map1}, {transform_indices = #map1}]} {
    %mul3A = arith.constant 2 : i32
    %mul3A_0 = arith.muli %arg1, %mul3A : i32
    %add3A = arith.addi %mul3A_0, %arg0 : i32
    %mul3A_1 = arith.constant 10000 : i32
    %mul3A_2 = arith.muli %add3A, %mul3A_1 : i32
    %multiple_of3A = tpu.assume_multiple %mul3A_2, 8 : i32
    %iota3A = tpu.iota {dimensions = array<i32: 0>} : vector<16xi32>
    %add3A_3 = arith.constant 0 : i32
    %add3A_4 = vector.broadcast %add3A_3 : i32 to vector<16xi32>
    %add3A_5 = arith.addi %add3A_4, %iota3A : vector<16xi32>
    %add3A_6 = arith.constant 16 : i32
    %add3A_7 = vector.broadcast %add3A_6 : i32 to vector<16xi32>
    %add3A_8 = arith.addi %add3A_7, %iota3A : vector<16xi32>
    %add3A_9 = arith.constant 32 : i32
    %add3A_10 = vector.broadcast %add3A_9 : i32 to vector<16xi32>
    %add3A_11 = arith.addi %add3A_10, %iota3A : vector<16xi32>
    %add3A_12 = arith.constant 48 : i32
    %add3A_13 = vector.broadcast %add3A_12 : i32 to vector<16xi32>
    %add3A_14 = arith.addi %add3A_13, %iota3A : vector<16xi32>
    %add3A_15 = arith.constant 64 : i32
    %add3A_16 = vector.broadcast %add3A_15 : i32 to vector<16xi32>
    %add3A_17 = arith.addi %add3A_16, %iota3A : vector<16xi32>
    %broadcast_in_dim3A = arith.constant 0.000000e+00 : f32
    %broadcast_in_dim3A_18 = vector.broadcast %broadcast_in_dim3A : f32 to vector<16xf32>
    %dma_start3A = arith.constant 0 : i32
    %dma_start3A_19 = tpu.memref_slice %arg6[%dma_start3A] : memref<10000xi32, #tpu.memory_space<vmem>> -> memref<320xi32, #tpu.memory_space<vmem>>
    %dma_start3A_20 = tpu.memref_slice %arg3[%multiple_of3A] : memref<320000xi32, #tpu.memory_space<hbm>> -> memref<320xi32, #tpu.memory_space<hbm>>
    %dma_start3A_21 = arith.constant 0 : i32
    %dma_start3A_22 = tpu.memref_slice %arg6[%dma_start3A_21] : memref<10000xi32, #tpu.memory_space<vmem>> -> memref<320xi32, #tpu.memory_space<vmem>>
    %dma_start3A_23 = tpu.memref_slice %arg3[%multiple_of3A] : memref<320000xi32, #tpu.memory_space<hbm>> -> memref<320xi32, #tpu.memory_space<hbm>>
    tpu.enqueue_dma source(%dma_start3A_23 : memref<320xi32, #tpu.memory_space<hbm>>) target(%dma_start3A_22 : memref<320xi32, #tpu.memory_space<vmem>>) target_semaphore(%arg15 : memref<!tpu.dma_semaphore, #tpu.memory_space<semaphore_mem>>)
    %dma_start3A_24 = arith.constant 0 : i32
    %dma_start3A_25 = tpu.memref_slice %arg7[%dma_start3A_24] : memref<10000xi32, #tpu.memory_space<vmem>> -> memref<320xi32, #tpu.memory_space<vmem>>
    %dma_start3A_26 = tpu.memref_slice %arg4[%multiple_of3A] : memref<320000xi32, #tpu.memory_space<hbm>> -> memref<320xi32, #tpu.memory_space<hbm>>
    %dma_start3A_27 = arith.constant 0 : i32
    %dma_start3A_28 = tpu.memref_slice %arg7[%dma_start3A_27] : memref<10000xi32, #tpu.memory_space<vmem>> -> memref<320xi32, #tpu.memory_space<vmem>>
    %dma_start3A_29 = tpu.memref_slice %arg4[%multiple_of3A] : memref<320000xi32, #tpu.memory_space<hbm>> -> memref<320xi32, #tpu.memory_space<hbm>>
    tpu.enqueue_dma source(%dma_start3A_29 : memref<320xi32, #tpu.memory_space<hbm>>) target(%dma_start3A_28 : memref<320xi32, #tpu.memory_space<vmem>>) target_semaphore(%arg15 : memref<!tpu.dma_semaphore, #tpu.memory_space<semaphore_mem>>)
    %dma_wait3A = arith.constant 0 : i32
    %dma_wait3A_30 = tpu.memref_slice %arg6[%dma_wait3A] : memref<10000xi32, #tpu.memory_space<vmem>> -> memref<320xi32, #tpu.memory_space<vmem>>
    %dma_wait3A_31 = tpu.memref_slice %arg3[%multiple_of3A] : memref<320000xi32, #tpu.memory_space<hbm>> -> memref<320xi32, #tpu.memory_space<hbm>>
    %dma_wait3A_32 = arith.constant 0 : i32
    %dma_wait3A_33 = tpu.memref_slice %arg6[%dma_wait3A_32] : memref<10000xi32, #tpu.memory_space<vmem>> -> memref<320xi32, #tpu.memory_space<vmem>>
    %dma_wait3A_34 = tpu.memref_slice %arg3[%multiple_of3A] : memref<320000xi32, #tpu.memory_space<hbm>> -> memref<320xi32, #tpu.memory_space<hbm>>
    tpu.wait_dma2 semaphore(%arg15 : memref<!tpu.dma_semaphore, #tpu.memory_space<semaphore_mem>>) src(%dma_wait3A_34 : memref<320xi32, #tpu.memory_space<hbm>>) dst(%dma_wait3A_33 : memref<320xi32, #tpu.memory_space<vmem>>)
    %dma_wait3A_35 = arith.constant 0 : i32
    %dma_wait3A_36 = tpu.memref_slice %arg7[%dma_wait3A_35] : memref<10000xi32, #tpu.memory_space<vmem>> -> memref<320xi32, #tpu.memory_space<vmem>>
    %dma_wait3A_37 = tpu.memref_slice %arg4[%multiple_of3A] : memref<320000xi32, #tpu.memory_space<hbm>> -> memref<320xi32, #tpu.memory_space<hbm>>
    %dma_wait3A_38 = arith.constant 0 : i32
    %dma_wait3A_39 = tpu.memref_slice %arg7[%dma_wait3A_38] : memref<10000xi32, #tpu.memory_space<vmem>> -> memref<320xi32, #tpu.memory_space<vmem>>
    %dma_wait3A_40 = tpu.memref_slice %arg4[%multiple_of3A] : memref<320000xi32, #tpu.memory_space<hbm>> -> memref<320xi32, #tpu.memory_space<hbm>>
    tpu.wait_dma2 semaphore(%arg15 : memref<!tpu.dma_semaphore, #tpu.memory_space<semaphore_mem>>) src(%dma_wait3A_40 : memref<320xi32, #tpu.memory_space<hbm>>) dst(%dma_wait3A_39 : memref<320xi32, #tpu.memory_space<vmem>>)
    %multiple_of3A_41 = arith.constant 0 : i32
    %multiple_of3A_42 = tpu.assume_multiple %multiple_of3A_41, 8 : i32
    %dma_start3A_43 = arith.constant 0 : i32
    %dma_start3A_44 = arith.constant 0 : i32
    %dma_start3A_45 = arith.constant 0 : i32
    %dma_start3A_46 = tpu.memref_slice %arg8[%dma_start3A_43, %dma_start3A_44, %dma_start3A_45] : memref<4x80x64xi32, #tpu.memory_space<vmem>> -> memref<1x80x64xi32, #tpu.memory_space<vmem>>
    %dma_start3A_47 = tpu.memref_squeeze %dma_start3A_46 : memref<1x80x64xi32, #tpu.memory_space<vmem>> -> memref<80x64xi32, #tpu.memory_space<vmem>>
    %dma_start3A_48 = tpu.memref_slice %arg6[%multiple_of3A_42] : memref<10000xi32, #tpu.memory_space<vmem>> -> memref<80xi32, #tpu.memory_space<vmem>>
    %dma_start3A_49 = arith.constant 0 : i32
    %dma_start3A_50 = arith.constant 0 : i32
    %dma_start3A_51 = tpu.memref_slice %arg2[%dma_start3A_49, %dma_start3A_50] : memref<10000x64xi32, #tpu.memory_space<hbm>> -> memref<10000x64xi32, #tpu.memory_space<hbm>>
    tpu.enqueue_indirect_dma source(%dma_start3A_51 : memref<10000x64xi32, #tpu.memory_space<hbm>>) target(%dma_start3A_47 : memref<80x64xi32, #tpu.memory_space<vmem>>) offsets(%dma_start3A_48 : memref<80xi32, #tpu.memory_space<vmem>>) semaphore(%arg11 : memref<!tpu.dma_semaphore, #tpu.memory_space<semaphore_mem>>)
    %dma_start3A_52 = arith.constant 0 : i32
    %dma_start3A_53 = arith.constant 0 : i32
    %dma_start3A_54 = arith.constant 0 : i32
    %dma_start3A_55 = tpu.memref_slice %arg9[%dma_start3A_52, %dma_start3A_53, %dma_start3A_54] : memref<4x80x64xi32, #tpu.memory_space<vmem>> -> memref<1x80x64xi32, #tpu.memory_space<vmem>>
    %dma_start3A_56 = tpu.memref_squeeze %dma_start3A_55 : memref<1x80x64xi32, #tpu.memory_space<vmem>> -> memref<80x64xi32, #tpu.memory_space<vmem>>
    %dma_start3A_57 = tpu.memref_slice %arg7[%multiple_of3A_42] : memref<10000xi32, #tpu.memory_space<vmem>> -> memref<80xi32, #tpu.memory_space<vmem>>
    %dma_start3A_58 = arith.constant 0 : i32
    %dma_start3A_59 = arith.constant 0 : i32
    %dma_start3A_60 = tpu.memref_slice %arg2[%dma_start3A_58, %dma_start3A_59] : memref<10000x64xi32, #tpu.memory_space<hbm>> -> memref<10000x64xi32, #tpu.memory_space<hbm>>
    tpu.enqueue_indirect_dma source(%dma_start3A_60 : memref<10000x64xi32, #tpu.memory_space<hbm>>) target(%dma_start3A_56 : memref<80x64xi32, #tpu.memory_space<vmem>>) offsets(%dma_start3A_57 : memref<80xi32, #tpu.memory_space<vmem>>) semaphore(%arg11 : memref<!tpu.dma_semaphore, #tpu.memory_space<semaphore_mem>>)
    %multiple_of3A_61 = arith.constant 80 : i32
    %multiple_of3A_62 = tpu.assume_multiple %multiple_of3A_61, 8 : i32
    %dma_start3A_63 = arith.constant 1 : i32
    %dma_start3A_64 = arith.constant 0 : i32
    %dma_start3A_65 = arith.constant 0 : i32
    %dma_start3A_66 = tpu.memref_slice %arg8[%dma_start3A_63, %dma_start3A_64, %dma_start3A_65] : memref<4x80x64xi32, #tpu.memory_space<vmem>> -> memref<1x80x64xi32, #tpu.memory_space<vmem>>
    %dma_start3A_67 = tpu.memref_squeeze %dma_start3A_66 : memref<1x80x64xi32, #tpu.memory_space<vmem>> -> memref<80x64xi32, #tpu.memory_space<vmem>>
    %dma_start3A_68 = tpu.memref_slice %arg6[%multiple_of3A_62] : memref<10000xi32, #tpu.memory_space<vmem>> -> memref<80xi32, #tpu.memory_space<vmem>>
    %dma_start3A_69 = arith.constant 0 : i32
    %dma_start3A_70 = arith.constant 0 : i32
    %dma_start3A_71 = tpu.memref_slice %arg2[%dma_start3A_69, %dma_start3A_70] : memref<10000x64xi32, #tpu.memory_space<hbm>> -> memref<10000x64xi32, #tpu.memory_space<hbm>>
    tpu.enqueue_indirect_dma source(%dma_start3A_71 : memref<10000x64xi32, #tpu.memory_space<hbm>>) target(%dma_start3A_67 : memref<80x64xi32, #tpu.memory_space<vmem>>) offsets(%dma_start3A_68 : memref<80xi32, #tpu.memory_space<vmem>>) semaphore(%arg12 : memref<!tpu.dma_semaphore, #tpu.memory_space<semaphore_mem>>)
    %dma_start3A_72 = arith.constant 1 : i32
    %dma_start3A_73 = arith.constant 0 : i32
    %dma_start3A_74 = arith.constant 0 : i32
    %dma_start3A_75 = tpu.memref_slice %arg9[%dma_start3A_72, %dma_start3A_73, %dma_start3A_74] : memref<4x80x64xi32, #tpu.memory_space<vmem>> -> memref<1x80x64xi32, #tpu.memory_space<vmem>>
    %dma_start3A_76 = tpu.memref_squeeze %dma_start3A_75 : memref<1x80x64xi32, #tpu.memory_space<vmem>> -> memref<80x64xi32, #tpu.memory_space<vmem>>
    %dma_start3A_77 = tpu.memref_slice %arg7[%multiple_of3A_62] : memref<10000xi32, #tpu.memory_space<vmem>> -> memref<80xi32, #tpu.memory_space<vmem>>
    %dma_start3A_78 = arith.constant 0 : i32
    %dma_start3A_79 = arith.constant 0 : i32
    %dma_start3A_80 = tpu.memref_slice %arg2[%dma_start3A_78, %dma_start3A_79] : memref<10000x64xi32, #tpu.memory_space<hbm>> -> memref<10000x64xi32, #tpu.memory_space<hbm>>
    tpu.enqueue_indirect_dma source(%dma_start3A_80 : memref<10000x64xi32, #tpu.memory_space<hbm>>) target(%dma_start3A_76 : memref<80x64xi32, #tpu.memory_space<vmem>>) offsets(%dma_start3A_77 : memref<80xi32, #tpu.memory_space<vmem>>) semaphore(%arg12 : memref<!tpu.dma_semaphore, #tpu.memory_space<semaphore_mem>>)
    %multiple_of3A_81 = arith.constant 160 : i32
    %multiple_of3A_82 = tpu.assume_multiple %multiple_of3A_81, 8 : i32
    %dma_start3A_83 = arith.constant 2 : i32
    %dma_start3A_84 = arith.constant 0 : i32
    %dma_start3A_85 = arith.constant 0 : i32
    %dma_start3A_86 = tpu.memref_slice %arg8[%dma_start3A_83, %dma_start3A_84, %dma_start3A_85] : memref<4x80x64xi32, #tpu.memory_space<vmem>> -> memref<1x80x64xi32, #tpu.memory_space<vmem>>
    %dma_start3A_87 = tpu.memref_squeeze %dma_start3A_86 : memref<1x80x64xi32, #tpu.memory_space<vmem>> -> memref<80x64xi32, #tpu.memory_space<vmem>>
    %dma_start3A_88 = tpu.memref_slice %arg6[%multiple_of3A_82] : memref<10000xi32, #tpu.memory_space<vmem>> -> memref<80xi32, #tpu.memory_space<vmem>>
    %dma_start3A_89 = arith.constant 0 : i32
    %dma_start3A_90 = arith.constant 0 : i32
    %dma_start3A_91 = tpu.memref_slice %arg2[%dma_start3A_89, %dma_start3A_90] : memref<10000x64xi32, #tpu.memory_space<hbm>> -> memref<10000x64xi32, #tpu.memory_space<hbm>>
    tpu.enqueue_indirect_dma source(%dma_start3A_91 : memref<10000x64xi32, #tpu.memory_space<hbm>>) target(%dma_start3A_87 : memref<80x64xi32, #tpu.memory_space<vmem>>) offsets(%dma_start3A_88 : memref<80xi32, #tpu.memory_space<vmem>>) semaphore(%arg13 : memref<!tpu.dma_semaphore, #tpu.memory_space<semaphore_mem>>)
    %dma_start3A_92 = arith.constant 2 : i32
    %dma_start3A_93 = arith.constant 0 : i32
    %dma_start3A_94 = arith.constant 0 : i32
    %dma_start3A_95 = tpu.memref_slice %arg9[%dma_start3A_92, %dma_start3A_93, %dma_start3A_94] : memref<4x80x64xi32, #tpu.memory_space<vmem>> -> memref<1x80x64xi32, #tpu.memory_space<vmem>>
    %dma_start3A_96 = tpu.memref_squeeze %dma_start3A_95 : memref<1x80x64xi32, #tpu.memory_space<vmem>> -> memref<80x64xi32, #tpu.memory_space<vmem>>
    %dma_start3A_97 = tpu.memref_slice %arg7[%multiple_of3A_82] : memref<10000xi32, #tpu.memory_space<vmem>> -> memref<80xi32, #tpu.memory_space<vmem>>
    %dma_start3A_98 = arith.constant 0 : i32
    %dma_start3A_99 = arith.constant 0 : i32
    %dma_start3A_100 = tpu.memref_slice %arg2[%dma_start3A_98, %dma_start3A_99] : memref<10000x64xi32, #tpu.memory_space<hbm>> -> memref<10000x64xi32, #tpu.memory_space<hbm>>
    tpu.enqueue_indirect_dma source(%dma_start3A_100 : memref<10000x64xi32, #tpu.memory_space<hbm>>) target(%dma_start3A_96 : memref<80x64xi32, #tpu.memory_space<vmem>>) offsets(%dma_start3A_97 : memref<80xi32, #tpu.memory_space<vmem>>) semaphore(%arg13 : memref<!tpu.dma_semaphore, #tpu.memory_space<semaphore_mem>>)
    %multiple_of3A_101 = arith.constant 240 : i32
    %multiple_of3A_102 = tpu.assume_multiple %multiple_of3A_101, 8 : i32
    %dma_start3A_103 = arith.constant 3 : i32
    %dma_start3A_104 = arith.constant 0 : i32
    %dma_start3A_105 = arith.constant 0 : i32
    %dma_start3A_106 = tpu.memref_slice %arg8[%dma_start3A_103, %dma_start3A_104, %dma_start3A_105] : memref<4x80x64xi32, #tpu.memory_space<vmem>> -> memref<1x80x64xi32, #tpu.memory_space<vmem>>
    %dma_start3A_107 = tpu.memref_squeeze %dma_start3A_106 : memref<1x80x64xi32, #tpu.memory_space<vmem>> -> memref<80x64xi32, #tpu.memory_space<vmem>>
    %dma_start3A_108 = tpu.memref_slice %arg6[%multiple_of3A_102] : memref<10000xi32, #tpu.memory_space<vmem>> -> memref<80xi32, #tpu.memory_space<vmem>>
    %dma_start3A_109 = arith.constant 0 : i32
    %dma_start3A_110 = arith.constant 0 : i32
    %dma_start3A_111 = tpu.memref_slice %arg2[%dma_start3A_109, %dma_start3A_110] : memref<10000x64xi32, #tpu.memory_space<hbm>> -> memref<10000x64xi32, #tpu.memory_space<hbm>>
    tpu.enqueue_indirect_dma source(%dma_start3A_111 : memref<10000x64xi32, #tpu.memory_space<hbm>>) target(%dma_start3A_107 : memref<80x64xi32, #tpu.memory_space<vmem>>) offsets(%dma_start3A_108 : memref<80xi32, #tpu.memory_space<vmem>>) semaphore(%arg14 : memref<!tpu.dma_semaphore, #tpu.memory_space<semaphore_mem>>)
    %dma_start3A_112 = arith.constant 3 : i32
    %dma_start3A_113 = arith.constant 0 : i32
    %dma_start3A_114 = arith.constant 0 : i32
    %dma_start3A_115 = tpu.memref_slice %arg9[%dma_start3A_112, %dma_start3A_113, %dma_start3A_114] : memref<4x80x64xi32, #tpu.memory_space<vmem>> -> memref<1x80x64xi32, #tpu.memory_space<vmem>>
    %dma_start3A_116 = tpu.memref_squeeze %dma_start3A_115 : memref<1x80x64xi32, #tpu.memory_space<vmem>> -> memref<80x64xi32, #tpu.memory_space<vmem>>
    %dma_start3A_117 = tpu.memref_slice %arg7[%multiple_of3A_102] : memref<10000xi32, #tpu.memory_space<vmem>> -> memref<80xi32, #tpu.memory_space<vmem>>
    %dma_start3A_118 = arith.constant 0 : i32
    %dma_start3A_119 = arith.constant 0 : i32
    %dma_start3A_120 = tpu.memref_slice %arg2[%dma_start3A_118, %dma_start3A_119] : memref<10000x64xi32, #tpu.memory_space<hbm>> -> memref<10000x64xi32, #tpu.memory_space<hbm>>
    tpu.enqueue_indirect_dma source(%dma_start3A_120 : memref<10000x64xi32, #tpu.memory_space<hbm>>) target(%dma_start3A_116 : memref<80x64xi32, #tpu.memory_space<vmem>>) offsets(%dma_start3A_117 : memref<80xi32, #tpu.memory_space<vmem>>) semaphore(%arg14 : memref<!tpu.dma_semaphore, #tpu.memory_space<semaphore_mem>>)
    %add3A_121 = arith.constant 320 : i32
    %add3A_122 = arith.addi %multiple_of3A, %add3A_121 : i32
    %dma_start3A_123 = arith.constant 320 : i32
    %dma_start3A_124 = tpu.memref_slice %arg6[%dma_start3A_123] : memref<10000xi32, #tpu.memory_space<vmem>> -> memref<9680xi32, #tpu.memory_space<vmem>>
    %dma_start3A_125 = tpu.memref_slice %arg3[%add3A_122] : memref<320000xi32, #tpu.memory_space<hbm>> -> memref<9680xi32, #tpu.memory_space<hbm>>
    %dma_start3A_126 = arith.constant 320 : i32
    %dma_start3A_127 = tpu.memref_slice %arg6[%dma_start3A_126] : memref<10000xi32, #tpu.memory_space<vmem>> -> memref<9680xi32, #tpu.memory_space<vmem>>
    %dma_start3A_128 = tpu.memref_slice %arg3[%add3A_122] : memref<320000xi32, #tpu.memory_space<hbm>> -> memref<9680xi32, #tpu.memory_space<hbm>>
    tpu.enqueue_dma source(%dma_start3A_128 : memref<9680xi32, #tpu.memory_space<hbm>>) target(%dma_start3A_127 : memref<9680xi32, #tpu.memory_space<vmem>>) target_semaphore(%arg15 : memref<!tpu.dma_semaphore, #tpu.memory_space<semaphore_mem>>)
    %add3A_129 = arith.constant 320 : i32
    %add3A_130 = arith.addi %multiple_of3A, %add3A_129 : i32
    %dma_start3A_131 = arith.constant 320 : i32
    %dma_start3A_132 = tpu.memref_slice %arg7[%dma_start3A_131] : memref<10000xi32, #tpu.memory_space<vmem>> -> memref<9680xi32, #tpu.memory_space<vmem>>
    %dma_start3A_133 = tpu.memref_slice %arg4[%add3A_130] : memref<320000xi32, #tpu.memory_space<hbm>> -> memref<9680xi32, #tpu.memory_space<hbm>>
    %dma_start3A_134 = arith.constant 320 : i32
    %dma_start3A_135 = tpu.memref_slice %arg7[%dma_start3A_134] : memref<10000xi32, #tpu.memory_space<vmem>> -> memref<9680xi32, #tpu.memory_space<vmem>>
    %dma_start3A_136 = tpu.memref_slice %arg4[%add3A_130] : memref<320000xi32, #tpu.memory_space<hbm>> -> memref<9680xi32, #tpu.memory_space<hbm>>
    tpu.enqueue_dma source(%dma_start3A_136 : memref<9680xi32, #tpu.memory_space<hbm>>) target(%dma_start3A_135 : memref<9680xi32, #tpu.memory_space<vmem>>) target_semaphore(%arg15 : memref<!tpu.dma_semaphore, #tpu.memory_space<semaphore_mem>>)
    %dma_wait3A_137 = arith.constant 320 : i32
    %dma_wait3A_138 = tpu.memref_slice %arg6[%dma_wait3A_137] : memref<10000xi32, #tpu.memory_space<vmem>> -> memref<9680xi32, #tpu.memory_space<vmem>>
    %dma_wait3A_139 = tpu.memref_slice %arg3[%add3A_122] : memref<320000xi32, #tpu.memory_space<hbm>> -> memref<9680xi32, #tpu.memory_space<hbm>>
    %dma_wait3A_140 = arith.constant 320 : i32
    %dma_wait3A_141 = tpu.memref_slice %arg6[%dma_wait3A_140] : memref<10000xi32, #tpu.memory_space<vmem>> -> memref<9680xi32, #tpu.memory_space<vmem>>
    %dma_wait3A_142 = tpu.memref_slice %arg3[%add3A_122] : memref<320000xi32, #tpu.memory_space<hbm>> -> memref<9680xi32, #tpu.memory_space<hbm>>
    tpu.wait_dma2 semaphore(%arg15 : memref<!tpu.dma_semaphore, #tpu.memory_space<semaphore_mem>>) src(%dma_wait3A_142 : memref<9680xi32, #tpu.memory_space<hbm>>) dst(%dma_wait3A_141 : memref<9680xi32, #tpu.memory_space<vmem>>)
    %dma_wait3A_143 = arith.constant 320 : i32
    %dma_wait3A_144 = tpu.memref_slice %arg7[%dma_wait3A_143] : memref<10000xi32, #tpu.memory_space<vmem>> -> memref<9680xi32, #tpu.memory_space<vmem>>
    %dma_wait3A_145 = tpu.memref_slice %arg4[%add3A_130] : memref<320000xi32, #tpu.memory_space<hbm>> -> memref<9680xi32, #tpu.memory_space<hbm>>
    %dma_wait3A_146 = arith.constant 320 : i32
    %dma_wait3A_147 = tpu.memref_slice %arg7[%dma_wait3A_146] : memref<10000xi32, #tpu.memory_space<vmem>> -> memref<9680xi32, #tpu.memory_space<vmem>>
    %dma_wait3A_148 = tpu.memref_slice %arg4[%add3A_130] : memref<320000xi32, #tpu.memory_space<hbm>> -> memref<9680xi32, #tpu.memory_space<hbm>>
    tpu.wait_dma2 semaphore(%arg15 : memref<!tpu.dma_semaphore, #tpu.memory_space<semaphore_mem>>) src(%dma_wait3A_148 : memref<9680xi32, #tpu.memory_space<hbm>>) dst(%dma_wait3A_147 : memref<9680xi32, #tpu.memory_space<vmem>>)
    %scan3A = arith.constant 0 : i32
    %scan3A_149 = arith.constant 0 : i32
    %scan3A_150 = arith.constant 31 : i32
    %scan3A_151 = arith.addi %scan3A_149, %scan3A_150 : i32
    %scan3A_152 = arith.constant 1 : i32
    scf.for %scan3A_193 = %scan3A_149 to %scan3A_151 step %scan3A_152  : i32 {
      %mul3A_194 = arith.constant 4 : i32
      %mul3A_195 = arith.muli %mul3A_194, %scan3A_193 : i32
      %add3A_196 = arith.constant 0 : i32
      %add3A_197 = arith.addi %mul3A_195, %add3A_196 : i32
      %mul3A_198 = arith.constant 80 : i32
      %mul3A_199 = arith.muli %add3A_197, %mul3A_198 : i32
      %multiple_of3A_200 = tpu.assume_multiple %mul3A_199, 8 : i32
      %dma_wait3A_201 = arith.constant 0 : i32
      %dma_wait3A_202 = arith.constant 0 : i32
      %dma_wait3A_203 = arith.constant 0 : i32
      %dma_wait3A_204 = tpu.memref_slice %arg8[%dma_wait3A_201, %dma_wait3A_202, %dma_wait3A_203] : memref<4x80x64xi32, #tpu.memory_space<vmem>> -> memref<1x80x64xi32, #tpu.memory_space<vmem>>
      %dma_wait3A_205 = tpu.memref_squeeze %dma_wait3A_204 : memref<1x80x64xi32, #tpu.memory_space<vmem>> -> memref<80x64xi32, #tpu.memory_space<vmem>>
      %dma_wait3A_206 = tpu.memref_slice %arg6[%multiple_of3A_200] : memref<10000xi32, #tpu.memory_space<vmem>> -> memref<80xi32, #tpu.memory_space<vmem>>
      %dma_wait3A_207 = arith.constant 0 : i32
      %dma_wait3A_208 = arith.constant 0 : i32
      %dma_wait3A_209 = tpu.memref_slice %arg2[%dma_wait3A_207, %dma_wait3A_208] : memref<10000x64xi32, #tpu.memory_space<hbm>> -> memref<10000x64xi32, #tpu.memory_space<hbm>>
      tpu.wait_indirect_dma semaphore(%arg11 : memref<!tpu.dma_semaphore, #tpu.memory_space<semaphore_mem>>) src(%dma_wait3A_209 : memref<10000x64xi32, #tpu.memory_space<hbm>>) dst(%dma_wait3A_205 : memref<80x64xi32, #tpu.memory_space<vmem>>)
      %dma_wait3A_210 = arith.constant 0 : i32
      %dma_wait3A_211 = arith.constant 0 : i32
      %dma_wait3A_212 = arith.constant 0 : i32
      %dma_wait3A_213 = tpu.memref_slice %arg9[%dma_wait3A_210, %dma_wait3A_211, %dma_wait3A_212] : memref<4x80x64xi32, #tpu.memory_space<vmem>> -> memref<1x80x64xi32, #tpu.memory_space<vmem>>
      %dma_wait3A_214 = tpu.memref_squeeze %dma_wait3A_213 : memref<1x80x64xi32, #tpu.memory_space<vmem>> -> memref<80x64xi32, #tpu.memory_space<vmem>>
      %dma_wait3A_215 = tpu.memref_slice %arg7[%multiple_of3A_200] : memref<10000xi32, #tpu.memory_space<vmem>> -> memref<80xi32, #tpu.memory_space<vmem>>
      %dma_wait3A_216 = arith.constant 0 : i32
      %dma_wait3A_217 = arith.constant 0 : i32
      %dma_wait3A_218 = tpu.memref_slice %arg2[%dma_wait3A_216, %dma_wait3A_217] : memref<10000x64xi32, #tpu.memory_space<hbm>> -> memref<10000x64xi32, #tpu.memory_space<hbm>>
      tpu.wait_indirect_dma semaphore(%arg11 : memref<!tpu.dma_semaphore, #tpu.memory_space<semaphore_mem>>) src(%dma_wait3A_218 : memref<10000x64xi32, #tpu.memory_space<hbm>>) dst(%dma_wait3A_214 : memref<80x64xi32, #tpu.memory_space<vmem>>)
      %mul3A_219 = arith.constant 80 : i32
      %mul3A_220 = arith.muli %add3A_197, %mul3A_219 : i32
      %broadcast_in_dim3A_221 = arith.constant -65536 : i32
      %broadcast_in_dim3A_222 = vector.broadcast %broadcast_in_dim3A_221 : i32 to vector<16xi32>
      %scan3A_223 = arith.constant 0 : i32
      %scan3A_224 = arith.constant 0 : i32
      %scan3A_225 = arith.constant 0 : i32
      %scan3A_226 = arith.constant 32 : i32
      %scan3A_227 = arith.addi %scan3A_225, %scan3A_226 : i32
      %scan3A_228 = arith.constant 1 : i32
      %scan3A_229:5 = scf.for %scan3A_457 = %scan3A_225 to %scan3A_227 step %scan3A_228 iter_args(%scan3A_458 = %broadcast_in_dim3A_18, %scan3A_459 = %broadcast_in_dim3A_18, %scan3A_460 = %broadcast_in_dim3A_18, %scan3A_461 = %broadcast_in_dim3A_18, %scan3A_462 = %broadcast_in_dim3A_18) -> (vector<16xf32>, vector<16xf32>, vector<16xf32>, vector<16xf32>, vector<16xf32>)  : i32 {
        %mul3A_463 = arith.constant 2 : i32
        %mul3A_464 = arith.muli %scan3A_457, %mul3A_463 : i32
        %add3A_465 = arith.constant 0 : i32
        %add3A_466 = arith.addi %mul3A_464, %add3A_465 : i32
        %add3A_467 = vector.broadcast %add3A_466 : i32 to vector<16xi32>
        %add3A_468 = arith.addi %iota3A, %add3A_467 : vector<16xi32>
        %and3A = arith.constant 63 : i32
        %and3A_469 = vector.broadcast %and3A : i32 to vector<16xi32>
        %and3A_470 = arith.andi %add3A_468, %and3A_469 : vector<16xi32>
        %gather3A = arith.constant 0 : i32
        %gather3A_471 = arith.constant 0 : i32
        %gather3A_472 = tpu.memref_slice %arg8[%scan3A_223, %gather3A, %gather3A_471] : memref<4x80x64xi32, #tpu.memory_space<vmem>> -> memref<1x80x64xi32, #tpu.memory_space<vmem>>
        %gather3A_473 = tpu.memref_squeeze %gather3A_472 : memref<1x80x64xi32, #tpu.memory_space<vmem>> -> memref<80x64xi32, #tpu.memory_space<vmem>>
        %gather3A_474 = tpu.vector_load_idx %gather3A_473[%add3A_5, %and3A_470] : memref<80x64xi32, #tpu.memory_space<vmem>>[vector<16xi32>, vector<16xi32>], vector<16xi32>,
        %gather3A_475 = arith.constant 0 : i32
        %gather3A_476 = arith.constant 0 : i32
        %gather3A_477 = tpu.memref_slice %arg9[%scan3A_224, %gather3A_475, %gather3A_476] : memref<4x80x64xi32, #tpu.memory_space<vmem>> -> memref<1x80x64xi32, #tpu.memory_space<vmem>>
        %gather3A_478 = tpu.memref_squeeze %gather3A_477 : memref<1x80x64xi32, #tpu.memory_space<vmem>> -> memref<80x64xi32, #tpu.memory_space<vmem>>
        %gather3A_479 = tpu.vector_load_idx %gather3A_478[%add3A_5, %and3A_470] : memref<80x64xi32, #tpu.memory_space<vmem>>[vector<16xi32>, vector<16xi32>], vector<16xi32>,
        %shift_left3A = arith.constant 16 : i32
        %shift_left3A_480 = vector.broadcast %shift_left3A : i32 to vector<16xi32>
        %shift_left3A_481 = arith.shli %gather3A_474, %shift_left3A_480 : vector<16xi32>
        %bitcast3A = vector.bitcast %shift_left3A_481 : vector<16xi32> to vector<16xf32>
        %and3A_482 = arith.andi %gather3A_474, %broadcast_in_dim3A_222 : vector<16xi32>
        %bitcast3A_483 = vector.bitcast %and3A_482 : vector<16xi32> to vector<16xf32>
        %shift_left3A_484 = arith.constant 16 : i32
        %shift_left3A_485 = vector.broadcast %shift_left3A_484 : i32 to vector<16xi32>
        %shift_left3A_486 = arith.shli %gather3A_479, %shift_left3A_485 : vector<16xi32>
        %bitcast3A_487 = vector.bitcast %shift_left3A_486 : vector<16xi32> to vector<16xf32>
        %and3A_488 = arith.andi %gather3A_479, %broadcast_in_dim3A_222 : vector<16xi32>
        %bitcast3A_489 = vector.bitcast %and3A_488 : vector<16xi32> to vector<16xf32>
        %mul3A_490 = arith.mulf %bitcast3A, %bitcast3A_487 : vector<16xf32>
        %add3A_491 = arith.addf %scan3A_458, %mul3A_490 : vector<16xf32>
        %mul3A_492 = arith.mulf %bitcast3A_483, %bitcast3A_489 : vector<16xf32>
        %add3A_493 = arith.addf %add3A_491, %mul3A_492 : vector<16xf32>
        %gather3A_494 = arith.constant 0 : i32
        %gather3A_495 = arith.constant 0 : i32
        %gather3A_496 = tpu.memref_slice %arg8[%scan3A_223, %gather3A_494, %gather3A_495] : memref<4x80x64xi32, #tpu.memory_space<vmem>> -> memref<1x80x64xi32, #tpu.memory_space<vmem>>
        %gather3A_497 = tpu.memref_squeeze %gather3A_496 : memref<1x80x64xi32, #tpu.memory_space<vmem>> -> memref<80x64xi32, #tpu.memory_space<vmem>>
        %gather3A_498 = tpu.vector_load_idx %gather3A_497[%add3A_8, %and3A_470] : memref<80x64xi32, #tpu.memory_space<vmem>>[vector<16xi32>, vector<16xi32>], vector<16xi32>,
        %gather3A_499 = arith.constant 0 : i32
        %gather3A_500 = arith.constant 0 : i32
        %gather3A_501 = tpu.memref_slice %arg9[%scan3A_224, %gather3A_499, %gather3A_500] : memref<4x80x64xi32, #tpu.memory_space<vmem>> -> memref<1x80x64xi32, #tpu.memory_space<vmem>>
        %gather3A_502 = tpu.memref_squeeze %gather3A_501 : memref<1x80x64xi32, #tpu.memory_space<vmem>> -> memref<80x64xi32, #tpu.memory_space<vmem>>
        %gather3A_503 = tpu.vector_load_idx %gather3A_502[%add3A_8, %and3A_470] : memref<80x64xi32, #tpu.memory_space<vmem>>[vector<16xi32>, vector<16xi32>], vector<16xi32>,
        %shift_left3A_504 = arith.constant 16 : i32
        %shift_left3A_505 = vector.broadcast %shift_left3A_504 : i32 to vector<16xi32>
        %shift_left3A_506 = arith.shli %gather3A_498, %shift_left3A_505 : vector<16xi32>
        %bitcast3A_507 = vector.bitcast %shift_left3A_506 : vector<16xi32> to vector<16xf32>
        %and3A_508 = arith.andi %gather3A_498, %broadcast_in_dim3A_222 : vector<16xi32>
        %bitcast3A_509 = vector.bitcast %and3A_508 : vector<16xi32> to vector<16xf32>
        %shift_left3A_510 = arith.constant 16 : i32
        %shift_left3A_511 = vector.broadcast %shift_left3A_510 : i32 to vector<16xi32>
        %shift_left3A_512 = arith.shli %gather3A_503, %shift_left3A_511 : vector<16xi32>
        %bitcast3A_513 = vector.bitcast %shift_left3A_512 : vector<16xi32> to vector<16xf32>
        %and3A_514 = arith.andi %gather3A_503, %broadcast_in_dim3A_222 : vector<16xi32>
        %bitcast3A_515 = vector.bitcast %and3A_514 : vector<16xi32> to vector<16xf32>
        %mul3A_516 = arith.mulf %bitcast3A_507, %bitcast3A_513 : vector<16xf32>
        %add3A_517 = arith.addf %scan3A_459, %mul3A_516 : vector<16xf32>
        %mul3A_518 = arith.mulf %bitcast3A_509, %bitcast3A_515 : vector<16xf32>
        %add3A_519 = arith.addf %add3A_517, %mul3A_518 : vector<16xf32>
        %gather3A_520 = arith.constant 0 : i32
        %gather3A_521 = arith.constant 0 : i32
        %gather3A_522 = tpu.memref_slice %arg8[%scan3A_223, %gather3A_520, %gather3A_521] : memref<4x80x64xi32, #tpu.memory_space<vmem>> -> memref<1x80x64xi32, #tpu.memory_space<vmem>>
        %gather3A_523 = tpu.memref_squeeze %gather3A_522 : memref<1x80x64xi32, #tpu.memory_space<vmem>> -> memref<80x64xi32, #tpu.memory_space<vmem>>
        %gather3A_524 = tpu.vector_load_idx %gather3A_523[%add3A_11, %and3A_470] : memref<80x64xi32, #tpu.memory_space<vmem>>[vector<16xi32>, vector<16xi32>], vector<16xi32>,
        %gather3A_525 = arith.constant 0 : i32
        %gather3A_526 = arith.constant 0 : i32
        %gather3A_527 = tpu.memref_slice %arg9[%scan3A_224, %gather3A_525, %gather3A_526] : memref<4x80x64xi32, #tpu.memory_space<vmem>> -> memref<1x80x64xi32, #tpu.memory_space<vmem>>
        %gather3A_528 = tpu.memref_squeeze %gather3A_527 : memref<1x80x64xi32, #tpu.memory_space<vmem>> -> memref<80x64xi32, #tpu.memory_space<vmem>>
        %gather3A_529 = tpu.vector_load_idx %gather3A_528[%add3A_11, %and3A_470] : memref<80x64xi32, #tpu.memory_space<vmem>>[vector<16xi32>, vector<16xi32>], vector<16xi32>,
        %shift_left3A_530 = arith.constant 16 : i32
        %shift_left3A_531 = vector.broadcast %shift_left3A_530 : i32 to vector<16xi32>
        %shift_left3A_532 = arith.shli %gather3A_524, %shift_left3A_531 : vector<16xi32>
        %bitcast3A_533 = vector.bitcast %shift_left3A_532 : vector<16xi32> to vector<16xf32>
        %and3A_534 = arith.andi %gather3A_524, %broadcast_in_dim3A_222 : vector<16xi32>
        %bitcast3A_535 = vector.bitcast %and3A_534 : vector<16xi32> to vector<16xf32>
        %shift_left3A_536 = arith.constant 16 : i32
        %shift_left3A_537 = vector.broadcast %shift_left3A_536 : i32 to vector<16xi32>
        %shift_left3A_538 = arith.shli %gather3A_529, %shift_left3A_537 : vector<16xi32>
        %bitcast3A_539 = vector.bitcast %shift_left3A_538 : vector<16xi32> to vector<16xf32>
        %and3A_540 = arith.andi %gather3A_529, %broadcast_in_dim3A_222 : vector<16xi32>
        %bitcast3A_541 = vector.bitcast %and3A_540 : vector<16xi32> to vector<16xf32>
        %mul3A_542 = arith.mulf %bitcast3A_533, %bitcast3A_539 : vector<16xf32>
        %add3A_543 = arith.addf %scan3A_460, %mul3A_542 : vector<16xf32>
        %mul3A_544 = arith.mulf %bitcast3A_535, %bitcast3A_541 : vector<16xf32>
        %add3A_545 = arith.addf %add3A_543, %mul3A_544 : vector<16xf32>
        %gather3A_546 = arith.constant 0 : i32
        %gather3A_547 = arith.constant 0 : i32
        %gather3A_548 = tpu.memref_slice %arg8[%scan3A_223, %gather3A_546, %gather3A_547] : memref<4x80x64xi32, #tpu.memory_space<vmem>> -> memref<1x80x64xi32, #tpu.memory_space<vmem>>
        %gather3A_549 = tpu.memref_squeeze %gather3A_548 : memref<1x80x64xi32, #tpu.memory_space<vmem>> -> memref<80x64xi32, #tpu.memory_space<vmem>>
        %gather3A_550 = tpu.vector_load_idx %gather3A_549[%add3A_14, %and3A_470] : memref<80x64xi32, #tpu.memory_space<vmem>>[vector<16xi32>, vector<16xi32>], vector<16xi32>,
        %gather3A_551 = arith.constant 0 : i32
        %gather3A_552 = arith.constant 0 : i32
        %gather3A_553 = tpu.memref_slice %arg9[%scan3A_224, %gather3A_551, %gather3A_552] : memref<4x80x64xi32, #tpu.memory_space<vmem>> -> memref<1x80x64xi32, #tpu.memory_space<vmem>>
        %gather3A_554 = tpu.memref_squeeze %gather3A_553 : memref<1x80x64xi32, #tpu.memory_space<vmem>> -> memref<80x64xi32, #tpu.memory_space<vmem>>
        %gather3A_555 = tpu.vector_load_idx %gather3A_554[%add3A_14, %and3A_470] : memref<80x64xi32, #tpu.memory_space<vmem>>[vector<16xi32>, vector<16xi32>], vector<16xi32>,
        %shift_left3A_556 = arith.constant 16 : i32
        %shift_left3A_557 = vector.broadcast %shift_left3A_556 : i32 to vector<16xi32>
        %shift_left3A_558 = arith.shli %gather3A_550, %shift_left3A_557 : vector<16xi32>
        %bitcast3A_559 = vector.bitcast %shift_left3A_558 : vector<16xi32> to vector<16xf32>
        %and3A_560 = arith.andi %gather3A_550, %broadcast_in_dim3A_222 : vector<16xi32>
        %bitcast3A_561 = vector.bitcast %and3A_560 : vector<16xi32> to vector<16xf32>
        %shift_left3A_562 = arith.constant 16 : i32
        %shift_left3A_563 = vector.broadcast %shift_left3A_562 : i32 to vector<16xi32>
        %shift_left3A_564 = arith.shli %gather3A_555, %shift_left3A_563 : vector<16xi32>
        %bitcast3A_565 = vector.bitcast %shift_left3A_564 : vector<16xi32> to vector<16xf32>
        %and3A_566 = arith.andi %gather3A_555, %broadcast_in_dim3A_222 : vector<16xi32>
        %bitcast3A_567 = vector.bitcast %and3A_566 : vector<16xi32> to vector<16xf32>
        %mul3A_568 = arith.mulf %bitcast3A_559, %bitcast3A_565 : vector<16xf32>
        %add3A_569 = arith.addf %scan3A_461, %mul3A_568 : vector<16xf32>
        %mul3A_570 = arith.mulf %bitcast3A_561, %bitcast3A_567 : vector<16xf32>
        %add3A_571 = arith.addf %add3A_569, %mul3A_570 : vector<16xf32>
        %gather3A_572 = arith.constant 0 : i32
        %gather3A_573 = arith.constant 0 : i32
        %gather3A_574 = tpu.memref_slice %arg8[%scan3A_223, %gather3A_572, %gather3A_573] : memref<4x80x64xi32, #tpu.memory_space<vmem>> -> memref<1x80x64xi32, #tpu.memory_space<vmem>>
        %gather3A_575 = tpu.memref_squeeze %gather3A_574 : memref<1x80x64xi32, #tpu.memory_space<vmem>> -> memref<80x64xi32, #tpu.memory_space<vmem>>
        %gather3A_576 = tpu.vector_load_idx %gather3A_575[%add3A_17, %and3A_470] : memref<80x64xi32, #tpu.memory_space<vmem>>[vector<16xi32>, vector<16xi32>], vector<16xi32>,
        %gather3A_577 = arith.constant 0 : i32
        %gather3A_578 = arith.constant 0 : i32
        %gather3A_579 = tpu.memref_slice %arg9[%scan3A_224, %gather3A_577, %gather3A_578] : memref<4x80x64xi32, #tpu.memory_space<vmem>> -> memref<1x80x64xi32, #tpu.memory_space<vmem>>
        %gather3A_580 = tpu.memref_squeeze %gather3A_579 : memref<1x80x64xi32, #tpu.memory_space<vmem>> -> memref<80x64xi32, #tpu.memory_space<vmem>>
        %gather3A_581 = tpu.vector_load_idx %gather3A_580[%add3A_17, %and3A_470] : memref<80x64xi32, #tpu.memory_space<vmem>>[vector<16xi32>, vector<16xi32>], vector<16xi32>,
        %shift_left3A_582 = arith.constant 16 : i32
        %shift_left3A_583 = vector.broadcast %shift_left3A_582 : i32 to vector<16xi32>
        %shift_left3A_584 = arith.shli %gather3A_576, %shift_left3A_583 : vector<16xi32>
        %bitcast3A_585 = vector.bitcast %shift_left3A_584 : vector<16xi32> to vector<16xf32>
        %and3A_586 = arith.andi %gather3A_576, %broadcast_in_dim3A_222 : vector<16xi32>
        %bitcast3A_587 = vector.bitcast %and3A_586 : vector<16xi32> to vector<16xf32>
        %shift_left3A_588 = arith.constant 16 : i32
        %shift_left3A_589 = vector.broadcast %shift_left3A_588 : i32 to vector<16xi32>
        %shift_left3A_590 = arith.shli %gather3A_581, %shift_left3A_589 : vector<16xi32>
        %bitcast3A_591 = vector.bitcast %shift_left3A_590 : vector<16xi32> to vector<16xf32>
        %and3A_592 = arith.andi %gather3A_581, %broadcast_in_dim3A_222 : vector<16xi32>
        %bitcast3A_593 = vector.bitcast %and3A_592 : vector<16xi32> to vector<16xf32>
        %mul3A_594 = arith.mulf %bitcast3A_585, %bitcast3A_591 : vector<16xf32>
        %add3A_595 = arith.addf %scan3A_462, %mul3A_594 : vector<16xf32>
        %mul3A_596 = arith.mulf %bitcast3A_587, %bitcast3A_593 : vector<16xf32>
        %add3A_597 = arith.addf %add3A_595, %mul3A_596 : vector<16xf32>
        %mul3A_598 = arith.constant 2 : i32
        %mul3A_599 = arith.muli %scan3A_457, %mul3A_598 : i32
        %add3A_600 = arith.constant 1 : i32
        %add3A_601 = arith.addi %mul3A_599, %add3A_600 : i32
        %add3A_602 = vector.broadcast %add3A_601 : i32 to vector<16xi32>
        %add3A_603 = arith.addi %iota3A, %add3A_602 : vector<16xi32>
        %and3A_604 = arith.constant 63 : i32
        %and3A_605 = vector.broadcast %and3A_604 : i32 to vector<16xi32>
        %and3A_606 = arith.andi %add3A_603, %and3A_605 : vector<16xi32>
        %gather3A_607 = arith.constant 0 : i32
        %gather3A_608 = arith.constant 0 : i32
        %gather3A_609 = tpu.memref_slice %arg8[%scan3A_223, %gather3A_607, %gather3A_608] : memref<4x80x64xi32, #tpu.memory_space<vmem>> -> memref<1x80x64xi32, #tpu.memory_space<vmem>>
        %gather3A_610 = tpu.memref_squeeze %gather3A_609 : memref<1x80x64xi32, #tpu.memory_space<vmem>> -> memref<80x64xi32, #tpu.memory_space<vmem>>
        %gather3A_611 = tpu.vector_load_idx %gather3A_610[%add3A_5, %and3A_606] : memref<80x64xi32, #tpu.memory_space<vmem>>[vector<16xi32>, vector<16xi32>], vector<16xi32>,
        %gather3A_612 = arith.constant 0 : i32
        %gather3A_613 = arith.constant 0 : i32
        %gather3A_614 = tpu.memref_slice %arg9[%scan3A_224, %gather3A_612, %gather3A_613] : memref<4x80x64xi32, #tpu.memory_space<vmem>> -> memref<1x80x64xi32, #tpu.memory_space<vmem>>
        %gather3A_615 = tpu.memref_squeeze %gather3A_614 : memref<1x80x64xi32, #tpu.memory_space<vmem>> -> memref<80x64xi32, #tpu.memory_space<vmem>>
        %gather3A_616 = tpu.vector_load_idx %gather3A_615[%add3A_5, %and3A_606] : memref<80x64xi32, #tpu.memory_space<vmem>>[vector<16xi32>, vector<16xi32>], vector<16xi32>,
        %shift_left3A_617 = arith.constant 16 : i32
        %shift_left3A_618 = vector.broadcast %shift_left3A_617 : i32 to vector<16xi32>
        %shift_left3A_619 = arith.shli %gather3A_611, %shift_left3A_618 : vector<16xi32>
        %bitcast3A_620 = vector.bitcast %shift_left3A_619 : vector<16xi32> to vector<16xf32>
        %and3A_621 = arith.andi %gather3A_611, %broadcast_in_dim3A_222 : vector<16xi32>
        %bitcast3A_622 = vector.bitcast %and3A_621 : vector<16xi32> to vector<16xf32>
        %shift_left3A_623 = arith.constant 16 : i32
        %shift_left3A_624 = vector.broadcast %shift_left3A_623 : i32 to vector<16xi32>
        %shift_left3A_625 = arith.shli %gather3A_616, %shift_left3A_624 : vector<16xi32>
        %bitcast3A_626 = vector.bitcast %shift_left3A_625 : vector<16xi32> to vector<16xf32>
        %and3A_627 = arith.andi %gather3A_616, %broadcast_in_dim3A_222 : vector<16xi32>
        %bitcast3A_628 = vector.bitcast %and3A_627 : vector<16xi32> to vector<16xf32>
        %mul3A_629 = arith.mulf %bitcast3A_620, %bitcast3A_626 : vector<16xf32>
        %add3A_630 = arith.addf %add3A_493, %mul3A_629 : vector<16xf32>
        %mul3A_631 = arith.mulf %bitcast3A_622, %bitcast3A_628 : vector<16xf32>
        %add3A_632 = arith.addf %add3A_630, %mul3A_631 : vector<16xf32>
        %gather3A_633 = arith.constant 0 : i32
        %gather3A_634 = arith.constant 0 : i32
        %gather3A_635 = tpu.memref_slice %arg8[%scan3A_223, %gather3A_633, %gather3A_634] : memref<4x80x64xi32, #tpu.memory_space<vmem>> -> memref<1x80x64xi32, #tpu.memory_space<vmem>>
        %gather3A_636 = tpu.memref_squeeze %gather3A_635 : memref<1x80x64xi32, #tpu.memory_space<vmem>> -> memref<80x64xi32, #tpu.memory_space<vmem>>
        %gather3A_637 = tpu.vector_load_idx %gather3A_636[%add3A_8, %and3A_606] : memref<80x64xi32, #tpu.memory_space<vmem>>[vector<16xi32>, vector<16xi32>], vector<16xi32>,
        %gather3A_638 = arith.constant 0 : i32
        %gather3A_639 = arith.constant 0 : i32
        %gather3A_640 = tpu.memref_slice %arg9[%scan3A_224, %gather3A_638, %gather3A_639] : memref<4x80x64xi32, #tpu.memory_space<vmem>> -> memref<1x80x64xi32, #tpu.memory_space<vmem>>
        %gather3A_641 = tpu.memref_squeeze %gather3A_640 : memref<1x80x64xi32, #tpu.memory_space<vmem>> -> memref<80x64xi32, #tpu.memory_space<vmem>>
        %gather3A_642 = tpu.vector_load_idx %gather3A_641[%add3A_8, %and3A_606] : memref<80x64xi32, #tpu.memory_space<vmem>>[vector<16xi32>, vector<16xi32>], vector<16xi32>,
        %shift_left3A_643 = arith.constant 16 : i32
        %shift_left3A_644 = vector.broadcast %shift_left3A_643 : i32 to vector<16xi32>
        %shift_left3A_645 = arith.shli %gather3A_637, %shift_left3A_644 : vector<16xi32>
        %bitcast3A_646 = vector.bitcast %shift_left3A_645 : vector<16xi32> to vector<16xf32>
        %and3A_647 = arith.andi %gather3A_637, %broadcast_in_dim3A_222 : vector<16xi32>
        %bitcast3A_648 = vector.bitcast %and3A_647 : vector<16xi32> to vector<16xf32>
        %shift_left3A_649 = arith.constant 16 : i32
        %shift_left3A_650 = vector.broadcast %shift_left3A_649 : i32 to vector<16xi32>
        %shift_left3A_651 = arith.shli %gather3A_642, %shift_left3A_650 : vector<16xi32>
        %bitcast3A_652 = vector.bitcast %shift_left3A_651 : vector<16xi32> to vector<16xf32>
        %and3A_653 = arith.andi %gather3A_642, %broadcast_in_dim3A_222 : vector<16xi32>
        %bitcast3A_654 = vector.bitcast %and3A_653 : vector<16xi32> to vector<16xf32>
        %mul3A_655 = arith.mulf %bitcast3A_646, %bitcast3A_652 : vector<16xf32>
        %add3A_656 = arith.addf %add3A_519, %mul3A_655 : vector<16xf32>
        %mul3A_657 = arith.mulf %bitcast3A_648, %bitcast3A_654 : vector<16xf32>
        %add3A_658 = arith.addf %add3A_656, %mul3A_657 : vector<16xf32>
        %gather3A_659 = arith.constant 0 : i32
        %gather3A_660 = arith.constant 0 : i32
        %gather3A_661 = tpu.memref_slice %arg8[%scan3A_223, %gather3A_659, %gather3A_660] : memref<4x80x64xi32, #tpu.memory_space<vmem>> -> memref<1x80x64xi32, #tpu.memory_space<vmem>>
        %gather3A_662 = tpu.memref_squeeze %gather3A_661 : memref<1x80x64xi32, #tpu.memory_space<vmem>> -> memref<80x64xi32, #tpu.memory_space<vmem>>
        %gather3A_663 = tpu.vector_load_idx %gather3A_662[%add3A_11, %and3A_606] : memref<80x64xi32, #tpu.memory_space<vmem>>[vector<16xi32>, vector<16xi32>], vector<16xi32>,
        %gather3A_664 = arith.constant 0 : i32
        %gather3A_665 = arith.constant 0 : i32
        %gather3A_666 = tpu.memref_slice %arg9[%scan3A_224, %gather3A_664, %gather3A_665] : memref<4x80x64xi32, #tpu.memory_space<vmem>> -> memref<1x80x64xi32, #tpu.memory_space<vmem>>
        %gather3A_667 = tpu.memref_squeeze %gather3A_666 : memref<1x80x64xi32, #tpu.memory_space<vmem>> -> memref<80x64xi32, #tpu.memory_space<vmem>>
        %gather3A_668 = tpu.vector_load_idx %gather3A_667[%add3A_11, %and3A_606] : memref<80x64xi32, #tpu.memory_space<vmem>>[vector<16xi32>, vector<16xi32>], vector<16xi32>,
        %shift_left3A_669 = arith.constant 16 : i32
        %shift_left3A_670 = vector.broadcast %shift_left3A_669 : i32 to vector<16xi32>
        %shift_left3A_671 = arith.shli %gather3A_663, %shift_left3A_670 : vector<16xi32>
        %bitcast3A_672 = vector.bitcast %shift_left3A_671 : vector<16xi32> to vector<16xf32>
        %and3A_673 = arith.andi %gather3A_663, %broadcast_in_dim3A_222 : vector<16xi32>
        %bitcast3A_674 = vector.bitcast %and3A_673 : vector<16xi32> to vector<16xf32>
        %shift_left3A_675 = arith.constant 16 : i32
        %shift_left3A_676 = vector.broadcast %shift_left3A_675 : i32 to vector<16xi32>
        %shift_left3A_677 = arith.shli %gather3A_668, %shift_left3A_676 : vector<16xi32>
        %bitcast3A_678 = vector.bitcast %shift_left3A_677 : vector<16xi32> to vector<16xf32>
        %and3A_679 = arith.andi %gather3A_668, %broadcast_in_dim3A_222 : vector<16xi32>
        %bitcast3A_680 = vector.bitcast %and3A_679 : vector<16xi32> to vector<16xf32>
        %mul3A_681 = arith.mulf %bitcast3A_672, %bitcast3A_678 : vector<16xf32>
        %add3A_682 = arith.addf %add3A_545, %mul3A_681 : vector<16xf32>
        %mul3A_683 = arith.mulf %bitcast3A_674, %bitcast3A_680 : vector<16xf32>
        %add3A_684 = arith.addf %add3A_682, %mul3A_683 : vector<16xf32>
        %gather3A_685 = arith.constant 0 : i32
        %gather3A_686 = arith.constant 0 : i32
        %gather3A_687 = tpu.memref_slice %arg8[%scan3A_223, %gather3A_685, %gather3A_686] : memref<4x80x64xi32, #tpu.memory_space<vmem>> -> memref<1x80x64xi32, #tpu.memory_space<vmem>>
        %gather3A_688 = tpu.memref_squeeze %gather3A_687 : memref<1x80x64xi32, #tpu.memory_space<vmem>> -> memref<80x64xi32, #tpu.memory_space<vmem>>
        %gather3A_689 = tpu.vector_load_idx %gather3A_688[%add3A_14, %and3A_606] : memref<80x64xi32, #tpu.memory_space<vmem>>[vector<16xi32>, vector<16xi32>], vector<16xi32>,
        %gather3A_690 = arith.constant 0 : i32
        %gather3A_691 = arith.constant 0 : i32
        %gather3A_692 = tpu.memref_slice %arg9[%scan3A_224, %gather3A_690, %gather3A_691] : memref<4x80x64xi32, #tpu.memory_space<vmem>> -> memref<1x80x64xi32, #tpu.memory_space<vmem>>
        %gather3A_693 = tpu.memref_squeeze %gather3A_692 : memref<1x80x64xi32, #tpu.memory_space<vmem>> -> memref<80x64xi32, #tpu.memory_space<vmem>>
        %gather3A_694 = tpu.vector_load_idx %gather3A_693[%add3A_14, %and3A_606] : memref<80x64xi32, #tpu.memory_space<vmem>>[vector<16xi32>, vector<16xi32>], vector<16xi32>,
        %shift_left3A_695 = arith.constant 16 : i32
        %shift_left3A_696 = vector.broadcast %shift_left3A_695 : i32 to vector<16xi32>
        %shift_left3A_697 = arith.shli %gather3A_689, %shift_left3A_696 : vector<16xi32>
        %bitcast3A_698 = vector.bitcast %shift_left3A_697 : vector<16xi32> to vector<16xf32>
        %and3A_699 = arith.andi %gather3A_689, %broadcast_in_dim3A_222 : vector<16xi32>
        %bitcast3A_700 = vector.bitcast %and3A_699 : vector<16xi32> to vector<16xf32>
        %shift_left3A_701 = arith.constant 16 : i32
        %shift_left3A_702 = vector.broadcast %shift_left3A_701 : i32 to vector<16xi32>
        %shift_left3A_703 = arith.shli %gather3A_694, %shift_left3A_702 : vector<16xi32>
        %bitcast3A_704 = vector.bitcast %shift_left3A_703 : vector<16xi32> to vector<16xf32>
        %and3A_705 = arith.andi %gather3A_694, %broadcast_in_dim3A_222 : vector<16xi32>
        %bitcast3A_706 = vector.bitcast %and3A_705 : vector<16xi32> to vector<16xf32>
        %mul3A_707 = arith.mulf %bitcast3A_698, %bitcast3A_704 : vector<16xf32>
        %add3A_708 = arith.addf %add3A_571, %mul3A_707 : vector<16xf32>
        %mul3A_709 = arith.mulf %bitcast3A_700, %bitcast3A_706 : vector<16xf32>
        %add3A_710 = arith.addf %add3A_708, %mul3A_709 : vector<16xf32>
        %gather3A_711 = arith.constant 0 : i32
        %gather3A_712 = arith.constant 0 : i32
        %gather3A_713 = tpu.memref_slice %arg8[%scan3A_223, %gather3A_711, %gather3A_712] : memref<4x80x64xi32, #tpu.memory_space<vmem>> -> memref<1x80x64xi32, #tpu.memory_space<vmem>>
        %gather3A_714 = tpu.memref_squeeze %gather3A_713 : memref<1x80x64xi32, #tpu.memory_space<vmem>> -> memref<80x64xi32, #tpu.memory_space<vmem>>
        %gather3A_715 = tpu.vector_load_idx %gather3A_714[%add3A_17, %and3A_606] : memref<80x64xi32, #tpu.memory_space<vmem>>[vector<16xi32>, vector<16xi32>], vector<16xi32>,
        %gather3A_716 = arith.constant 0 : i32
        %gather3A_717 = arith.constant 0 : i32
        %gather3A_718 = tpu.memref_slice %arg9[%scan3A_224, %gather3A_716, %gather3A_717] : memref<4x80x64xi32, #tpu.memory_space<vmem>> -> memref<1x80x64xi32, #tpu.memory_space<vmem>>
        %gather3A_719 = tpu.memref_squeeze %gather3A_718 : memref<1x80x64xi32, #tpu.memory_space<vmem>> -> memref<80x64xi32, #tpu.memory_space<vmem>>
        %gather3A_720 = tpu.vector_load_idx %gather3A_719[%add3A_17, %and3A_606] : memref<80x64xi32, #tpu.memory_space<vmem>>[vector<16xi32>, vector<16xi32>], vector<16xi32>,
        %shift_left3A_721 = arith.constant 16 : i32
        %shift_left3A_722 = vector.broadcast %shift_left3A_721 : i32 to vector<16xi32>
        %shift_left3A_723 = arith.shli %gather3A_715, %shift_left3A_722 : vector<16xi32>
        %bitcast3A_724 = vector.bitcast %shift_left3A_723 : vector<16xi32> to vector<16xf32>
        %and3A_725 = arith.andi %gather3A_715, %broadcast_in_dim3A_222 : vector<16xi32>
        %bitcast3A_726 = vector.bitcast %and3A_725 : vector<16xi32> to vector<16xf32>
        %shift_left3A_727 = arith.constant 16 : i32
        %shift_left3A_728 = vector.broadcast %shift_left3A_727 : i32 to vector<16xi32>
        %shift_left3A_729 = arith.shli %gather3A_720, %shift_left3A_728 : vector<16xi32>
        %bitcast3A_730 = vector.bitcast %shift_left3A_729 : vector<16xi32> to vector<16xf32>
        %and3A_731 = arith.andi %gather3A_720, %broadcast_in_dim3A_222 : vector<16xi32>
        %bitcast3A_732 = vector.bitcast %and3A_731 : vector<16xi32> to vector<16xf32>
        %mul3A_733 = arith.mulf %bitcast3A_724, %bitcast3A_730 : vector<16xf32>
        %add3A_734 = arith.addf %add3A_597, %mul3A_733 : vector<16xf32>
        %mul3A_735 = arith.mulf %bitcast3A_726, %bitcast3A_732 : vector<16xf32>
        %add3A_736 = arith.addf %add3A_734, %mul3A_735 : vector<16xf32>
        scf.yield %add3A_632, %add3A_658, %add3A_684, %add3A_710, %add3A_736 : vector<16xf32>, vector<16xf32>, vector<16xf32>, vector<16xf32>, vector<16xf32>
      }
      %scan3A_230 = arith.constant 32 : i32
      %add3A_231 = arith.constant 0 : i32
      %add3A_232 = arith.addi %mul3A_220, %add3A_231 : i32
      %swap3A_233 = arith.index_cast %add3A_232 : i32 to index
      %swap3A_234 = tpu.vector_load %arg10[%swap3A_233] {strides = array<i32>} : memref<10000xf32, #tpu.memory_space<vmem>>, vector<16xf32>,
      tpu.vector_store %arg10[%swap3A_233], %scan3A_229#0 {strides = array<i32>} : memref<10000xf32, #tpu.memory_space<vmem>>, vector<16xf32>,
      %add3A_235 = arith.constant 16 : i32
      %add3A_236 = arith.addi %mul3A_220, %add3A_235 : i32
      %swap3A_237 = arith.index_cast %add3A_236 : i32 to index
      %swap3A_238 = tpu.vector_load %arg10[%swap3A_237] {strides = array<i32>} : memref<10000xf32, #tpu.memory_space<vmem>>, vector<16xf32>,
      tpu.vector_store %arg10[%swap3A_237], %scan3A_229#1 {strides = array<i32>} : memref<10000xf32, #tpu.memory_space<vmem>>, vector<16xf32>,
      %add3A_239 = arith.constant 32 : i32
      %add3A_240 = arith.addi %mul3A_220, %add3A_239 : i32
      %swap3A_241 = arith.index_cast %add3A_240 : i32 to index
      %swap3A_242 = tpu.vector_load %arg10[%swap3A_241] {strides = array<i32>} : memref<10000xf32, #tpu.memory_space<vmem>>, vector<16xf32>,
      tpu.vector_store %arg10[%swap3A_241], %scan3A_229#2 {strides = array<i32>} : memref<10000xf32, #tpu.memory_space<vmem>>, vector<16xf32>,
      %add3A_243 = arith.constant 48 : i32
      %add3A_244 = arith.addi %mul3A_220, %add3A_243 : i32
      %swap3A_245 = arith.index_cast %add3A_244 : i32 to index
      %swap3A_246 = tpu.vector_load %arg10[%swap3A_245] {strides = array<i32>} : memref<10000xf32, #tpu.memory_space<vmem>>, vector<16xf32>,
      tpu.vector_store %arg10[%swap3A_245], %scan3A_229#3 {strides = array<i32>} : memref<10000xf32, #tpu.memory_space<vmem>>, vector<16xf32>,
      %add3A_247 = arith.constant 64 : i32
      %add3A_248 = arith.addi %mul3A_220, %add3A_247 : i32
      %swap3A_249 = arith.index_cast %add3A_248 : i32 to index
      %swap3A_250 = tpu.vector_load %arg10[%swap3A_249] {strides = array<i32>} : memref<10000xf32, #tpu.memory_space<vmem>>, vector<16xf32>,
      tpu.vector_store %arg10[%swap3A_249], %scan3A_229#4 {strides = array<i32>} : memref<10000xf32, #tpu.memory_space<vmem>>, vector<16xf32>,
      %add3A_251 = arith.constant 4 : i32
      %add3A_252 = arith.addi %add3A_197, %add3A_251 : i32
      %mul3A_253 = arith.constant 80 : i32
      %mul3A_254 = arith.muli %add3A_252, %mul3A_253 : i32
      %multiple_of3A_255 = tpu.assume_multiple %mul3A_254, 8 : i32
      %dma_start3A_256 = arith.constant 0 : i32
      %dma_start3A_257 = arith.constant 0 : i32
      %dma_start3A_258 = arith.constant 0 : i32
      %dma_start3A_259 = tpu.memref_slice %arg8[%dma_start3A_256, %dma_start3A_257, %dma_start3A_258] : memref<4x80x64xi32, #tpu.memory_space<vmem>> -> memref<1x80x64xi32, #tpu.memory_space<vmem>>
      %dma_start3A_260 = tpu.memref_squeeze %dma_start3A_259 : memref<1x80x64xi32, #tpu.memory_space<vmem>> -> memref<80x64xi32, #tpu.memory_space<vmem>>
      %dma_start3A_261 = tpu.memref_slice %arg6[%multiple_of3A_255] : memref<10000xi32, #tpu.memory_space<vmem>> -> memref<80xi32, #tpu.memory_space<vmem>>
      %dma_start3A_262 = arith.constant 0 : i32
      %dma_start3A_263 = arith.constant 0 : i32
      %dma_start3A_264 = tpu.memref_slice %arg2[%dma_start3A_262, %dma_start3A_263] : memref<10000x64xi32, #tpu.memory_space<hbm>> -> memref<10000x64xi32, #tpu.memory_space<hbm>>
      tpu.enqueue_indirect_dma source(%dma_start3A_264 : memref<10000x64xi32, #tpu.memory_space<hbm>>) target(%dma_start3A_260 : memref<80x64xi32, #tpu.memory_space<vmem>>) offsets(%dma_start3A_261 : memref<80xi32, #tpu.memory_space<vmem>>) semaphore(%arg11 : memref<!tpu.dma_semaphore, #tpu.memory_space<semaphore_mem>>)
      %dma_start3A_265 = arith.constant 0 : i32
      %dma_start3A_266 = arith.constant 0 : i32
      %dma_start3A_267 = arith.constant 0 : i32
      %dma_start3A_268 = tpu.memref_slice %arg9[%dma_start3A_265, %dma_start3A_266, %dma_start3A_267] : memref<4x80x64xi32, #tpu.memory_space<vmem>> -> memref<1x80x64xi32, #tpu.memory_space<vmem>>
      %dma_start3A_269 = tpu.memref_squeeze %dma_start3A_268 : memref<1x80x64xi32, #tpu.memory_space<vmem>> -> memref<80x64xi32, #tpu.memory_space<vmem>>
      %dma_start3A_270 = tpu.memref_slice %arg7[%multiple_of3A_255] : memref<10000xi32, #tpu.memory_space<vmem>> -> memref<80xi32, #tpu.memory_space<vmem>>
      %dma_start3A_271 = arith.constant 0 : i32
      %dma_start3A_272 = arith.constant 0 : i32
      %dma_start3A_273 = tpu.memref_slice %arg2[%dma_start3A_271, %dma_start3A_272] : memref<10000x64xi32, #tpu.memory_space<hbm>> -> memref<10000x64xi32, #tpu.memory_space<hbm>>
      tpu.enqueue_indirect_dma source(%dma_start3A_273 : memref<10000x64xi32, #tpu.memory_space<hbm>>) target(%dma_start3A_269 : memref<80x64xi32, #tpu.memory_space<vmem>>) offsets(%dma_start3A_270 : memref<80xi32, #tpu.memory_space<vmem>>) semaphore(%arg11 : memref<!tpu.dma_semaphore, #tpu.memory_space<semaphore_mem>>)
      %mul3A_274 = arith.constant 4 : i32
      %mul3A_275 = arith.muli %mul3A_274, %scan3A_193 : i32
      %add3A_276 = arith.constant 1 : i32
      %add3A_277 = arith.addi %mul3A_275, %add3A_276 : i32
      %mul3A_278 = arith.constant 80 : i32
      %mul3A_279 = arith.muli %add3A_277, %mul3A_278 : i32
      %multiple_of3A_280 = tpu.assume_multiple %mul3A_279, 8 : i32
      %dma_wait3A_281 = arith.constant 1 : i32
      %dma_wait3A_282 = arith.constant 0 : i32
      %dma_wait3A_283 = arith.constant 0 : i32
      %dma_wait3A_284 = tpu.memref_slice %arg8[%dma_wait3A_281, %dma_wait3A_282, %dma_wait3A_283] : memref<4x80x64xi32, #tpu.memory_space<vmem>> -> memref<1x80x64xi32, #tpu.memory_space<vmem>>
      %dma_wait3A_285 = tpu.memref_squeeze %dma_wait3A_284 : memref<1x80x64xi32, #tpu.memory_space<vmem>> -> memref<80x64xi32, #tpu.memory_space<vmem>>
      %dma_wait3A_286 = tpu.memref_slice %arg6[%multiple_of3A_280] : memref<10000xi32, #tpu.memory_space<vmem>> -> memref<80xi32, #tpu.memory_space<vmem>>
      %dma_wait3A_287 = arith.constant 0 : i32
      %dma_wait3A_288 = arith.constant 0 : i32
      %dma_wait3A_289 = tpu.memref_slice %arg2[%dma_wait3A_287, %dma_wait3A_288] : memref<10000x64xi32, #tpu.memory_space<hbm>> -> memref<10000x64xi32, #tpu.memory_space<hbm>>
      tpu.wait_indirect_dma semaphore(%arg12 : memref<!tpu.dma_semaphore, #tpu.memory_space<semaphore_mem>>) src(%dma_wait3A_289 : memref<10000x64xi32, #tpu.memory_space<hbm>>) dst(%dma_wait3A_285 : memref<80x64xi32, #tpu.memory_space<vmem>>)
      %dma_wait3A_290 = arith.constant 1 : i32
      %dma_wait3A_291 = arith.constant 0 : i32
      %dma_wait3A_292 = arith.constant 0 : i32
      %dma_wait3A_293 = tpu.memref_slice %arg9[%dma_wait3A_290, %dma_wait3A_291, %dma_wait3A_292] : memref<4x80x64xi32, #tpu.memory_space<vmem>> -> memref<1x80x64xi32, #tpu.memory_space<vmem>>
      %dma_wait3A_294 = tpu.memref_squeeze %dma_wait3A_293 : memref<1x80x64xi32, #tpu.memory_space<vmem>> -> memref<80x64xi32, #tpu.memory_space<vmem>>
      %dma_wait3A_295 = tpu.memref_slice %arg7[%multiple_of3A_280] : memref<10000xi32, #tpu.memory_space<vmem>> -> memref<80xi32, #tpu.memory_space<vmem>>
      %dma_wait3A_296 = arith.constant 0 : i32
      %dma_wait3A_297 = arith.constant 0 : i32
      %dma_wait3A_298 = tpu.memref_slice %arg2[%dma_wait3A_296, %dma_wait3A_297] : memref<10000x64xi32, #tpu.memory_space<hbm>> -> memref<10000x64xi32, #tpu.memory_space<hbm>>
      tpu.wait_indirect_dma semaphore(%arg12 : memref<!tpu.dma_semaphore, #tpu.memory_space<semaphore_mem>>) src(%dma_wait3A_298 : memref<10000x64xi32, #tpu.memory_space<hbm>>) dst(%dma_wait3A_294 : memref<80x64xi32, #tpu.memory_space<vmem>>)
      %mul3A_299 = arith.constant 80 : i32
      %mul3A_300 = arith.muli %add3A_277, %mul3A_299 : i32
      %broadcast_in_dim3A_301 = arith.constant -65536 : i32
      %broadcast_in_dim3A_302 = vector.broadcast %broadcast_in_dim3A_301 : i32 to vector<16xi32>
      %scan3A_303 = arith.constant 1 : i32
      %scan3A_304 = arith.constant 1 : i32
      %scan3A_305 = arith.constant 0 : i32
      %scan3A_306 = arith.constant 32 : i32
      %scan3A_307 = arith.addi %scan3A_305, %scan3A_306 : i32
      %scan3A_308 = arith.constant 1 : i32
      %scan3A_309:5 = scf.for %scan3A_457 = %scan3A_305 to %scan3A_307 step %scan3A_308 iter_args(%scan3A_458 = %broadcast_in_dim3A_18, %scan3A_459 = %broadcast_in_dim3A_18, %scan3A_460 = %broadcast_in_dim3A_18, %scan3A_461 = %broadcast_in_dim3A_18, %scan3A_462 = %broadcast_in_dim3A_18) -> (vector<16xf32>, vector<16xf32>, vector<16xf32>, vector<16xf32>, vector<16xf32>)  : i32 {
        %mul3A_463 = arith.constant 2 : i32
        %mul3A_464 = arith.muli %scan3A_457, %mul3A_463 : i32
        %add3A_465 = arith.constant 0 : i32
        %add3A_466 = arith.addi %mul3A_464, %add3A_465 : i32
        %add3A_467 = vector.broadcast %add3A_466 : i32 to vector<16xi32>
        %add3A_468 = arith.addi %iota3A, %add3A_467 : vector<16xi32>
        %and3A = arith.constant 63 : i32
        %and3A_469 = vector.broadcast %and3A : i32 to vector<16xi32>
        %and3A_470 = arith.andi %add3A_468, %and3A_469 : vector<16xi32>
        %gather3A = arith.constant 0 : i32
        %gather3A_471 = arith.constant 0 : i32
        %gather3A_472 = tpu.memref_slice %arg8[%scan3A_303, %gather3A, %gather3A_471] : memref<4x80x64xi32, #tpu.memory_space<vmem>> -> memref<1x80x64xi32, #tpu.memory_space<vmem>>
        %gather3A_473 = tpu.memref_squeeze %gather3A_472 : memref<1x80x64xi32, #tpu.memory_space<vmem>> -> memref<80x64xi32, #tpu.memory_space<vmem>>
        %gather3A_474 = tpu.vector_load_idx %gather3A_473[%add3A_5, %and3A_470] : memref<80x64xi32, #tpu.memory_space<vmem>>[vector<16xi32>, vector<16xi32>], vector<16xi32>,
        %gather3A_475 = arith.constant 0 : i32
        %gather3A_476 = arith.constant 0 : i32
        %gather3A_477 = tpu.memref_slice %arg9[%scan3A_304, %gather3A_475, %gather3A_476] : memref<4x80x64xi32, #tpu.memory_space<vmem>> -> memref<1x80x64xi32, #tpu.memory_space<vmem>>
        %gather3A_478 = tpu.memref_squeeze %gather3A_477 : memref<1x80x64xi32, #tpu.memory_space<vmem>> -> memref<80x64xi32, #tpu.memory_space<vmem>>
        %gather3A_479 = tpu.vector_load_idx %gather3A_478[%add3A_5, %and3A_470] : memref<80x64xi32, #tpu.memory_space<vmem>>[vector<16xi32>, vector<16xi32>], vector<16xi32>,
        %shift_left3A = arith.constant 16 : i32
        %shift_left3A_480 = vector.broadcast %shift_left3A : i32 to vector<16xi32>
        %shift_left3A_481 = arith.shli %gather3A_474, %shift_left3A_480 : vector<16xi32>
        %bitcast3A = vector.bitcast %shift_left3A_481 : vector<16xi32> to vector<16xf32>
        %and3A_482 = arith.andi %gather3A_474, %broadcast_in_dim3A_302 : vector<16xi32>
        %bitcast3A_483 = vector.bitcast %and3A_482 : vector<16xi32> to vector<16xf32>
        %shift_left3A_484 = arith.constant 16 : i32
        %shift_left3A_485 = vector.broadcast %shift_left3A_484 : i32 to vector<16xi32>
        %shift_left3A_486 = arith.shli %gather3A_479, %shift_left3A_485 : vector<16xi32>
        %bitcast3A_487 = vector.bitcast %shift_left3A_486 : vector<16xi32> to vector<16xf32>
        %and3A_488 = arith.andi %gather3A_479, %broadcast_in_dim3A_302 : vector<16xi32>
        %bitcast3A_489 = vector.bitcast %and3A_488 : vector<16xi32> to vector<16xf32>
        %mul3A_490 = arith.mulf %bitcast3A, %bitcast3A_487 : vector<16xf32>
        %add3A_491 = arith.addf %scan3A_458, %mul3A_490 : vector<16xf32>
        %mul3A_492 = arith.mulf %bitcast3A_483, %bitcast3A_489 : vector<16xf32>
        %add3A_493 = arith.addf %add3A_491, %mul3A_492 : vector<16xf32>
        %gather3A_494 = arith.constant 0 : i32
        %gather3A_495 = arith.constant 0 : i32
        %gather3A_496 = tpu.memref_slice %arg8[%scan3A_303, %gather3A_494, %gather3A_495] : memref<4x80x64xi32, #tpu.memory_space<vmem>> -> memref<1x80x64xi32, #tpu.memory_space<vmem>>
        %gather3A_497 = tpu.memref_squeeze %gather3A_496 : memref<1x80x64xi32, #tpu.memory_space<vmem>> -> memref<80x64xi32, #tpu.memory_space<vmem>>
        %gather3A_498 = tpu.vector_load_idx %gather3A_497[%add3A_8, %and3A_470] : memref<80x64xi32, #tpu.memory_space<vmem>>[vector<16xi32>, vector<16xi32>], vector<16xi32>,
        %gather3A_499 = arith.constant 0 : i32
        %gather3A_500 = arith.constant 0 : i32
        %gather3A_501 = tpu.memref_slice %arg9[%scan3A_304, %gather3A_499, %gather3A_500] : memref<4x80x64xi32, #tpu.memory_space<vmem>> -> memref<1x80x64xi32, #tpu.memory_space<vmem>>
        %gather3A_502 = tpu.memref_squeeze %gather3A_501 : memref<1x80x64xi32, #tpu.memory_space<vmem>> -> memref<80x64xi32, #tpu.memory_space<vmem>>
        %gather3A_503 = tpu.vector_load_idx %gather3A_502[%add3A_8, %and3A_470] : memref<80x64xi32, #tpu.memory_space<vmem>>[vector<16xi32>, vector<16xi32>], vector<16xi32>,
        %shift_left3A_504 = arith.constant 16 : i32
        %shift_left3A_505 = vector.broadcast %shift_left3A_504 : i32 to vector<16xi32>
        %shift_left3A_506 = arith.shli %gather3A_498, %shift_left3A_505 : vector<16xi32>
        %bitcast3A_507 = vector.bitcast %shift_left3A_506 : vector<16xi32> to vector<16xf32>
        %and3A_508 = arith.andi %gather3A_498, %broadcast_in_dim3A_302 : vector<16xi32>
        %bitcast3A_509 = vector.bitcast %and3A_508 : vector<16xi32> to vector<16xf32>
        %shift_left3A_510 = arith.constant 16 : i32
        %shift_left3A_511 = vector.broadcast %shift_left3A_510 : i32 to vector<16xi32>
        %shift_left3A_512 = arith.shli %gather3A_503, %shift_left3A_511 : vector<16xi32>
        %bitcast3A_513 = vector.bitcast %shift_left3A_512 : vector<16xi32> to vector<16xf32>
        %and3A_514 = arith.andi %gather3A_503, %broadcast_in_dim3A_302 : vector<16xi32>
        %bitcast3A_515 = vector.bitcast %and3A_514 : vector<16xi32> to vector<16xf32>
        %mul3A_516 = arith.mulf %bitcast3A_507, %bitcast3A_513 : vector<16xf32>
        %add3A_517 = arith.addf %scan3A_459, %mul3A_516 : vector<16xf32>
        %mul3A_518 = arith.mulf %bitcast3A_509, %bitcast3A_515 : vector<16xf32>
        %add3A_519 = arith.addf %add3A_517, %mul3A_518 : vector<16xf32>
        %gather3A_520 = arith.constant 0 : i32
        %gather3A_521 = arith.constant 0 : i32
        %gather3A_522 = tpu.memref_slice %arg8[%scan3A_303, %gather3A_520, %gather3A_521] : memref<4x80x64xi32, #tpu.memory_space<vmem>> -> memref<1x80x64xi32, #tpu.memory_space<vmem>>
        %gather3A_523 = tpu.memref_squeeze %gather3A_522 : memref<1x80x64xi32, #tpu.memory_space<vmem>> -> memref<80x64xi32, #tpu.memory_space<vmem>>
        %gather3A_524 = tpu.vector_load_idx %gather3A_523[%add3A_11, %and3A_470] : memref<80x64xi32, #tpu.memory_space<vmem>>[vector<16xi32>, vector<16xi32>], vector<16xi32>,
        %gather3A_525 = arith.constant 0 : i32
        %gather3A_526 = arith.constant 0 : i32
        %gather3A_527 = tpu.memref_slice %arg9[%scan3A_304, %gather3A_525, %gather3A_526] : memref<4x80x64xi32, #tpu.memory_space<vmem>> -> memref<1x80x64xi32, #tpu.memory_space<vmem>>
        %gather3A_528 = tpu.memref_squeeze %gather3A_527 : memref<1x80x64xi32, #tpu.memory_space<vmem>> -> memref<80x64xi32, #tpu.memory_space<vmem>>
        %gather3A_529 = tpu.vector_load_idx %gather3A_528[%add3A_11, %and3A_470] : memref<80x64xi32, #tpu.memory_space<vmem>>[vector<16xi32>, vector<16xi32>], vector<16xi32>,
        %shift_left3A_530 = arith.constant 16 : i32
        %shift_left3A_531 = vector.broadcast %shift_left3A_530 : i32 to vector<16xi32>
        %shift_left3A_532 = arith.shli %gather3A_524, %shift_left3A_531 : vector<16xi32>
        %bitcast3A_533 = vector.bitcast %shift_left3A_532 : vector<16xi32> to vector<16xf32>
        %and3A_534 = arith.andi %gather3A_524, %broadcast_in_dim3A_302 : vector<16xi32>
        %bitcast3A_535 = vector.bitcast %and3A_534 : vector<16xi32> to vector<16xf32>
        %shift_left3A_536 = arith.constant 16 : i32
        %shift_left3A_537 = vector.broadcast %shift_left3A_536 : i32 to vector<16xi32>
        %shift_left3A_538 = arith.shli %gather3A_529, %shift_left3A_537 : vector<16xi32>
        %bitcast3A_539 = vector.bitcast %shift_left3A_538 : vector<16xi32> to vector<16xf32>
        %and3A_540 = arith.andi %gather3A_529, %broadcast_in_dim3A_302 : vector<16xi32>
        %bitcast3A_541 = vector.bitcast %and3A_540 : vector<16xi32> to vector<16xf32>
        %mul3A_542 = arith.mulf %bitcast3A_533, %bitcast3A_539 : vector<16xf32>
        %add3A_543 = arith.addf %scan3A_460, %mul3A_542 : vector<16xf32>
        %mul3A_544 = arith.mulf %bitcast3A_535, %bitcast3A_541 : vector<16xf32>
        %add3A_545 = arith.addf %add3A_543, %mul3A_544 : vector<16xf32>
        %gather3A_546 = arith.constant 0 : i32
        %gather3A_547 = arith.constant 0 : i32
        %gather3A_548 = tpu.memref_slice %arg8[%scan3A_303, %gather3A_546, %gather3A_547] : memref<4x80x64xi32, #tpu.memory_space<vmem>> -> memref<1x80x64xi32, #tpu.memory_space<vmem>>
        %gather3A_549 = tpu.memref_squeeze %gather3A_548 : memref<1x80x64xi32, #tpu.memory_space<vmem>> -> memref<80x64xi32, #tpu.memory_space<vmem>>
        %gather3A_550 = tpu.vector_load_idx %gather3A_549[%add3A_14, %and3A_470] : memref<80x64xi32, #tpu.memory_space<vmem>>[vector<16xi32>, vector<16xi32>], vector<16xi32>,
        %gather3A_551 = arith.constant 0 : i32
        %gather3A_552 = arith.constant 0 : i32
        %gather3A_553 = tpu.memref_slice %arg9[%scan3A_304, %gather3A_551, %gather3A_552] : memref<4x80x64xi32, #tpu.memory_space<vmem>> -> memref<1x80x64xi32, #tpu.memory_space<vmem>>
        %gather3A_554 = tpu.memref_squeeze %gather3A_553 : memref<1x80x64xi32, #tpu.memory_space<vmem>> -> memref<80x64xi32, #tpu.memory_space<vmem>>
        %gather3A_555 = tpu.vector_load_idx %gather3A_554[%add3A_14, %and3A_470] : memref<80x64xi32, #tpu.memory_space<vmem>>[vector<16xi32>, vector<16xi32>], vector<16xi32>,
        %shift_left3A_556 = arith.constant 16 : i32
        %shift_left3A_557 = vector.broadcast %shift_left3A_556 : i32 to vector<16xi32>
        %shift_left3A_558 = arith.shli %gather3A_550, %shift_left3A_557 : vector<16xi32>
        %bitcast3A_559 = vector.bitcast %shift_left3A_558 : vector<16xi32> to vector<16xf32>
        %and3A_560 = arith.andi %gather3A_550, %broadcast_in_dim3A_302 : vector<16xi32>
        %bitcast3A_561 = vector.bitcast %and3A_560 : vector<16xi32> to vector<16xf32>
        %shift_left3A_562 = arith.constant 16 : i32
        %shift_left3A_563 = vector.broadcast %shift_left3A_562 : i32 to vector<16xi32>
        %shift_left3A_564 = arith.shli %gather3A_555, %shift_left3A_563 : vector<16xi32>
        %bitcast3A_565 = vector.bitcast %shift_left3A_564 : vector<16xi32> to vector<16xf32>
        %and3A_566 = arith.andi %gather3A_555, %broadcast_in_dim3A_302 : vector<16xi32>
        %bitcast3A_567 = vector.bitcast %and3A_566 : vector<16xi32> to vector<16xf32>
        %mul3A_568 = arith.mulf %bitcast3A_559, %bitcast3A_565 : vector<16xf32>
        %add3A_569 = arith.addf %scan3A_461, %mul3A_568 : vector<16xf32>
        %mul3A_570 = arith.mulf %bitcast3A_561, %bitcast3A_567 : vector<16xf32>
        %add3A_571 = arith.addf %add3A_569, %mul3A_570 : vector<16xf32>
        %gather3A_572 = arith.constant 0 : i32
        %gather3A_573 = arith.constant 0 : i32
        %gather3A_574 = tpu.memref_slice %arg8[%scan3A_303, %gather3A_572, %gather3A_573] : memref<4x80x64xi32, #tpu.memory_space<vmem>> -> memref<1x80x64xi32, #tpu.memory_space<vmem>>
        %gather3A_575 = tpu.memref_squeeze %gather3A_574 : memref<1x80x64xi32, #tpu.memory_space<vmem>> -> memref<80x64xi32, #tpu.memory_space<vmem>>
        %gather3A_576 = tpu.vector_load_idx %gather3A_575[%add3A_17, %and3A_470] : memref<80x64xi32, #tpu.memory_space<vmem>>[vector<16xi32>, vector<16xi32>], vector<16xi32>,
        %gather3A_577 = arith.constant 0 : i32
        %gather3A_578 = arith.constant 0 : i32
        %gather3A_579 = tpu.memref_slice %arg9[%scan3A_304, %gather3A_577, %gather3A_578] : memref<4x80x64xi32, #tpu.memory_space<vmem>> -> memref<1x80x64xi32, #tpu.memory_space<vmem>>
        %gather3A_580 = tpu.memref_squeeze %gather3A_579 : memref<1x80x64xi32, #tpu.memory_space<vmem>> -> memref<80x64xi32, #tpu.memory_space<vmem>>
        %gather3A_581 = tpu.vector_load_idx %gather3A_580[%add3A_17, %and3A_470] : memref<80x64xi32, #tpu.memory_space<vmem>>[vector<16xi32>, vector<16xi32>], vector<16xi32>,
        %shift_left3A_582 = arith.constant 16 : i32
        %shift_left3A_583 = vector.broadcast %shift_left3A_582 : i32 to vector<16xi32>
        %shift_left3A_584 = arith.shli %gather3A_576, %shift_left3A_583 : vector<16xi32>
        %bitcast3A_585 = vector.bitcast %shift_left3A_584 : vector<16xi32> to vector<16xf32>
        %and3A_586 = arith.andi %gather3A_576, %broadcast_in_dim3A_302 : vector<16xi32>
        %bitcast3A_587 = vector.bitcast %and3A_586 : vector<16xi32> to vector<16xf32>
        %shift_left3A_588 = arith.constant 16 : i32
        %shift_left3A_589 = vector.broadcast %shift_left3A_588 : i32 to vector<16xi32>
        %shift_left3A_590 = arith.shli %gather3A_581, %shift_left3A_589 : vector<16xi32>
        %bitcast3A_591 = vector.bitcast %shift_left3A_590 : vector<16xi32> to vector<16xf32>
        %and3A_592 = arith.andi %gather3A_581, %broadcast_in_dim3A_302 : vector<16xi32>
        %bitcast3A_593 = vector.bitcast %and3A_592 : vector<16xi32> to vector<16xf32>
        %mul3A_594 = arith.mulf %bitcast3A_585, %bitcast3A_591 : vector<16xf32>
        %add3A_595 = arith.addf %scan3A_462, %mul3A_594 : vector<16xf32>
        %mul3A_596 = arith.mulf %bitcast3A_587, %bitcast3A_593 : vector<16xf32>
        %add3A_597 = arith.addf %add3A_595, %mul3A_596 : vector<16xf32>
        %mul3A_598 = arith.constant 2 : i32
        %mul3A_599 = arith.muli %scan3A_457, %mul3A_598 : i32
        %add3A_600 = arith.constant 1 : i32
        %add3A_601 = arith.addi %mul3A_599, %add3A_600 : i32
        %add3A_602 = vector.broadcast %add3A_601 : i32 to vector<16xi32>
        %add3A_603 = arith.addi %iota3A, %add3A_602 : vector<16xi32>
        %and3A_604 = arith.constant 63 : i32
        %and3A_605 = vector.broadcast %and3A_604 : i32 to vector<16xi32>
        %and3A_606 = arith.andi %add3A_603, %and3A_605 : vector<16xi32>
        %gather3A_607 = arith.constant 0 : i32
        %gather3A_608 = arith.constant 0 : i32
        %gather3A_609 = tpu.memref_slice %arg8[%scan3A_303, %gather3A_607, %gather3A_608] : memref<4x80x64xi32, #tpu.memory_space<vmem>> -> memref<1x80x64xi32, #tpu.memory_space<vmem>>
        %gather3A_610 = tpu.memref_squeeze %gather3A_609 : memref<1x80x64xi32, #tpu.memory_space<vmem>> -> memref<80x64xi32, #tpu.memory_space<vmem>>
        %gather3A_611 = tpu.vector_load_idx %gather3A_610[%add3A_5, %and3A_606] : memref<80x64xi32, #tpu.memory_space<vmem>>[vector<16xi32>, vector<16xi32>], vector<16xi32>,
        %gather3A_612 = arith.constant 0 : i32
        %gather3A_613 = arith.constant 0 : i32
        %gather3A_614 = tpu.memref_slice %arg9[%scan3A_304, %gather3A_612, %gather3A_613] : memref<4x80x64xi32, #tpu.memory_space<vmem>> -> memref<1x80x64xi32, #tpu.memory_space<vmem>>
        %gather3A_615 = tpu.memref_squeeze %gather3A_614 : memref<1x80x64xi32, #tpu.memory_space<vmem>> -> memref<80x64xi32, #tpu.memory_space<vmem>>
        %gather3A_616 = tpu.vector_load_idx %gather3A_615[%add3A_5, %and3A_606] : memref<80x64xi32, #tpu.memory_space<vmem>>[vector<16xi32>, vector<16xi32>], vector<16xi32>,
        %shift_left3A_617 = arith.constant 16 : i32
        %shift_left3A_618 = vector.broadcast %shift_left3A_617 : i32 to vector<16xi32>
        %shift_left3A_619 = arith.shli %gather3A_611, %shift_left3A_618 : vector<16xi32>
        %bitcast3A_620 = vector.bitcast %shift_left3A_619 : vector<16xi32> to vector<16xf32>
        %and3A_621 = arith.andi %gather3A_611, %broadcast_in_dim3A_302 : vector<16xi32>
        %bitcast3A_622 = vector.bitcast %and3A_621 : vector<16xi32> to vector<16xf32>
        %shift_left3A_623 = arith.constant 16 : i32
        %shift_left3A_624 = vector.broadcast %shift_left3A_623 : i32 to vector<16xi32>
        %shift_left3A_625 = arith.shli %gather3A_616, %shift_left3A_624 : vector<16xi32>
        %bitcast3A_626 = vector.bitcast %shift_left3A_625 : vector<16xi32> to vector<16xf32>
        %and3A_627 = arith.andi %gather3A_616, %broadcast_in_dim3A_302 : vector<16xi32>
        %bitcast3A_628 = vector.bitcast %and3A_627 : vector<16xi32> to vector<16xf32>
        %mul3A_629 = arith.mulf %bitcast3A_620, %bitcast3A_626 : vector<16xf32>
        %add3A_630 = arith.addf %add3A_493, %mul3A_629 : vector<16xf32>
        %mul3A_631 = arith.mulf %bitcast3A_622, %bitcast3A_628 : vector<16xf32>
        %add3A_632 = arith.addf %add3A_630, %mul3A_631 : vector<16xf32>
        %gather3A_633 = arith.constant 0 : i32
        %gather3A_634 = arith.constant 0 : i32
        %gather3A_635 = tpu.memref_slice %arg8[%scan3A_303, %gather3A_633, %gather3A_634] : memref<4x80x64xi32, #tpu.memory_space<vmem>> -> memref<1x80x64xi32, #tpu.memory_space<vmem>>
        %gather3A_636 = tpu.memref_squeeze %gather3A_635 : memref<1x80x64xi32, #tpu.memory_space<vmem>> -> memref<80x64xi32, #tpu.memory_space<vmem>>
        %gather3A_637 = tpu.vector_load_idx %gather3A_636[%add3A_8, %and3A_606] : memref<80x64xi32, #tpu.memory_space<vmem>>[vector<16xi32>, vector<16xi32>], vector<16xi32>,
        %gather3A_638 = arith.constant 0 : i32
        %gather3A_639 = arith.constant 0 : i32
        %gather3A_640 = tpu.memref_slice %arg9[%scan3A_304, %gather3A_638, %gather3A_639] : memref<4x80x64xi32, #tpu.memory_space<vmem>> -> memref<1x80x64xi32, #tpu.memory_space<vmem>>
        %gather3A_641 = tpu.memref_squeeze %gather3A_640 : memref<1x80x64xi32, #tpu.memory_space<vmem>> -> memref<80x64xi32, #tpu.memory_space<vmem>>
        %gather3A_642 = tpu.vector_load_idx %gather3A_641[%add3A_8, %and3A_606] : memref<80x64xi32, #tpu.memory_space<vmem>>[vector<16xi32>, vector<16xi32>], vector<16xi32>,
        %shift_left3A_643 = arith.constant 16 : i32
        %shift_left3A_644 = vector.broadcast %shift_left3A_643 : i32 to vector<16xi32>
        %shift_left3A_645 = arith.shli %gather3A_637, %shift_left3A_644 : vector<16xi32>
        %bitcast3A_646 = vector.bitcast %shift_left3A_645 : vector<16xi32> to vector<16xf32>
        %and3A_647 = arith.andi %gather3A_637, %broadcast_in_dim3A_302 : vector<16xi32>
        %bitcast3A_648 = vector.bitcast %and3A_647 : vector<16xi32> to vector<16xf32>
        %shift_left3A_649 = arith.constant 16 : i32
        %shift_left3A_650 = vector.broadcast %shift_left3A_649 : i32 to vector<16xi32>
        %shift_left3A_651 = arith.shli %gather3A_642, %shift_left3A_650 : vector<16xi32>
        %bitcast3A_652 = vector.bitcast %shift_left3A_651 : vector<16xi32> to vector<16xf32>
        %and3A_653 = arith.andi %gather3A_642, %broadcast_in_dim3A_302 : vector<16xi32>
        %bitcast3A_654 = vector.bitcast %and3A_653 : vector<16xi32> to vector<16xf32>
        %mul3A_655 = arith.mulf %bitcast3A_646, %bitcast3A_652 : vector<16xf32>
        %add3A_656 = arith.addf %add3A_519, %mul3A_655 : vector<16xf32>
        %mul3A_657 = arith.mulf %bitcast3A_648, %bitcast3A_654 : vector<16xf32>
        %add3A_658 = arith.addf %add3A_656, %mul3A_657 : vector<16xf32>
        %gather3A_659 = arith.constant 0 : i32
        %gather3A_660 = arith.constant 0 : i32
        %gather3A_661 = tpu.memref_slice %arg8[%scan3A_303, %gather3A_659, %gather3A_660] : memref<4x80x64xi32, #tpu.memory_space<vmem>> -> memref<1x80x64xi32, #tpu.memory_space<vmem>>
        %gather3A_662 = tpu.memref_squeeze %gather3A_661 : memref<1x80x64xi32, #tpu.memory_space<vmem>> -> memref<80x64xi32, #tpu.memory_space<vmem>>
        %gather3A_663 = tpu.vector_load_idx %gather3A_662[%add3A_11, %and3A_606] : memref<80x64xi32, #tpu.memory_space<vmem>>[vector<16xi32>, vector<16xi32>], vector<16xi32>,
        %gather3A_664 = arith.constant 0 : i32
        %gather3A_665 = arith.constant 0 : i32
        %gather3A_666 = tpu.memref_slice %arg9[%scan3A_304, %gather3A_664, %gather3A_665] : memref<4x80x64xi32, #tpu.memory_space<vmem>> -> memref<1x80x64xi32, #tpu.memory_space<vmem>>
        %gather3A_667 = tpu.memref_squeeze %gather3A_666 : memref<1x80x64xi32, #tpu.memory_space<vmem>> -> memref<80x64xi32, #tpu.memory_space<vmem>>
        %gather3A_668 = tpu.vector_load_idx %gather3A_667[%add3A_11, %and3A_606] : memref<80x64xi32, #tpu.memory_space<vmem>>[vector<16xi32>, vector<16xi32>], vector<16xi32>,
        %shift_left3A_669 = arith.constant 16 : i32
        %shift_left3A_670 = vector.broadcast %shift_left3A_669 : i32 to vector<16xi32>
        %shift_left3A_671 = arith.shli %gather3A_663, %shift_left3A_670 : vector<16xi32>
        %bitcast3A_672 = vector.bitcast %shift_left3A_671 : vector<16xi32> to vector<16xf32>
        %and3A_673 = arith.andi %gather3A_663, %broadcast_in_dim3A_302 : vector<16xi32>
        %bitcast3A_674 = vector.bitcast %and3A_673 : vector<16xi32> to vector<16xf32>
        %shift_left3A_675 = arith.constant 16 : i32
        %shift_left3A_676 = vector.broadcast %shift_left3A_675 : i32 to vector<16xi32>
        %shift_left3A_677 = arith.shli %gather3A_668, %shift_left3A_676 : vector<16xi32>
        %bitcast3A_678 = vector.bitcast %shift_left3A_677 : vector<16xi32> to vector<16xf32>
        %and3A_679 = arith.andi %gather3A_668, %broadcast_in_dim3A_302 : vector<16xi32>
        %bitcast3A_680 = vector.bitcast %and3A_679 : vector<16xi32> to vector<16xf32>
        %mul3A_681 = arith.mulf %bitcast3A_672, %bitcast3A_678 : vector<16xf32>
        %add3A_682 = arith.addf %add3A_545, %mul3A_681 : vector<16xf32>
        %mul3A_683 = arith.mulf %bitcast3A_674, %bitcast3A_680 : vector<16xf32>
        %add3A_684 = arith.addf %add3A_682, %mul3A_683 : vector<16xf32>
        %gather3A_685 = arith.constant 0 : i32
        %gather3A_686 = arith.constant 0 : i32
        %gather3A_687 = tpu.memref_slice %arg8[%scan3A_303, %gather3A_685, %gather3A_686] : memref<4x80x64xi32, #tpu.memory_space<vmem>> -> memref<1x80x64xi32, #tpu.memory_space<vmem>>
        %gather3A_688 = tpu.memref_squeeze %gather3A_687 : memref<1x80x64xi32, #tpu.memory_space<vmem>> -> memref<80x64xi32, #tpu.memory_space<vmem>>
        %gather3A_689 = tpu.vector_load_idx %gather3A_688[%add3A_14, %and3A_606] : memref<80x64xi32, #tpu.memory_space<vmem>>[vector<16xi32>, vector<16xi32>], vector<16xi32>,
        %gather3A_690 = arith.constant 0 : i32
        %gather3A_691 = arith.constant 0 : i32
        %gather3A_692 = tpu.memref_slice %arg9[%scan3A_304, %gather3A_690, %gather3A_691] : memref<4x80x64xi32, #tpu.memory_space<vmem>> -> memref<1x80x64xi32, #tpu.memory_space<vmem>>
        %gather3A_693 = tpu.memref_squeeze %gather3A_692 : memref<1x80x64xi32, #tpu.memory_space<vmem>> -> memref<80x64xi32, #tpu.memory_space<vmem>>
        %gather3A_694 = tpu.vector_load_idx %gather3A_693[%add3A_14, %and3A_606] : memref<80x64xi32, #tpu.memory_space<vmem>>[vector<16xi32>, vector<16xi32>], vector<16xi32>,
        %shift_left3A_695 = arith.constant 16 : i32
        %shift_left3A_696 = vector.broadcast %shift_left3A_695 : i32 to vector<16xi32>
        %shift_left3A_697 = arith.shli %gather3A_689, %shift_left3A_696 : vector<16xi32>
        %bitcast3A_698 = vector.bitcast %shift_left3A_697 : vector<16xi32> to vector<16xf32>
        %and3A_699 = arith.andi %gather3A_689, %broadcast_in_dim3A_302 : vector<16xi32>
        %bitcast3A_700 = vector.bitcast %and3A_699 : vector<16xi32> to vector<16xf32>
        %shift_left3A_701 = arith.constant 16 : i32
        %shift_left3A_702 = vector.broadcast %shift_left3A_701 : i32 to vector<16xi32>
        %shift_left3A_703 = arith.shli %gather3A_694, %shift_left3A_702 : vector<16xi32>
        %bitcast3A_704 = vector.bitcast %shift_left3A_703 : vector<16xi32> to vector<16xf32>
        %and3A_705 = arith.andi %gather3A_694, %broadcast_in_dim3A_302 : vector<16xi32>
        %bitcast3A_706 = vector.bitcast %and3A_705 : vector<16xi32> to vector<16xf32>
        %mul3A_707 = arith.mulf %bitcast3A_698, %bitcast3A_704 : vector<16xf32>
        %add3A_708 = arith.addf %add3A_571, %mul3A_707 : vector<16xf32>
        %mul3A_709 = arith.mulf %bitcast3A_700, %bitcast3A_706 : vector<16xf32>
        %add3A_710 = arith.addf %add3A_708, %mul3A_709 : vector<16xf32>
        %gather3A_711 = arith.constant 0 : i32
        %gather3A_712 = arith.constant 0 : i32
        %gather3A_713 = tpu.memref_slice %arg8[%scan3A_303, %gather3A_711, %gather3A_712] : memref<4x80x64xi32, #tpu.memory_space<vmem>> -> memref<1x80x64xi32, #tpu.memory_space<vmem>>
        %gather3A_714 = tpu.memref_squeeze %gather3A_713 : memref<1x80x64xi32, #tpu.memory_space<vmem>> -> memref<80x64xi32, #tpu.memory_space<vmem>>
        %gather3A_715 = tpu.vector_load_idx %gather3A_714[%add3A_17, %and3A_606] : memref<80x64xi32, #tpu.memory_space<vmem>>[vector<16xi32>, vector<16xi32>], vector<16xi32>,
        %gather3A_716 = arith.constant 0 : i32
        %gather3A_717 = arith.constant 0 : i32
        %gather3A_718 = tpu.memref_slice %arg9[%scan3A_304, %gather3A_716, %gather3A_717] : memref<4x80x64xi32, #tpu.memory_space<vmem>> -> memref<1x80x64xi32, #tpu.memory_space<vmem>>
        %gather3A_719 = tpu.memref_squeeze %gather3A_718 : memref<1x80x64xi32, #tpu.memory_space<vmem>> -> memref<80x64xi32, #tpu.memory_space<vmem>>
        %gather3A_720 = tpu.vector_load_idx %gather3A_719[%add3A_17, %and3A_606] : memref<80x64xi32, #tpu.memory_space<vmem>>[vector<16xi32>, vector<16xi32>], vector<16xi32>,
        %shift_left3A_721 = arith.constant 16 : i32
        %shift_left3A_722 = vector.broadcast %shift_left3A_721 : i32 to vector<16xi32>
        %shift_left3A_723 = arith.shli %gather3A_715, %shift_left3A_722 : vector<16xi32>
        %bitcast3A_724 = vector.bitcast %shift_left3A_723 : vector<16xi32> to vector<16xf32>
        %and3A_725 = arith.andi %gather3A_715, %broadcast_in_dim3A_302 : vector<16xi32>
        %bitcast3A_726 = vector.bitcast %and3A_725 : vector<16xi32> to vector<16xf32>
        %shift_left3A_727 = arith.constant 16 : i32
        %shift_left3A_728 = vector.broadcast %shift_left3A_727 : i32 to vector<16xi32>
        %shift_left3A_729 = arith.shli %gather3A_720, %shift_left3A_728 : vector<16xi32>
        %bitcast3A_730 = vector.bitcast %shift_left3A_729 : vector<16xi32> to vector<16xf32>
        %and3A_731 = arith.andi %gather3A_720, %broadcast_in_dim3A_302 : vector<16xi32>
        %bitcast3A_732 = vector.bitcast %and3A_731 : vector<16xi32> to vector<16xf32>
        %mul3A_733 = arith.mulf %bitcast3A_724, %bitcast3A_730 : vector<16xf32>
        %add3A_734 = arith.addf %add3A_597, %mul3A_733 : vector<16xf32>
        %mul3A_735 = arith.mulf %bitcast3A_726, %bitcast3A_732 : vector<16xf32>
        %add3A_736 = arith.addf %add3A_734, %mul3A_735 : vector<16xf32>
        scf.yield %add3A_632, %add3A_658, %add3A_684, %add3A_710, %add3A_736 : vector<16xf32>, vector<16xf32>, vector<16xf32>, vector<16xf32>, vector<16xf32>
      }
      %scan3A_310 = arith.constant 32 : i32
      %add3A_311 = arith.constant 0 : i32
      %add3A_312 = arith.addi %mul3A_300, %add3A_311 : i32
      %swap3A_313 = arith.index_cast %add3A_312 : i32 to index
      %swap3A_314 = tpu.vector_load %arg10[%swap3A_313] {strides = array<i32>} : memref<10000xf32, #tpu.memory_space<vmem>>, vector<16xf32>,
      tpu.vector_store %arg10[%swap3A_313], %scan3A_309#0 {strides = array<i32>} : memref<10000xf32, #tpu.memory_space<vmem>>, vector<16xf32>,
      %add3A_315 = arith.constant 16 : i32
      %add3A_316 = arith.addi %mul3A_300, %add3A_315 : i32
      %swap3A_317 = arith.index_cast %add3A_316 : i32 to index
      %swap3A_318 = tpu.vector_load %arg10[%swap3A_317] {strides = array<i32>} : memref<10000xf32, #tpu.memory_space<vmem>>, vector<16xf32>,
      tpu.vector_store %arg10[%swap3A_317], %scan3A_309#1 {strides = array<i32>} : memref<10000xf32, #tpu.memory_space<vmem>>, vector<16xf32>,
      %add3A_319 = arith.constant 32 : i32
      %add3A_320 = arith.addi %mul3A_300, %add3A_319 : i32
      %swap3A_321 = arith.index_cast %add3A_320 : i32 to index
      %swap3A_322 = tpu.vector_load %arg10[%swap3A_321] {strides = array<i32>} : memref<10000xf32, #tpu.memory_space<vmem>>, vector<16xf32>,
      tpu.vector_store %arg10[%swap3A_321], %scan3A_309#2 {strides = array<i32>} : memref<10000xf32, #tpu.memory_space<vmem>>, vector<16xf32>,
      %add3A_323 = arith.constant 48 : i32
      %add3A_324 = arith.addi %mul3A_300, %add3A_323 : i32
      %swap3A_325 = arith.index_cast %add3A_324 : i32 to index
      %swap3A_326 = tpu.vector_load %arg10[%swap3A_325] {strides = array<i32>} : memref<10000xf32, #tpu.memory_space<vmem>>, vector<16xf32>,
      tpu.vector_store %arg10[%swap3A_325], %scan3A_309#3 {strides = array<i32>} : memref<10000xf32, #tpu.memory_space<vmem>>, vector<16xf32>,
      %add3A_327 = arith.constant 64 : i32
      %add3A_328 = arith.addi %mul3A_300, %add3A_327 : i32
      %swap3A_329 = arith.index_cast %add3A_328 : i32 to index
      %swap3A_330 = tpu.vector_load %arg10[%swap3A_329] {strides = array<i32>} : memref<10000xf32, #tpu.memory_space<vmem>>, vector<16xf32>,
      tpu.vector_store %arg10[%swap3A_329], %scan3A_309#4 {strides = array<i32>} : memref<10000xf32, #tpu.memory_space<vmem>>, vector<16xf32>,
      %lt3A = arith.constant 30 : i32
      %lt3A_331 = arith.cmpi slt, %scan3A_193, %lt3A : i32
      %convert_element_type3A = arith.extui %lt3A_331 : i1 to i32
      %cond3A = arith.constant 0 : i32
      %cond3A_332 = arith.cmpi ne, %convert_element_type3A, %cond3A : i32
      scf.if %cond3A_332 {
        %add3A_457 = arith.constant 4 : i32
        %add3A_458 = arith.addi %add3A_277, %add3A_457 : i32
        %mul3A_459 = arith.constant 80 : i32
        %mul3A_460 = arith.muli %add3A_458, %mul3A_459 : i32
        %multiple_of3A_461 = tpu.assume_multiple %mul3A_460, 8 : i32
        %dma_start3A_462 = arith.constant 1 : i32
        %dma_start3A_463 = arith.constant 0 : i32
        %dma_start3A_464 = arith.constant 0 : i32
        %dma_start3A_465 = tpu.memref_slice %arg8[%dma_start3A_462, %dma_start3A_463, %dma_start3A_464] : memref<4x80x64xi32, #tpu.memory_space<vmem>> -> memref<1x80x64xi32, #tpu.memory_space<vmem>>
        %dma_start3A_466 = tpu.memref_squeeze %dma_start3A_465 : memref<1x80x64xi32, #tpu.memory_space<vmem>> -> memref<80x64xi32, #tpu.memory_space<vmem>>
        %dma_start3A_467 = tpu.memref_slice %arg6[%multiple_of3A_461] : memref<10000xi32, #tpu.memory_space<vmem>> -> memref<80xi32, #tpu.memory_space<vmem>>
        %dma_start3A_468 = arith.constant 0 : i32
        %dma_start3A_469 = arith.constant 0 : i32
        %dma_start3A_470 = tpu.memref_slice %arg2[%dma_start3A_468, %dma_start3A_469] : memref<10000x64xi32, #tpu.memory_space<hbm>> -> memref<10000x64xi32, #tpu.memory_space<hbm>>
        tpu.enqueue_indirect_dma source(%dma_start3A_470 : memref<10000x64xi32, #tpu.memory_space<hbm>>) target(%dma_start3A_466 : memref<80x64xi32, #tpu.memory_space<vmem>>) offsets(%dma_start3A_467 : memref<80xi32, #tpu.memory_space<vmem>>) semaphore(%arg12 : memref<!tpu.dma_semaphore, #tpu.memory_space<semaphore_mem>>)
        %dma_start3A_471 = arith.constant 1 : i32
        %dma_start3A_472 = arith.constant 0 : i32
        %dma_start3A_473 = arith.constant 0 : i32
        %dma_start3A_474 = tpu.memref_slice %arg9[%dma_start3A_471, %dma_start3A_472, %dma_start3A_473] : memref<4x80x64xi32, #tpu.memory_space<vmem>> -> memref<1x80x64xi32, #tpu.memory_space<vmem>>
        %dma_start3A_475 = tpu.memref_squeeze %dma_start3A_474 : memref<1x80x64xi32, #tpu.memory_space<vmem>> -> memref<80x64xi32, #tpu.memory_space<vmem>>
        %dma_start3A_476 = tpu.memref_slice %arg7[%multiple_of3A_461] : memref<10000xi32, #tpu.memory_space<vmem>> -> memref<80xi32, #tpu.memory_space<vmem>>
        %dma_start3A_477 = arith.constant 0 : i32
        %dma_start3A_478 = arith.constant 0 : i32
        %dma_start3A_479 = tpu.memref_slice %arg2[%dma_start3A_477, %dma_start3A_478] : memref<10000x64xi32, #tpu.memory_space<hbm>> -> memref<10000x64xi32, #tpu.memory_space<hbm>>
        tpu.enqueue_indirect_dma source(%dma_start3A_479 : memref<10000x64xi32, #tpu.memory_space<hbm>>) target(%dma_start3A_475 : memref<80x64xi32, #tpu.memory_space<vmem>>) offsets(%dma_start3A_476 : memref<80xi32, #tpu.memory_space<vmem>>) semaphore(%arg12 : memref<!tpu.dma_semaphore, #tpu.memory_space<semaphore_mem>>)
      } else {
      }
      %mul3A_333 = arith.constant 4 : i32
      %mul3A_334 = arith.muli %mul3A_333, %scan3A_193 : i32
      %add3A_335 = arith.constant 2 : i32
      %add3A_336 = arith.addi %mul3A_334, %add3A_335 : i32
      %mul3A_337 = arith.constant 80 : i32
      %mul3A_338 = arith.muli %add3A_336, %mul3A_337 : i32
      %multiple_of3A_339 = tpu.assume_multiple %mul3A_338, 8 : i32
      %dma_wait3A_340 = arith.constant 2 : i32
      %dma_wait3A_341 = arith.constant 0 : i32
      %dma_wait3A_342 = arith.constant 0 : i32
      %dma_wait3A_343 = tpu.memref_slice %arg8[%dma_wait3A_340, %dma_wait3A_341, %dma_wait3A_342] : memref<4x80x64xi32, #tpu.memory_space<vmem>> -> memref<1x80x64xi32, #tpu.memory_space<vmem>>
      %dma_wait3A_344 = tpu.memref_squeeze %dma_wait3A_343 : memref<1x80x64xi32, #tpu.memory_space<vmem>> -> memref<80x64xi32, #tpu.memory_space<vmem>>
      %dma_wait3A_345 = tpu.memref_slice %arg6[%multiple_of3A_339] : memref<10000xi32, #tpu.memory_space<vmem>> -> memref<80xi32, #tpu.memory_space<vmem>>
      %dma_wait3A_346 = arith.constant 0 : i32
      %dma_wait3A_347 = arith.constant 0 : i32
      %dma_wait3A_348 = tpu.memref_slice %arg2[%dma_wait3A_346, %dma_wait3A_347] : memref<10000x64xi32, #tpu.memory_space<hbm>> -> memref<10000x64xi32, #tpu.memory_space<hbm>>
      tpu.wait_indirect_dma semaphore(%arg13 : memref<!tpu.dma_semaphore, #tpu.memory_space<semaphore_mem>>) src(%dma_wait3A_348 : memref<10000x64xi32, #tpu.memory_space<hbm>>) dst(%dma_wait3A_344 : memref<80x64xi32, #tpu.memory_space<vmem>>)
      %dma_wait3A_349 = arith.constant 2 : i32
      %dma_wait3A_350 = arith.constant 0 : i32
      %dma_wait3A_351 = arith.constant 0 : i32
      %dma_wait3A_352 = tpu.memref_slice %arg9[%dma_wait3A_349, %dma_wait3A_350, %dma_wait3A_351] : memref<4x80x64xi32, #tpu.memory_space<vmem>> -> memref<1x80x64xi32, #tpu.memory_space<vmem>>
      %dma_wait3A_353 = tpu.memref_squeeze %dma_wait3A_352 : memref<1x80x64xi32, #tpu.memory_space<vmem>> -> memref<80x64xi32, #tpu.memory_space<vmem>>
      %dma_wait3A_354 = tpu.memref_slice %arg7[%multiple_of3A_339] : memref<10000xi32, #tpu.memory_space<vmem>> -> memref<80xi32, #tpu.memory_space<vmem>>
      %dma_wait3A_355 = arith.constant 0 : i32
      %dma_wait3A_356 = arith.constant 0 : i32
      %dma_wait3A_357 = tpu.memref_slice %arg2[%dma_wait3A_355, %dma_wait3A_356] : memref<10000x64xi32, #tpu.memory_space<hbm>> -> memref<10000x64xi32, #tpu.memory_space<hbm>>
      tpu.wait_indirect_dma semaphore(%arg13 : memref<!tpu.dma_semaphore, #tpu.memory_space<semaphore_mem>>) src(%dma_wait3A_357 : memref<10000x64xi32, #tpu.memory_space<hbm>>) dst(%dma_wait3A_353 : memref<80x64xi32, #tpu.memory_space<vmem>>)
      %mul3A_358 = arith.constant 80 : i32
      %mul3A_359 = arith.muli %add3A_336, %mul3A_358 : i32
      %broadcast_in_dim3A_360 = arith.constant -65536 : i32
      %broadcast_in_dim3A_361 = vector.broadcast %broadcast_in_dim3A_360 : i32 to vector<16xi32>
      %scan3A_362 = arith.constant 2 : i32
      %scan3A_363 = arith.constant 2 : i32
      %scan3A_364 = arith.constant 0 : i32
      %scan3A_365 = arith.constant 32 : i32
      %scan3A_366 = arith.addi %scan3A_364, %scan3A_365 : i32
      %scan3A_367 = arith.constant 1 : i32
      %scan3A_368:5 = scf.for %scan3A_457 = %scan3A_364 to %scan3A_366 step %scan3A_367 iter_args(%scan3A_458 = %broadcast_in_dim3A_18, %scan3A_459 = %broadcast_in_dim3A_18, %scan3A_460 = %broadcast_in_dim3A_18, %scan3A_461 = %broadcast_in_dim3A_18, %scan3A_462 = %broadcast_in_dim3A_18) -> (vector<16xf32>, vector<16xf32>, vector<16xf32>, vector<16xf32>, vector<16xf32>)  : i32 {
        %mul3A_463 = arith.constant 2 : i32
        %mul3A_464 = arith.muli %scan3A_457, %mul3A_463 : i32
        %add3A_465 = arith.constant 0 : i32
        %add3A_466 = arith.addi %mul3A_464, %add3A_465 : i32
        %add3A_467 = vector.broadcast %add3A_466 : i32 to vector<16xi32>
        %add3A_468 = arith.addi %iota3A, %add3A_467 : vector<16xi32>
        %and3A = arith.constant 63 : i32
        %and3A_469 = vector.broadcast %and3A : i32 to vector<16xi32>
        %and3A_470 = arith.andi %add3A_468, %and3A_469 : vector<16xi32>
        %gather3A = arith.constant 0 : i32
        %gather3A_471 = arith.constant 0 : i32
        %gather3A_472 = tpu.memref_slice %arg8[%scan3A_362, %gather3A, %gather3A_471] : memref<4x80x64xi32, #tpu.memory_space<vmem>> -> memref<1x80x64xi32, #tpu.memory_space<vmem>>
        %gather3A_473 = tpu.memref_squeeze %gather3A_472 : memref<1x80x64xi32, #tpu.memory_space<vmem>> -> memref<80x64xi32, #tpu.memory_space<vmem>>
        %gather3A_474 = tpu.vector_load_idx %gather3A_473[%add3A_5, %and3A_470] : memref<80x64xi32, #tpu.memory_space<vmem>>[vector<16xi32>, vector<16xi32>], vector<16xi32>,
        %gather3A_475 = arith.constant 0 : i32
        %gather3A_476 = arith.constant 0 : i32
        %gather3A_477 = tpu.memref_slice %arg9[%scan3A_363, %gather3A_475, %gather3A_476] : memref<4x80x64xi32, #tpu.memory_space<vmem>> -> memref<1x80x64xi32, #tpu.memory_space<vmem>>
        %gather3A_478 = tpu.memref_squeeze %gather3A_477 : memref<1x80x64xi32, #tpu.memory_space<vmem>> -> memref<80x64xi32, #tpu.memory_space<vmem>>
        %gather3A_479 = tpu.vector_load_idx %gather3A_478[%add3A_5, %and3A_470] : memref<80x64xi32, #tpu.memory_space<vmem>>[vector<16xi32>, vector<16xi32>], vector<16xi32>,
        %shift_left3A = arith.constant 16 : i32
        %shift_left3A_480 = vector.broadcast %shift_left3A : i32 to vector<16xi32>
        %shift_left3A_481 = arith.shli %gather3A_474, %shift_left3A_480 : vector<16xi32>
        %bitcast3A = vector.bitcast %shift_left3A_481 : vector<16xi32> to vector<16xf32>
        %and3A_482 = arith.andi %gather3A_474, %broadcast_in_dim3A_361 : vector<16xi32>
        %bitcast3A_483 = vector.bitcast %and3A_482 : vector<16xi32> to vector<16xf32>
        %shift_left3A_484 = arith.constant 16 : i32
        %shift_left3A_485 = vector.broadcast %shift_left3A_484 : i32 to vector<16xi32>
        %shift_left3A_486 = arith.shli %gather3A_479, %shift_left3A_485 : vector<16xi32>
        %bitcast3A_487 = vector.bitcast %shift_left3A_486 : vector<16xi32> to vector<16xf32>
        %and3A_488 = arith.andi %gather3A_479, %broadcast_in_dim3A_361 : vector<16xi32>
        %bitcast3A_489 = vector.bitcast %and3A_488 : vector<16xi32> to vector<16xf32>
        %mul3A_490 = arith.mulf %bitcast3A, %bitcast3A_487 : vector<16xf32>
        %add3A_491 = arith.addf %scan3A_458, %mul3A_490 : vector<16xf32>
        %mul3A_492 = arith.mulf %bitcast3A_483, %bitcast3A_489 : vector<16xf32>
        %add3A_493 = arith.addf %add3A_491, %mul3A_492 : vector<16xf32>
        %gather3A_494 = arith.constant 0 : i32
        %gather3A_495 = arith.constant 0 : i32
        %gather3A_496 = tpu.memref_slice %arg8[%scan3A_362, %gather3A_494, %gather3A_495] : memref<4x80x64xi32, #tpu.memory_space<vmem>> -> memref<1x80x64xi32, #tpu.memory_space<vmem>>
        %gather3A_497 = tpu.memref_squeeze %gather3A_496 : memref<1x80x64xi32, #tpu.memory_space<vmem>> -> memref<80x64xi32, #tpu.memory_space<vmem>>
        %gather3A_498 = tpu.vector_load_idx %gather3A_497[%add3A_8, %and3A_470] : memref<80x64xi32, #tpu.memory_space<vmem>>[vector<16xi32>, vector<16xi32>], vector<16xi32>,
        %gather3A_499 = arith.constant 0 : i32
        %gather3A_500 = arith.constant 0 : i32
        %gather3A_501 = tpu.memref_slice %arg9[%scan3A_363, %gather3A_499, %gather3A_500] : memref<4x80x64xi32, #tpu.memory_space<vmem>> -> memref<1x80x64xi32, #tpu.memory_space<vmem>>
        %gather3A_502 = tpu.memref_squeeze %gather3A_501 : memref<1x80x64xi32, #tpu.memory_space<vmem>> -> memref<80x64xi32, #tpu.memory_space<vmem>>
        %gather3A_503 = tpu.vector_load_idx %gather3A_502[%add3A_8, %and3A_470] : memref<80x64xi32, #tpu.memory_space<vmem>>[vector<16xi32>, vector<16xi32>], vector<16xi32>,
        %shift_left3A_504 = arith.constant 16 : i32
        %shift_left3A_505 = vector.broadcast %shift_left3A_504 : i32 to vector<16xi32>
        %shift_left3A_506 = arith.shli %gather3A_498, %shift_left3A_505 : vector<16xi32>
        %bitcast3A_507 = vector.bitcast %shift_left3A_506 : vector<16xi32> to vector<16xf32>
        %and3A_508 = arith.andi %gather3A_498, %broadcast_in_dim3A_361 : vector<16xi32>
        %bitcast3A_509 = vector.bitcast %and3A_508 : vector<16xi32> to vector<16xf32>
        %shift_left3A_510 = arith.constant 16 : i32
        %shift_left3A_511 = vector.broadcast %shift_left3A_510 : i32 to vector<16xi32>
        %shift_left3A_512 = arith.shli %gather3A_503, %shift_left3A_511 : vector<16xi32>
        %bitcast3A_513 = vector.bitcast %shift_left3A_512 : vector<16xi32> to vector<16xf32>
        %and3A_514 = arith.andi %gather3A_503, %broadcast_in_dim3A_361 : vector<16xi32>
        %bitcast3A_515 = vector.bitcast %and3A_514 : vector<16xi32> to vector<16xf32>
        %mul3A_516 = arith.mulf %bitcast3A_507, %bitcast3A_513 : vector<16xf32>
        %add3A_517 = arith.addf %scan3A_459, %mul3A_516 : vector<16xf32>
        %mul3A_518 = arith.mulf %bitcast3A_509, %bitcast3A_515 : vector<16xf32>
        %add3A_519 = arith.addf %add3A_517, %mul3A_518 : vector<16xf32>
        %gather3A_520 = arith.constant 0 : i32
        %gather3A_521 = arith.constant 0 : i32
        %gather3A_522 = tpu.memref_slice %arg8[%scan3A_362, %gather3A_520, %gather3A_521] : memref<4x80x64xi32, #tpu.memory_space<vmem>> -> memref<1x80x64xi32, #tpu.memory_space<vmem>>
        %gather3A_523 = tpu.memref_squeeze %gather3A_522 : memref<1x80x64xi32, #tpu.memory_space<vmem>> -> memref<80x64xi32, #tpu.memory_space<vmem>>
        %gather3A_524 = tpu.vector_load_idx %gather3A_523[%add3A_11, %and3A_470] : memref<80x64xi32, #tpu.memory_space<vmem>>[vector<16xi32>, vector<16xi32>], vector<16xi32>,
        %gather3A_525 = arith.constant 0 : i32
        %gather3A_526 = arith.constant 0 : i32
        %gather3A_527 = tpu.memref_slice %arg9[%scan3A_363, %gather3A_525, %gather3A_526] : memref<4x80x64xi32, #tpu.memory_space<vmem>> -> memref<1x80x64xi32, #tpu.memory_space<vmem>>
        %gather3A_528 = tpu.memref_squeeze %gather3A_527 : memref<1x80x64xi32, #tpu.memory_space<vmem>> -> memref<80x64xi32, #tpu.memory_space<vmem>>
        %gather3A_529 = tpu.vector_load_idx %gather3A_528[%add3A_11, %and3A_470] : memref<80x64xi32, #tpu.memory_space<vmem>>[vector<16xi32>, vector<16xi32>], vector<16xi32>,
        %shift_left3A_530 = arith.constant 16 : i32
        %shift_left3A_531 = vector.broadcast %shift_left3A_530 : i32 to vector<16xi32>
        %shift_left3A_532 = arith.shli %gather3A_524, %shift_left3A_531 : vector<16xi32>
        %bitcast3A_533 = vector.bitcast %shift_left3A_532 : vector<16xi32> to vector<16xf32>
        %and3A_534 = arith.andi %gather3A_524, %broadcast_in_dim3A_361 : vector<16xi32>
        %bitcast3A_535 = vector.bitcast %and3A_534 : vector<16xi32> to vector<16xf32>
        %shift_left3A_536 = arith.constant 16 : i32
        %shift_left3A_537 = vector.broadcast %shift_left3A_536 : i32 to vector<16xi32>
        %shift_left3A_538 = arith.shli %gather3A_529, %shift_left3A_537 : vector<16xi32>
        %bitcast3A_539 = vector.bitcast %shift_left3A_538 : vector<16xi32> to vector<16xf32>
        %and3A_540 = arith.andi %gather3A_529, %broadcast_in_dim3A_361 : vector<16xi32>
        %bitcast3A_541 = vector.bitcast %and3A_540 : vector<16xi32> to vector<16xf32>
        %mul3A_542 = arith.mulf %bitcast3A_533, %bitcast3A_539 : vector<16xf32>
        %add3A_543 = arith.addf %scan3A_460, %mul3A_542 : vector<16xf32>
        %mul3A_544 = arith.mulf %bitcast3A_535, %bitcast3A_541 : vector<16xf32>
        %add3A_545 = arith.addf %add3A_543, %mul3A_544 : vector<16xf32>
        %gather3A_546 = arith.constant 0 : i32
        %gather3A_547 = arith.constant 0 : i32
        %gather3A_548 = tpu.memref_slice %arg8[%scan3A_362, %gather3A_546, %gather3A_547] : memref<4x80x64xi32, #tpu.memory_space<vmem>> -> memref<1x80x64xi32, #tpu.memory_space<vmem>>
        %gather3A_549 = tpu.memref_squeeze %gather3A_548 : memref<1x80x64xi32, #tpu.memory_space<vmem>> -> memref<80x64xi32, #tpu.memory_space<vmem>>
        %gather3A_550 = tpu.vector_load_idx %gather3A_549[%add3A_14, %and3A_470] : memref<80x64xi32, #tpu.memory_space<vmem>>[vector<16xi32>, vector<16xi32>], vector<16xi32>,
        %gather3A_551 = arith.constant 0 : i32
        %gather3A_552 = arith.constant 0 : i32
        %gather3A_553 = tpu.memref_slice %arg9[%scan3A_363, %gather3A_551, %gather3A_552] : memref<4x80x64xi32, #tpu.memory_space<vmem>> -> memref<1x80x64xi32, #tpu.memory_space<vmem>>
        %gather3A_554 = tpu.memref_squeeze %gather3A_553 : memref<1x80x64xi32, #tpu.memory_space<vmem>> -> memref<80x64xi32, #tpu.memory_space<vmem>>
        %gather3A_555 = tpu.vector_load_idx %gather3A_554[%add3A_14, %and3A_470] : memref<80x64xi32, #tpu.memory_space<vmem>>[vector<16xi32>, vector<16xi32>], vector<16xi32>,
        %shift_left3A_556 = arith.constant 16 : i32
        %shift_left3A_557 = vector.broadcast %shift_left3A_556 : i32 to vector<16xi32>
        %shift_left3A_558 = arith.shli %gather3A_550, %shift_left3A_557 : vector<16xi32>
        %bitcast3A_559 = vector.bitcast %shift_left3A_558 : vector<16xi32> to vector<16xf32>
        %and3A_560 = arith.andi %gather3A_550, %broadcast_in_dim3A_361 : vector<16xi32>
        %bitcast3A_561 = vector.bitcast %and3A_560 : vector<16xi32> to vector<16xf32>
        %shift_left3A_562 = arith.constant 16 : i32
        %shift_left3A_563 = vector.broadcast %shift_left3A_562 : i32 to vector<16xi32>
        %shift_left3A_564 = arith.shli %gather3A_555, %shift_left3A_563 : vector<16xi32>
        %bitcast3A_565 = vector.bitcast %shift_left3A_564 : vector<16xi32> to vector<16xf32>
        %and3A_566 = arith.andi %gather3A_555, %broadcast_in_dim3A_361 : vector<16xi32>
        %bitcast3A_567 = vector.bitcast %and3A_566 : vector<16xi32> to vector<16xf32>
        %mul3A_568 = arith.mulf %bitcast3A_559, %bitcast3A_565 : vector<16xf32>
        %add3A_569 = arith.addf %scan3A_461, %mul3A_568 : vector<16xf32>
        %mul3A_570 = arith.mulf %bitcast3A_561, %bitcast3A_567 : vector<16xf32>
        %add3A_571 = arith.addf %add3A_569, %mul3A_570 : vector<16xf32>
        %gather3A_572 = arith.constant 0 : i32
        %gather3A_573 = arith.constant 0 : i32
        %gather3A_574 = tpu.memref_slice %arg8[%scan3A_362, %gather3A_572, %gather3A_573] : memref<4x80x64xi32, #tpu.memory_space<vmem>> -> memref<1x80x64xi32, #tpu.memory_space<vmem>>
        %gather3A_575 = tpu.memref_squeeze %gather3A_574 : memref<1x80x64xi32, #tpu.memory_space<vmem>> -> memref<80x64xi32, #tpu.memory_space<vmem>>
        %gather3A_576 = tpu.vector_load_idx %gather3A_575[%add3A_17, %and3A_470] : memref<80x64xi32, #tpu.memory_space<vmem>>[vector<16xi32>, vector<16xi32>], vector<16xi32>,
        %gather3A_577 = arith.constant 0 : i32
        %gather3A_578 = arith.constant 0 : i32
        %gather3A_579 = tpu.memref_slice %arg9[%scan3A_363, %gather3A_577, %gather3A_578] : memref<4x80x64xi32, #tpu.memory_space<vmem>> -> memref<1x80x64xi32, #tpu.memory_space<vmem>>
        %gather3A_580 = tpu.memref_squeeze %gather3A_579 : memref<1x80x64xi32, #tpu.memory_space<vmem>> -> memref<80x64xi32, #tpu.memory_space<vmem>>
        %gather3A_581 = tpu.vector_load_idx %gather3A_580[%add3A_17, %and3A_470] : memref<80x64xi32, #tpu.memory_space<vmem>>[vector<16xi32>, vector<16xi32>], vector<16xi32>,
        %shift_left3A_582 = arith.constant 16 : i32
        %shift_left3A_583 = vector.broadcast %shift_left3A_582 : i32 to vector<16xi32>
        %shift_left3A_584 = arith.shli %gather3A_576, %shift_left3A_583 : vector<16xi32>
        %bitcast3A_585 = vector.bitcast %shift_left3A_584 : vector<16xi32> to vector<16xf32>
        %and3A_586 = arith.andi %gather3A_576, %broadcast_in_dim3A_361 : vector<16xi32>
        %bitcast3A_587 = vector.bitcast %and3A_586 : vector<16xi32> to vector<16xf32>
        %shift_left3A_588 = arith.constant 16 : i32
        %shift_left3A_589 = vector.broadcast %shift_left3A_588 : i32 to vector<16xi32>
        %shift_left3A_590 = arith.shli %gather3A_581, %shift_left3A_589 : vector<16xi32>
        %bitcast3A_591 = vector.bitcast %shift_left3A_590 : vector<16xi32> to vector<16xf32>
        %and3A_592 = arith.andi %gather3A_581, %broadcast_in_dim3A_361 : vector<16xi32>
        %bitcast3A_593 = vector.bitcast %and3A_592 : vector<16xi32> to vector<16xf32>
        %mul3A_594 = arith.mulf %bitcast3A_585, %bitcast3A_591 : vector<16xf32>
        %add3A_595 = arith.addf %scan3A_462, %mul3A_594 : vector<16xf32>
        %mul3A_596 = arith.mulf %bitcast3A_587, %bitcast3A_593 : vector<16xf32>
        %add3A_597 = arith.addf %add3A_595, %mul3A_596 : vector<16xf32>
        %mul3A_598 = arith.constant 2 : i32
        %mul3A_599 = arith.muli %scan3A_457, %mul3A_598 : i32
        %add3A_600 = arith.constant 1 : i32
        %add3A_601 = arith.addi %mul3A_599, %add3A_600 : i32
        %add3A_602 = vector.broadcast %add3A_601 : i32 to vector<16xi32>
        %add3A_603 = arith.addi %iota3A, %add3A_602 : vector<16xi32>
        %and3A_604 = arith.constant 63 : i32
        %and3A_605 = vector.broadcast %and3A_604 : i32 to vector<16xi32>
        %and3A_606 = arith.andi %add3A_603, %and3A_605 : vector<16xi32>
        %gather3A_607 = arith.constant 0 : i32
        %gather3A_608 = arith.constant 0 : i32
        %gather3A_609 = tpu.memref_slice %arg8[%scan3A_362, %gather3A_607, %gather3A_608] : memref<4x80x64xi32, #tpu.memory_space<vmem>> -> memref<1x80x64xi32, #tpu.memory_space<vmem>>
        %gather3A_610 = tpu.memref_squeeze %gather3A_609 : memref<1x80x64xi32, #tpu.memory_space<vmem>> -> memref<80x64xi32, #tpu.memory_space<vmem>>
        %gather3A_611 = tpu.vector_load_idx %gather3A_610[%add3A_5, %and3A_606] : memref<80x64xi32, #tpu.memory_space<vmem>>[vector<16xi32>, vector<16xi32>], vector<16xi32>,
        %gather3A_612 = arith.constant 0 : i32
        %gather3A_613 = arith.constant 0 : i32
        %gather3A_614 = tpu.memref_slice %arg9[%scan3A_363, %gather3A_612, %gather3A_613] : memref<4x80x64xi32, #tpu.memory_space<vmem>> -> memref<1x80x64xi32, #tpu.memory_space<vmem>>
        %gather3A_615 = tpu.memref_squeeze %gather3A_614 : memref<1x80x64xi32, #tpu.memory_space<vmem>> -> memref<80x64xi32, #tpu.memory_space<vmem>>
        %gather3A_616 = tpu.vector_load_idx %gather3A_615[%add3A_5, %and3A_606] : memref<80x64xi32, #tpu.memory_space<vmem>>[vector<16xi32>, vector<16xi32>], vector<16xi32>,
        %shift_left3A_617 = arith.constant 16 : i32
        %shift_left3A_618 = vector.broadcast %shift_left3A_617 : i32 to vector<16xi32>
        %shift_left3A_619 = arith.shli %gather3A_611, %shift_left3A_618 : vector<16xi32>
        %bitcast3A_620 = vector.bitcast %shift_left3A_619 : vector<16xi32> to vector<16xf32>
        %and3A_621 = arith.andi %gather3A_611, %broadcast_in_dim3A_361 : vector<16xi32>
        %bitcast3A_622 = vector.bitcast %and3A_621 : vector<16xi32> to vector<16xf32>
        %shift_left3A_623 = arith.constant 16 : i32
        %shift_left3A_624 = vector.broadcast %shift_left3A_623 : i32 to vector<16xi32>
        %shift_left3A_625 = arith.shli %gather3A_616, %shift_left3A_624 : vector<16xi32>
        %bitcast3A_626 = vector.bitcast %shift_left3A_625 : vector<16xi32> to vector<16xf32>
        %and3A_627 = arith.andi %gather3A_616, %broadcast_in_dim3A_361 : vector<16xi32>
        %bitcast3A_628 = vector.bitcast %and3A_627 : vector<16xi32> to vector<16xf32>
        %mul3A_629 = arith.mulf %bitcast3A_620, %bitcast3A_626 : vector<16xf32>
        %add3A_630 = arith.addf %add3A_493, %mul3A_629 : vector<16xf32>
        %mul3A_631 = arith.mulf %bitcast3A_622, %bitcast3A_628 : vector<16xf32>
        %add3A_632 = arith.addf %add3A_630, %mul3A_631 : vector<16xf32>
        %gather3A_633 = arith.constant 0 : i32
        %gather3A_634 = arith.constant 0 : i32
        %gather3A_635 = tpu.memref_slice %arg8[%scan3A_362, %gather3A_633, %gather3A_634] : memref<4x80x64xi32, #tpu.memory_space<vmem>> -> memref<1x80x64xi32, #tpu.memory_space<vmem>>
        %gather3A_636 = tpu.memref_squeeze %gather3A_635 : memref<1x80x64xi32, #tpu.memory_space<vmem>> -> memref<80x64xi32, #tpu.memory_space<vmem>>
        %gather3A_637 = tpu.vector_load_idx %gather3A_636[%add3A_8, %and3A_606] : memref<80x64xi32, #tpu.memory_space<vmem>>[vector<16xi32>, vector<16xi32>], vector<16xi32>,
        %gather3A_638 = arith.constant 0 : i32
        %gather3A_639 = arith.constant 0 : i32
        %gather3A_640 = tpu.memref_slice %arg9[%scan3A_363, %gather3A_638, %gather3A_639] : memref<4x80x64xi32, #tpu.memory_space<vmem>> -> memref<1x80x64xi32, #tpu.memory_space<vmem>>
        %gather3A_641 = tpu.memref_squeeze %gather3A_640 : memref<1x80x64xi32, #tpu.memory_space<vmem>> -> memref<80x64xi32, #tpu.memory_space<vmem>>
        %gather3A_642 = tpu.vector_load_idx %gather3A_641[%add3A_8, %and3A_606] : memref<80x64xi32, #tpu.memory_space<vmem>>[vector<16xi32>, vector<16xi32>], vector<16xi32>,
        %shift_left3A_643 = arith.constant 16 : i32
        %shift_left3A_644 = vector.broadcast %shift_left3A_643 : i32 to vector<16xi32>
        %shift_left3A_645 = arith.shli %gather3A_637, %shift_left3A_644 : vector<16xi32>
        %bitcast3A_646 = vector.bitcast %shift_left3A_645 : vector<16xi32> to vector<16xf32>
        %and3A_647 = arith.andi %gather3A_637, %broadcast_in_dim3A_361 : vector<16xi32>
        %bitcast3A_648 = vector.bitcast %and3A_647 : vector<16xi32> to vector<16xf32>
        %shift_left3A_649 = arith.constant 16 : i32
        %shift_left3A_650 = vector.broadcast %shift_left3A_649 : i32 to vector<16xi32>
        %shift_left3A_651 = arith.shli %gather3A_642, %shift_left3A_650 : vector<16xi32>
        %bitcast3A_652 = vector.bitcast %shift_left3A_651 : vector<16xi32> to vector<16xf32>
        %and3A_653 = arith.andi %gather3A_642, %broadcast_in_dim3A_361 : vector<16xi32>
        %bitcast3A_654 = vector.bitcast %and3A_653 : vector<16xi32> to vector<16xf32>
        %mul3A_655 = arith.mulf %bitcast3A_646, %bitcast3A_652 : vector<16xf32>
        %add3A_656 = arith.addf %add3A_519, %mul3A_655 : vector<16xf32>
        %mul3A_657 = arith.mulf %bitcast3A_648, %bitcast3A_654 : vector<16xf32>
        %add3A_658 = arith.addf %add3A_656, %mul3A_657 : vector<16xf32>
        %gather3A_659 = arith.constant 0 : i32
        %gather3A_660 = arith.constant 0 : i32
        %gather3A_661 = tpu.memref_slice %arg8[%scan3A_362, %gather3A_659, %gather3A_660] : memref<4x80x64xi32, #tpu.memory_space<vmem>> -> memref<1x80x64xi32, #tpu.memory_space<vmem>>
        %gather3A_662 = tpu.memref_squeeze %gather3A_661 : memref<1x80x64xi32, #tpu.memory_space<vmem>> -> memref<80x64xi32, #tpu.memory_space<vmem>>
        %gather3A_663 = tpu.vector_load_idx %gather3A_662[%add3A_11, %and3A_606] : memref<80x64xi32, #tpu.memory_space<vmem>>[vector<16xi32>, vector<16xi32>], vector<16xi32>,
        %gather3A_664 = arith.constant 0 : i32
        %gather3A_665 = arith.constant 0 : i32
        %gather3A_666 = tpu.memref_slice %arg9[%scan3A_363, %gather3A_664, %gather3A_665] : memref<4x80x64xi32, #tpu.memory_space<vmem>> -> memref<1x80x64xi32, #tpu.memory_space<vmem>>
        %gather3A_667 = tpu.memref_squeeze %gather3A_666 : memref<1x80x64xi32, #tpu.memory_space<vmem>> -> memref<80x64xi32, #tpu.memory_space<vmem>>
        %gather3A_668 = tpu.vector_load_idx %gather3A_667[%add3A_11, %and3A_606] : memref<80x64xi32, #tpu.memory_space<vmem>>[vector<16xi32>, vector<16xi32>], vector<16xi32>,
        %shift_left3A_669 = arith.constant 16 : i32
        %shift_left3A_670 = vector.broadcast %shift_left3A_669 : i32 to vector<16xi32>
        %shift_left3A_671 = arith.shli %gather3A_663, %shift_left3A_670 : vector<16xi32>
        %bitcast3A_672 = vector.bitcast %shift_left3A_671 : vector<16xi32> to vector<16xf32>
        %and3A_673 = arith.andi %gather3A_663, %broadcast_in_dim3A_361 : vector<16xi32>
        %bitcast3A_674 = vector.bitcast %and3A_673 : vector<16xi32> to vector<16xf32>
        %shift_left3A_675 = arith.constant 16 : i32
        %shift_left3A_676 = vector.broadcast %shift_left3A_675 : i32 to vector<16xi32>
        %shift_left3A_677 = arith.shli %gather3A_668, %shift_left3A_676 : vector<16xi32>
        %bitcast3A_678 = vector.bitcast %shift_left3A_677 : vector<16xi32> to vector<16xf32>
        %and3A_679 = arith.andi %gather3A_668, %broadcast_in_dim3A_361 : vector<16xi32>
        %bitcast3A_680 = vector.bitcast %and3A_679 : vector<16xi32> to vector<16xf32>
        %mul3A_681 = arith.mulf %bitcast3A_672, %bitcast3A_678 : vector<16xf32>
        %add3A_682 = arith.addf %add3A_545, %mul3A_681 : vector<16xf32>
        %mul3A_683 = arith.mulf %bitcast3A_674, %bitcast3A_680 : vector<16xf32>
        %add3A_684 = arith.addf %add3A_682, %mul3A_683 : vector<16xf32>
        %gather3A_685 = arith.constant 0 : i32
        %gather3A_686 = arith.constant 0 : i32
        %gather3A_687 = tpu.memref_slice %arg8[%scan3A_362, %gather3A_685, %gather3A_686] : memref<4x80x64xi32, #tpu.memory_space<vmem>> -> memref<1x80x64xi32, #tpu.memory_space<vmem>>
        %gather3A_688 = tpu.memref_squeeze %gather3A_687 : memref<1x80x64xi32, #tpu.memory_space<vmem>> -> memref<80x64xi32, #tpu.memory_space<vmem>>
        %gather3A_689 = tpu.vector_load_idx %gather3A_688[%add3A_14, %and3A_606] : memref<80x64xi32, #tpu.memory_space<vmem>>[vector<16xi32>, vector<16xi32>], vector<16xi32>,
        %gather3A_690 = arith.constant 0 : i32
        %gather3A_691 = arith.constant 0 : i32
        %gather3A_692 = tpu.memref_slice %arg9[%scan3A_363, %gather3A_690, %gather3A_691] : memref<4x80x64xi32, #tpu.memory_space<vmem>> -> memref<1x80x64xi32, #tpu.memory_space<vmem>>
        %gather3A_693 = tpu.memref_squeeze %gather3A_692 : memref<1x80x64xi32, #tpu.memory_space<vmem>> -> memref<80x64xi32, #tpu.memory_space<vmem>>
        %gather3A_694 = tpu.vector_load_idx %gather3A_693[%add3A_14, %and3A_606] : memref<80x64xi32, #tpu.memory_space<vmem>>[vector<16xi32>, vector<16xi32>], vector<16xi32>,
        %shift_left3A_695 = arith.constant 16 : i32
        %shift_left3A_696 = vector.broadcast %shift_left3A_695 : i32 to vector<16xi32>
        %shift_left3A_697 = arith.shli %gather3A_689, %shift_left3A_696 : vector<16xi32>
        %bitcast3A_698 = vector.bitcast %shift_left3A_697 : vector<16xi32> to vector<16xf32>
        %and3A_699 = arith.andi %gather3A_689, %broadcast_in_dim3A_361 : vector<16xi32>
        %bitcast3A_700 = vector.bitcast %and3A_699 : vector<16xi32> to vector<16xf32>
        %shift_left3A_701 = arith.constant 16 : i32
        %shift_left3A_702 = vector.broadcast %shift_left3A_701 : i32 to vector<16xi32>
        %shift_left3A_703 = arith.shli %gather3A_694, %shift_left3A_702 : vector<16xi32>
        %bitcast3A_704 = vector.bitcast %shift_left3A_703 : vector<16xi32> to vector<16xf32>
        %and3A_705 = arith.andi %gather3A_694, %broadcast_in_dim3A_361 : vector<16xi32>
        %bitcast3A_706 = vector.bitcast %and3A_705 : vector<16xi32> to vector<16xf32>
        %mul3A_707 = arith.mulf %bitcast3A_698, %bitcast3A_704 : vector<16xf32>
        %add3A_708 = arith.addf %add3A_571, %mul3A_707 : vector<16xf32>
        %mul3A_709 = arith.mulf %bitcast3A_700, %bitcast3A_706 : vector<16xf32>
        %add3A_710 = arith.addf %add3A_708, %mul3A_709 : vector<16xf32>
        %gather3A_711 = arith.constant 0 : i32
        %gather3A_712 = arith.constant 0 : i32
        %gather3A_713 = tpu.memref_slice %arg8[%scan3A_362, %gather3A_711, %gather3A_712] : memref<4x80x64xi32, #tpu.memory_space<vmem>> -> memref<1x80x64xi32, #tpu.memory_space<vmem>>
        %gather3A_714 = tpu.memref_squeeze %gather3A_713 : memref<1x80x64xi32, #tpu.memory_space<vmem>> -> memref<80x64xi32, #tpu.memory_space<vmem>>
        %gather3A_715 = tpu.vector_load_idx %gather3A_714[%add3A_17, %and3A_606] : memref<80x64xi32, #tpu.memory_space<vmem>>[vector<16xi32>, vector<16xi32>], vector<16xi32>,
        %gather3A_716 = arith.constant 0 : i32
        %gather3A_717 = arith.constant 0 : i32
        %gather3A_718 = tpu.memref_slice %arg9[%scan3A_363, %gather3A_716, %gather3A_717] : memref<4x80x64xi32, #tpu.memory_space<vmem>> -> memref<1x80x64xi32, #tpu.memory_space<vmem>>
        %gather3A_719 = tpu.memref_squeeze %gather3A_718 : memref<1x80x64xi32, #tpu.memory_space<vmem>> -> memref<80x64xi32, #tpu.memory_space<vmem>>
        %gather3A_720 = tpu.vector_load_idx %gather3A_719[%add3A_17, %and3A_606] : memref<80x64xi32, #tpu.memory_space<vmem>>[vector<16xi32>, vector<16xi32>], vector<16xi32>,
        %shift_left3A_721 = arith.constant 16 : i32
        %shift_left3A_722 = vector.broadcast %shift_left3A_721 : i32 to vector<16xi32>
        %shift_left3A_723 = arith.shli %gather3A_715, %shift_left3A_722 : vector<16xi32>
        %bitcast3A_724 = vector.bitcast %shift_left3A_723 : vector<16xi32> to vector<16xf32>
        %and3A_725 = arith.andi %gather3A_715, %broadcast_in_dim3A_361 : vector<16xi32>
        %bitcast3A_726 = vector.bitcast %and3A_725 : vector<16xi32> to vector<16xf32>
        %shift_left3A_727 = arith.constant 16 : i32
        %shift_left3A_728 = vector.broadcast %shift_left3A_727 : i32 to vector<16xi32>
        %shift_left3A_729 = arith.shli %gather3A_720, %shift_left3A_728 : vector<16xi32>
        %bitcast3A_730 = vector.bitcast %shift_left3A_729 : vector<16xi32> to vector<16xf32>
        %and3A_731 = arith.andi %gather3A_720, %broadcast_in_dim3A_361 : vector<16xi32>
        %bitcast3A_732 = vector.bitcast %and3A_731 : vector<16xi32> to vector<16xf32>
        %mul3A_733 = arith.mulf %bitcast3A_724, %bitcast3A_730 : vector<16xf32>
        %add3A_734 = arith.addf %add3A_597, %mul3A_733 : vector<16xf32>
        %mul3A_735 = arith.mulf %bitcast3A_726, %bitcast3A_732 : vector<16xf32>
        %add3A_736 = arith.addf %add3A_734, %mul3A_735 : vector<16xf32>
        scf.yield %add3A_632, %add3A_658, %add3A_684, %add3A_710, %add3A_736 : vector<16xf32>, vector<16xf32>, vector<16xf32>, vector<16xf32>, vector<16xf32>
      }
      %scan3A_369 = arith.constant 32 : i32
      %add3A_370 = arith.constant 0 : i32
      %add3A_371 = arith.addi %mul3A_359, %add3A_370 : i32
      %swap3A_372 = arith.index_cast %add3A_371 : i32 to index
      %swap3A_373 = tpu.vector_load %arg10[%swap3A_372] {strides = array<i32>} : memref<10000xf32, #tpu.memory_space<vmem>>, vector<16xf32>,
      tpu.vector_store %arg10[%swap3A_372], %scan3A_368#0 {strides = array<i32>} : memref<10000xf32, #tpu.memory_space<vmem>>, vector<16xf32>,
      %add3A_374 = arith.constant 16 : i32
      %add3A_375 = arith.addi %mul3A_359, %add3A_374 : i32
      %swap3A_376 = arith.index_cast %add3A_375 : i32 to index
      %swap3A_377 = tpu.vector_load %arg10[%swap3A_376] {strides = array<i32>} : memref<10000xf32, #tpu.memory_space<vmem>>, vector<16xf32>,
      tpu.vector_store %arg10[%swap3A_376], %scan3A_368#1 {strides = array<i32>} : memref<10000xf32, #tpu.memory_space<vmem>>, vector<16xf32>,
      %add3A_378 = arith.constant 32 : i32
      %add3A_379 = arith.addi %mul3A_359, %add3A_378 : i32
      %swap3A_380 = arith.index_cast %add3A_379 : i32 to index
      %swap3A_381 = tpu.vector_load %arg10[%swap3A_380] {strides = array<i32>} : memref<10000xf32, #tpu.memory_space<vmem>>, vector<16xf32>,
      tpu.vector_store %arg10[%swap3A_380], %scan3A_368#2 {strides = array<i32>} : memref<10000xf32, #tpu.memory_space<vmem>>, vector<16xf32>,
      %add3A_382 = arith.constant 48 : i32
      %add3A_383 = arith.addi %mul3A_359, %add3A_382 : i32
      %swap3A_384 = arith.index_cast %add3A_383 : i32 to index
      %swap3A_385 = tpu.vector_load %arg10[%swap3A_384] {strides = array<i32>} : memref<10000xf32, #tpu.memory_space<vmem>>, vector<16xf32>,
      tpu.vector_store %arg10[%swap3A_384], %scan3A_368#3 {strides = array<i32>} : memref<10000xf32, #tpu.memory_space<vmem>>, vector<16xf32>,
      %add3A_386 = arith.constant 64 : i32
      %add3A_387 = arith.addi %mul3A_359, %add3A_386 : i32
      %swap3A_388 = arith.index_cast %add3A_387 : i32 to index
      %swap3A_389 = tpu.vector_load %arg10[%swap3A_388] {strides = array<i32>} : memref<10000xf32, #tpu.memory_space<vmem>>, vector<16xf32>,
      tpu.vector_store %arg10[%swap3A_388], %scan3A_368#4 {strides = array<i32>} : memref<10000xf32, #tpu.memory_space<vmem>>, vector<16xf32>,
      %lt3A_390 = arith.constant 30 : i32
      %lt3A_391 = arith.cmpi slt, %scan3A_193, %lt3A_390 : i32
      %convert_element_type3A_392 = arith.extui %lt3A_391 : i1 to i32
      %cond3A_393 = arith.constant 0 : i32
      %cond3A_394 = arith.cmpi ne, %convert_element_type3A_392, %cond3A_393 : i32
      scf.if %cond3A_394 {
        %add3A_457 = arith.constant 4 : i32
        %add3A_458 = arith.addi %add3A_336, %add3A_457 : i32
        %mul3A_459 = arith.constant 80 : i32
        %mul3A_460 = arith.muli %add3A_458, %mul3A_459 : i32
        %multiple_of3A_461 = tpu.assume_multiple %mul3A_460, 8 : i32
        %dma_start3A_462 = arith.constant 2 : i32
        %dma_start3A_463 = arith.constant 0 : i32
        %dma_start3A_464 = arith.constant 0 : i32
        %dma_start3A_465 = tpu.memref_slice %arg8[%dma_start3A_462, %dma_start3A_463, %dma_start3A_464] : memref<4x80x64xi32, #tpu.memory_space<vmem>> -> memref<1x80x64xi32, #tpu.memory_space<vmem>>
        %dma_start3A_466 = tpu.memref_squeeze %dma_start3A_465 : memref<1x80x64xi32, #tpu.memory_space<vmem>> -> memref<80x64xi32, #tpu.memory_space<vmem>>
        %dma_start3A_467 = tpu.memref_slice %arg6[%multiple_of3A_461] : memref<10000xi32, #tpu.memory_space<vmem>> -> memref<80xi32, #tpu.memory_space<vmem>>
        %dma_start3A_468 = arith.constant 0 : i32
        %dma_start3A_469 = arith.constant 0 : i32
        %dma_start3A_470 = tpu.memref_slice %arg2[%dma_start3A_468, %dma_start3A_469] : memref<10000x64xi32, #tpu.memory_space<hbm>> -> memref<10000x64xi32, #tpu.memory_space<hbm>>
        tpu.enqueue_indirect_dma source(%dma_start3A_470 : memref<10000x64xi32, #tpu.memory_space<hbm>>) target(%dma_start3A_466 : memref<80x64xi32, #tpu.memory_space<vmem>>) offsets(%dma_start3A_467 : memref<80xi32, #tpu.memory_space<vmem>>) semaphore(%arg13 : memref<!tpu.dma_semaphore, #tpu.memory_space<semaphore_mem>>)
        %dma_start3A_471 = arith.constant 2 : i32
        %dma_start3A_472 = arith.constant 0 : i32
        %dma_start3A_473 = arith.constant 0 : i32
        %dma_start3A_474 = tpu.memref_slice %arg9[%dma_start3A_471, %dma_start3A_472, %dma_start3A_473] : memref<4x80x64xi32, #tpu.memory_space<vmem>> -> memref<1x80x64xi32, #tpu.memory_space<vmem>>
        %dma_start3A_475 = tpu.memref_squeeze %dma_start3A_474 : memref<1x80x64xi32, #tpu.memory_space<vmem>> -> memref<80x64xi32, #tpu.memory_space<vmem>>
        %dma_start3A_476 = tpu.memref_slice %arg7[%multiple_of3A_461] : memref<10000xi32, #tpu.memory_space<vmem>> -> memref<80xi32, #tpu.memory_space<vmem>>
        %dma_start3A_477 = arith.constant 0 : i32
        %dma_start3A_478 = arith.constant 0 : i32
        %dma_start3A_479 = tpu.memref_slice %arg2[%dma_start3A_477, %dma_start3A_478] : memref<10000x64xi32, #tpu.memory_space<hbm>> -> memref<10000x64xi32, #tpu.memory_space<hbm>>
        tpu.enqueue_indirect_dma source(%dma_start3A_479 : memref<10000x64xi32, #tpu.memory_space<hbm>>) target(%dma_start3A_475 : memref<80x64xi32, #tpu.memory_space<vmem>>) offsets(%dma_start3A_476 : memref<80xi32, #tpu.memory_space<vmem>>) semaphore(%arg13 : memref<!tpu.dma_semaphore, #tpu.memory_space<semaphore_mem>>)
      } else {
      }
      %mul3A_395 = arith.constant 4 : i32
      %mul3A_396 = arith.muli %mul3A_395, %scan3A_193 : i32
      %add3A_397 = arith.constant 3 : i32
      %add3A_398 = arith.addi %mul3A_396, %add3A_397 : i32
      %mul3A_399 = arith.constant 80 : i32
      %mul3A_400 = arith.muli %add3A_398, %mul3A_399 : i32
      %multiple_of3A_401 = tpu.assume_multiple %mul3A_400, 8 : i32
      %dma_wait3A_402 = arith.constant 3 : i32
      %dma_wait3A_403 = arith.constant 0 : i32
      %dma_wait3A_404 = arith.constant 0 : i32
      %dma_wait3A_405 = tpu.memref_slice %arg8[%dma_wait3A_402, %dma_wait3A_403, %dma_wait3A_404] : memref<4x80x64xi32, #tpu.memory_space<vmem>> -> memref<1x80x64xi32, #tpu.memory_space<vmem>>
      %dma_wait3A_406 = tpu.memref_squeeze %dma_wait3A_405 : memref<1x80x64xi32, #tpu.memory_space<vmem>> -> memref<80x64xi32, #tpu.memory_space<vmem>>
      %dma_wait3A_407 = tpu.memref_slice %arg6[%multiple_of3A_401] : memref<10000xi32, #tpu.memory_space<vmem>> -> memref<80xi32, #tpu.memory_space<vmem>>
      %dma_wait3A_408 = arith.constant 0 : i32
      %dma_wait3A_409 = arith.constant 0 : i32
      %dma_wait3A_410 = tpu.memref_slice %arg2[%dma_wait3A_408, %dma_wait3A_409] : memref<10000x64xi32, #tpu.memory_space<hbm>> -> memref<10000x64xi32, #tpu.memory_space<hbm>>
      tpu.wait_indirect_dma semaphore(%arg14 : memref<!tpu.dma_semaphore, #tpu.memory_space<semaphore_mem>>) src(%dma_wait3A_410 : memref<10000x64xi32, #tpu.memory_space<hbm>>) dst(%dma_wait3A_406 : memref<80x64xi32, #tpu.memory_space<vmem>>)
      %dma_wait3A_411 = arith.constant 3 : i32
      %dma_wait3A_412 = arith.constant 0 : i32
      %dma_wait3A_413 = arith.constant 0 : i32
      %dma_wait3A_414 = tpu.memref_slice %arg9[%dma_wait3A_411, %dma_wait3A_412, %dma_wait3A_413] : memref<4x80x64xi32, #tpu.memory_space<vmem>> -> memref<1x80x64xi32, #tpu.memory_space<vmem>>
      %dma_wait3A_415 = tpu.memref_squeeze %dma_wait3A_414 : memref<1x80x64xi32, #tpu.memory_space<vmem>> -> memref<80x64xi32, #tpu.memory_space<vmem>>
      %dma_wait3A_416 = tpu.memref_slice %arg7[%multiple_of3A_401] : memref<10000xi32, #tpu.memory_space<vmem>> -> memref<80xi32, #tpu.memory_space<vmem>>
      %dma_wait3A_417 = arith.constant 0 : i32
      %dma_wait3A_418 = arith.constant 0 : i32
      %dma_wait3A_419 = tpu.memref_slice %arg2[%dma_wait3A_417, %dma_wait3A_418] : memref<10000x64xi32, #tpu.memory_space<hbm>> -> memref<10000x64xi32, #tpu.memory_space<hbm>>
      tpu.wait_indirect_dma semaphore(%arg14 : memref<!tpu.dma_semaphore, #tpu.memory_space<semaphore_mem>>) src(%dma_wait3A_419 : memref<10000x64xi32, #tpu.memory_space<hbm>>) dst(%dma_wait3A_415 : memref<80x64xi32, #tpu.memory_space<vmem>>)
      %mul3A_420 = arith.constant 80 : i32
      %mul3A_421 = arith.muli %add3A_398, %mul3A_420 : i32
      %broadcast_in_dim3A_422 = arith.constant -65536 : i32
      %broadcast_in_dim3A_423 = vector.broadcast %broadcast_in_dim3A_422 : i32 to vector<16xi32>
      %scan3A_424 = arith.constant 3 : i32
      %scan3A_425 = arith.constant 3 : i32
      %scan3A_426 = arith.constant 0 : i32
      %scan3A_427 = arith.constant 32 : i32
      %scan3A_428 = arith.addi %scan3A_426, %scan3A_427 : i32
      %scan3A_429 = arith.constant 1 : i32
      %scan3A_430:5 = scf.for %scan3A_457 = %scan3A_426 to %scan3A_428 step %scan3A_429 iter_args(%scan3A_458 = %broadcast_in_dim3A_18, %scan3A_459 = %broadcast_in_dim3A_18, %scan3A_460 = %broadcast_in_dim3A_18, %scan3A_461 = %broadcast_in_dim3A_18, %scan3A_462 = %broadcast_in_dim3A_18) -> (vector<16xf32>, vector<16xf32>, vector<16xf32>, vector<16xf32>, vector<16xf32>)  : i32 {
        %mul3A_463 = arith.constant 2 : i32
        %mul3A_464 = arith.muli %scan3A_457, %mul3A_463 : i32
        %add3A_465 = arith.constant 0 : i32
        %add3A_466 = arith.addi %mul3A_464, %add3A_465 : i32
        %add3A_467 = vector.broadcast %add3A_466 : i32 to vector<16xi32>
        %add3A_468 = arith.addi %iota3A, %add3A_467 : vector<16xi32>
        %and3A = arith.constant 63 : i32
        %and3A_469 = vector.broadcast %and3A : i32 to vector<16xi32>
        %and3A_470 = arith.andi %add3A_468, %and3A_469 : vector<16xi32>
        %gather3A = arith.constant 0 : i32
        %gather3A_471 = arith.constant 0 : i32
        %gather3A_472 = tpu.memref_slice %arg8[%scan3A_424, %gather3A, %gather3A_471] : memref<4x80x64xi32, #tpu.memory_space<vmem>> -> memref<1x80x64xi32, #tpu.memory_space<vmem>>
        %gather3A_473 = tpu.memref_squeeze %gather3A_472 : memref<1x80x64xi32, #tpu.memory_space<vmem>> -> memref<80x64xi32, #tpu.memory_space<vmem>>
        %gather3A_474 = tpu.vector_load_idx %gather3A_473[%add3A_5, %and3A_470] : memref<80x64xi32, #tpu.memory_space<vmem>>[vector<16xi32>, vector<16xi32>], vector<16xi32>,
        %gather3A_475 = arith.constant 0 : i32
        %gather3A_476 = arith.constant 0 : i32
        %gather3A_477 = tpu.memref_slice %arg9[%scan3A_425, %gather3A_475, %gather3A_476] : memref<4x80x64xi32, #tpu.memory_space<vmem>> -> memref<1x80x64xi32, #tpu.memory_space<vmem>>
        %gather3A_478 = tpu.memref_squeeze %gather3A_477 : memref<1x80x64xi32, #tpu.memory_space<vmem>> -> memref<80x64xi32, #tpu.memory_space<vmem>>
        %gather3A_479 = tpu.vector_load_idx %gather3A_478[%add3A_5, %and3A_470] : memref<80x64xi32, #tpu.memory_space<vmem>>[vector<16xi32>, vector<16xi32>], vector<16xi32>,
        %shift_left3A = arith.constant 16 : i32
        %shift_left3A_480 = vector.broadcast %shift_left3A : i32 to vector<16xi32>
        %shift_left3A_481 = arith.shli %gather3A_474, %shift_left3A_480 : vector<16xi32>
        %bitcast3A = vector.bitcast %shift_left3A_481 : vector<16xi32> to vector<16xf32>
        %and3A_482 = arith.andi %gather3A_474, %broadcast_in_dim3A_423 : vector<16xi32>
        %bitcast3A_483 = vector.bitcast %and3A_482 : vector<16xi32> to vector<16xf32>
        %shift_left3A_484 = arith.constant 16 : i32
        %shift_left3A_485 = vector.broadcast %shift_left3A_484 : i32 to vector<16xi32>
        %shift_left3A_486 = arith.shli %gather3A_479, %shift_left3A_485 : vector<16xi32>
        %bitcast3A_487 = vector.bitcast %shift_left3A_486 : vector<16xi32> to vector<16xf32>
        %and3A_488 = arith.andi %gather3A_479, %broadcast_in_dim3A_423 : vector<16xi32>
        %bitcast3A_489 = vector.bitcast %and3A_488 : vector<16xi32> to vector<16xf32>
        %mul3A_490 = arith.mulf %bitcast3A, %bitcast3A_487 : vector<16xf32>
        %add3A_491 = arith.addf %scan3A_458, %mul3A_490 : vector<16xf32>
        %mul3A_492 = arith.mulf %bitcast3A_483, %bitcast3A_489 : vector<16xf32>
        %add3A_493 = arith.addf %add3A_491, %mul3A_492 : vector<16xf32>
        %gather3A_494 = arith.constant 0 : i32
        %gather3A_495 = arith.constant 0 : i32
        %gather3A_496 = tpu.memref_slice %arg8[%scan3A_424, %gather3A_494, %gather3A_495] : memref<4x80x64xi32, #tpu.memory_space<vmem>> -> memref<1x80x64xi32, #tpu.memory_space<vmem>>
        %gather3A_497 = tpu.memref_squeeze %gather3A_496 : memref<1x80x64xi32, #tpu.memory_space<vmem>> -> memref<80x64xi32, #tpu.memory_space<vmem>>
        %gather3A_498 = tpu.vector_load_idx %gather3A_497[%add3A_8, %and3A_470] : memref<80x64xi32, #tpu.memory_space<vmem>>[vector<16xi32>, vector<16xi32>], vector<16xi32>,
        %gather3A_499 = arith.constant 0 : i32
        %gather3A_500 = arith.constant 0 : i32
        %gather3A_501 = tpu.memref_slice %arg9[%scan3A_425, %gather3A_499, %gather3A_500] : memref<4x80x64xi32, #tpu.memory_space<vmem>> -> memref<1x80x64xi32, #tpu.memory_space<vmem>>
        %gather3A_502 = tpu.memref_squeeze %gather3A_501 : memref<1x80x64xi32, #tpu.memory_space<vmem>> -> memref<80x64xi32, #tpu.memory_space<vmem>>
        %gather3A_503 = tpu.vector_load_idx %gather3A_502[%add3A_8, %and3A_470] : memref<80x64xi32, #tpu.memory_space<vmem>>[vector<16xi32>, vector<16xi32>], vector<16xi32>,
        %shift_left3A_504 = arith.constant 16 : i32
        %shift_left3A_505 = vector.broadcast %shift_left3A_504 : i32 to vector<16xi32>
        %shift_left3A_506 = arith.shli %gather3A_498, %shift_left3A_505 : vector<16xi32>
        %bitcast3A_507 = vector.bitcast %shift_left3A_506 : vector<16xi32> to vector<16xf32>
        %and3A_508 = arith.andi %gather3A_498, %broadcast_in_dim3A_423 : vector<16xi32>
        %bitcast3A_509 = vector.bitcast %and3A_508 : vector<16xi32> to vector<16xf32>
        %shift_left3A_510 = arith.constant 16 : i32
        %shift_left3A_511 = vector.broadcast %shift_left3A_510 : i32 to vector<16xi32>
        %shift_left3A_512 = arith.shli %gather3A_503, %shift_left3A_511 : vector<16xi32>
        %bitcast3A_513 = vector.bitcast %shift_left3A_512 : vector<16xi32> to vector<16xf32>
        %and3A_514 = arith.andi %gather3A_503, %broadcast_in_dim3A_423 : vector<16xi32>
        %bitcast3A_515 = vector.bitcast %and3A_514 : vector<16xi32> to vector<16xf32>
        %mul3A_516 = arith.mulf %bitcast3A_507, %bitcast3A_513 : vector<16xf32>
        %add3A_517 = arith.addf %scan3A_459, %mul3A_516 : vector<16xf32>
        %mul3A_518 = arith.mulf %bitcast3A_509, %bitcast3A_515 : vector<16xf32>
        %add3A_519 = arith.addf %add3A_517, %mul3A_518 : vector<16xf32>
        %gather3A_520 = arith.constant 0 : i32
        %gather3A_521 = arith.constant 0 : i32
        %gather3A_522 = tpu.memref_slice %arg8[%scan3A_424, %gather3A_520, %gather3A_521] : memref<4x80x64xi32, #tpu.memory_space<vmem>> -> memref<1x80x64xi32, #tpu.memory_space<vmem>>
        %gather3A_523 = tpu.memref_squeeze %gather3A_522 : memref<1x80x64xi32, #tpu.memory_space<vmem>> -> memref<80x64xi32, #tpu.memory_space<vmem>>
        %gather3A_524 = tpu.vector_load_idx %gather3A_523[%add3A_11, %and3A_470] : memref<80x64xi32, #tpu.memory_space<vmem>>[vector<16xi32>, vector<16xi32>], vector<16xi32>,
        %gather3A_525 = arith.constant 0 : i32
        %gather3A_526 = arith.constant 0 : i32
        %gather3A_527 = tpu.memref_slice %arg9[%scan3A_425, %gather3A_525, %gather3A_526] : memref<4x80x64xi32, #tpu.memory_space<vmem>> -> memref<1x80x64xi32, #tpu.memory_space<vmem>>
        %gather3A_528 = tpu.memref_squeeze %gather3A_527 : memref<1x80x64xi32, #tpu.memory_space<vmem>> -> memref<80x64xi32, #tpu.memory_space<vmem>>
        %gather3A_529 = tpu.vector_load_idx %gather3A_528[%add3A_11, %and3A_470] : memref<80x64xi32, #tpu.memory_space<vmem>>[vector<16xi32>, vector<16xi32>], vector<16xi32>,
        %shift_left3A_530 = arith.constant 16 : i32
        %shift_left3A_531 = vector.broadcast %shift_left3A_530 : i32 to vector<16xi32>
        %shift_left3A_532 = arith.shli %gather3A_524, %shift_left3A_531 : vector<16xi32>
        %bitcast3A_533 = vector.bitcast %shift_left3A_532 : vector<16xi32> to vector<16xf32>
        %and3A_534 = arith.andi %gather3A_524, %broadcast_in_dim3A_423 : vector<16xi32>
        %bitcast3A_535 = vector.bitcast %and3A_534 : vector<16xi32> to vector<16xf32>
        %shift_left3A_536 = arith.constant 16 : i32
        %shift_left3A_537 = vector.broadcast %shift_left3A_536 : i32 to vector<16xi32>
        %shift_left3A_538 = arith.shli %gather3A_529, %shift_left3A_537 : vector<16xi32>
        %bitcast3A_539 = vector.bitcast %shift_left3A_538 : vector<16xi32> to vector<16xf32>
        %and3A_540 = arith.andi %gather3A_529, %broadcast_in_dim3A_423 : vector<16xi32>
        %bitcast3A_541 = vector.bitcast %and3A_540 : vector<16xi32> to vector<16xf32>
        %mul3A_542 = arith.mulf %bitcast3A_533, %bitcast3A_539 : vector<16xf32>
        %add3A_543 = arith.addf %scan3A_460, %mul3A_542 : vector<16xf32>
        %mul3A_544 = arith.mulf %bitcast3A_535, %bitcast3A_541 : vector<16xf32>
        %add3A_545 = arith.addf %add3A_543, %mul3A_544 : vector<16xf32>
        %gather3A_546 = arith.constant 0 : i32
        %gather3A_547 = arith.constant 0 : i32
        %gather3A_548 = tpu.memref_slice %arg8[%scan3A_424, %gather3A_546, %gather3A_547] : memref<4x80x64xi32, #tpu.memory_space<vmem>> -> memref<1x80x64xi32, #tpu.memory_space<vmem>>
        %gather3A_549 = tpu.memref_squeeze %gather3A_548 : memref<1x80x64xi32, #tpu.memory_space<vmem>> -> memref<80x64xi32, #tpu.memory_space<vmem>>
        %gather3A_550 = tpu.vector_load_idx %gather3A_549[%add3A_14, %and3A_470] : memref<80x64xi32, #tpu.memory_space<vmem>>[vector<16xi32>, vector<16xi32>], vector<16xi32>,
        %gather3A_551 = arith.constant 0 : i32
        %gather3A_552 = arith.constant 0 : i32
        %gather3A_553 = tpu.memref_slice %arg9[%scan3A_425, %gather3A_551, %gather3A_552] : memref<4x80x64xi32, #tpu.memory_space<vmem>> -> memref<1x80x64xi32, #tpu.memory_space<vmem>>
        %gather3A_554 = tpu.memref_squeeze %gather3A_553 : memref<1x80x64xi32, #tpu.memory_space<vmem>> -> memref<80x64xi32, #tpu.memory_space<vmem>>
        %gather3A_555 = tpu.vector_load_idx %gather3A_554[%add3A_14, %and3A_470] : memref<80x64xi32, #tpu.memory_space<vmem>>[vector<16xi32>, vector<16xi32>], vector<16xi32>,
        %shift_left3A_556 = arith.constant 16 : i32
        %shift_left3A_557 = vector.broadcast %shift_left3A_556 : i32 to vector<16xi32>
        %shift_left3A_558 = arith.shli %gather3A_550, %shift_left3A_557 : vector<16xi32>
        %bitcast3A_559 = vector.bitcast %shift_left3A_558 : vector<16xi32> to vector<16xf32>
        %and3A_560 = arith.andi %gather3A_550, %broadcast_in_dim3A_423 : vector<16xi32>
        %bitcast3A_561 = vector.bitcast %and3A_560 : vector<16xi32> to vector<16xf32>
        %shift_left3A_562 = arith.constant 16 : i32
        %shift_left3A_563 = vector.broadcast %shift_left3A_562 : i32 to vector<16xi32>
        %shift_left3A_564 = arith.shli %gather3A_555, %shift_left3A_563 : vector<16xi32>
        %bitcast3A_565 = vector.bitcast %shift_left3A_564 : vector<16xi32> to vector<16xf32>
        %and3A_566 = arith.andi %gather3A_555, %broadcast_in_dim3A_423 : vector<16xi32>
        %bitcast3A_567 = vector.bitcast %and3A_566 : vector<16xi32> to vector<16xf32>
        %mul3A_568 = arith.mulf %bitcast3A_559, %bitcast3A_565 : vector<16xf32>
        %add3A_569 = arith.addf %scan3A_461, %mul3A_568 : vector<16xf32>
        %mul3A_570 = arith.mulf %bitcast3A_561, %bitcast3A_567 : vector<16xf32>
        %add3A_571 = arith.addf %add3A_569, %mul3A_570 : vector<16xf32>
        %gather3A_572 = arith.constant 0 : i32
        %gather3A_573 = arith.constant 0 : i32
        %gather3A_574 = tpu.memref_slice %arg8[%scan3A_424, %gather3A_572, %gather3A_573] : memref<4x80x64xi32, #tpu.memory_space<vmem>> -> memref<1x80x64xi32, #tpu.memory_space<vmem>>
        %gather3A_575 = tpu.memref_squeeze %gather3A_574 : memref<1x80x64xi32, #tpu.memory_space<vmem>> -> memref<80x64xi32, #tpu.memory_space<vmem>>
        %gather3A_576 = tpu.vector_load_idx %gather3A_575[%add3A_17, %and3A_470] : memref<80x64xi32, #tpu.memory_space<vmem>>[vector<16xi32>, vector<16xi32>], vector<16xi32>,
        %gather3A_577 = arith.constant 0 : i32
        %gather3A_578 = arith.constant 0 : i32
        %gather3A_579 = tpu.memref_slice %arg9[%scan3A_425, %gather3A_577, %gather3A_578] : memref<4x80x64xi32, #tpu.memory_space<vmem>> -> memref<1x80x64xi32, #tpu.memory_space<vmem>>
        %gather3A_580 = tpu.memref_squeeze %gather3A_579 : memref<1x80x64xi32, #tpu.memory_space<vmem>> -> memref<80x64xi32, #tpu.memory_space<vmem>>
        %gather3A_581 = tpu.vector_load_idx %gather3A_580[%add3A_17, %and3A_470] : memref<80x64xi32, #tpu.memory_space<vmem>>[vector<16xi32>, vector<16xi32>], vector<16xi32>,
        %shift_left3A_582 = arith.constant 16 : i32
        %shift_left3A_583 = vector.broadcast %shift_left3A_582 : i32 to vector<16xi32>
        %shift_left3A_584 = arith.shli %gather3A_576, %shift_left3A_583 : vector<16xi32>
        %bitcast3A_585 = vector.bitcast %shift_left3A_584 : vector<16xi32> to vector<16xf32>
        %and3A_586 = arith.andi %gather3A_576, %broadcast_in_dim3A_423 : vector<16xi32>
        %bitcast3A_587 = vector.bitcast %and3A_586 : vector<16xi32> to vector<16xf32>
        %shift_left3A_588 = arith.constant 16 : i32
        %shift_left3A_589 = vector.broadcast %shift_left3A_588 : i32 to vector<16xi32>
        %shift_left3A_590 = arith.shli %gather3A_581, %shift_left3A_589 : vector<16xi32>
        %bitcast3A_591 = vector.bitcast %shift_left3A_590 : vector<16xi32> to vector<16xf32>
        %and3A_592 = arith.andi %gather3A_581, %broadcast_in_dim3A_423 : vector<16xi32>
        %bitcast3A_593 = vector.bitcast %and3A_592 : vector<16xi32> to vector<16xf32>
        %mul3A_594 = arith.mulf %bitcast3A_585, %bitcast3A_591 : vector<16xf32>
        %add3A_595 = arith.addf %scan3A_462, %mul3A_594 : vector<16xf32>
        %mul3A_596 = arith.mulf %bitcast3A_587, %bitcast3A_593 : vector<16xf32>
        %add3A_597 = arith.addf %add3A_595, %mul3A_596 : vector<16xf32>
        %mul3A_598 = arith.constant 2 : i32
        %mul3A_599 = arith.muli %scan3A_457, %mul3A_598 : i32
        %add3A_600 = arith.constant 1 : i32
        %add3A_601 = arith.addi %mul3A_599, %add3A_600 : i32
        %add3A_602 = vector.broadcast %add3A_601 : i32 to vector<16xi32>
        %add3A_603 = arith.addi %iota3A, %add3A_602 : vector<16xi32>
        %and3A_604 = arith.constant 63 : i32
        %and3A_605 = vector.broadcast %and3A_604 : i32 to vector<16xi32>
        %and3A_606 = arith.andi %add3A_603, %and3A_605 : vector<16xi32>
        %gather3A_607 = arith.constant 0 : i32
        %gather3A_608 = arith.constant 0 : i32
        %gather3A_609 = tpu.memref_slice %arg8[%scan3A_424, %gather3A_607, %gather3A_608] : memref<4x80x64xi32, #tpu.memory_space<vmem>> -> memref<1x80x64xi32, #tpu.memory_space<vmem>>
        %gather3A_610 = tpu.memref_squeeze %gather3A_609 : memref<1x80x64xi32, #tpu.memory_space<vmem>> -> memref<80x64xi32, #tpu.memory_space<vmem>>
        %gather3A_611 = tpu.vector_load_idx %gather3A_610[%add3A_5, %and3A_606] : memref<80x64xi32, #tpu.memory_space<vmem>>[vector<16xi32>, vector<16xi32>], vector<16xi32>,
        %gather3A_612 = arith.constant 0 : i32
        %gather3A_613 = arith.constant 0 : i32
        %gather3A_614 = tpu.memref_slice %arg9[%scan3A_425, %gather3A_612, %gather3A_613] : memref<4x80x64xi32, #tpu.memory_space<vmem>> -> memref<1x80x64xi32, #tpu.memory_space<vmem>>
        %gather3A_615 = tpu.memref_squeeze %gather3A_614 : memref<1x80x64xi32, #tpu.memory_space<vmem>> -> memref<80x64xi32, #tpu.memory_space<vmem>>
        %gather3A_616 = tpu.vector_load_idx %gather3A_615[%add3A_5, %and3A_606] : memref<80x64xi32, #tpu.memory_space<vmem>>[vector<16xi32>, vector<16xi32>], vector<16xi32>,
        %shift_left3A_617 = arith.constant 16 : i32
        %shift_left3A_618 = vector.broadcast %shift_left3A_617 : i32 to vector<16xi32>
        %shift_left3A_619 = arith.shli %gather3A_611, %shift_left3A_618 : vector<16xi32>
        %bitcast3A_620 = vector.bitcast %shift_left3A_619 : vector<16xi32> to vector<16xf32>
        %and3A_621 = arith.andi %gather3A_611, %broadcast_in_dim3A_423 : vector<16xi32>
        %bitcast3A_622 = vector.bitcast %and3A_621 : vector<16xi32> to vector<16xf32>
        %shift_left3A_623 = arith.constant 16 : i32
        %shift_left3A_624 = vector.broadcast %shift_left3A_623 : i32 to vector<16xi32>
        %shift_left3A_625 = arith.shli %gather3A_616, %shift_left3A_624 : vector<16xi32>
        %bitcast3A_626 = vector.bitcast %shift_left3A_625 : vector<16xi32> to vector<16xf32>
        %and3A_627 = arith.andi %gather3A_616, %broadcast_in_dim3A_423 : vector<16xi32>
        %bitcast3A_628 = vector.bitcast %and3A_627 : vector<16xi32> to vector<16xf32>
        %mul3A_629 = arith.mulf %bitcast3A_620, %bitcast3A_626 : vector<16xf32>
        %add3A_630 = arith.addf %add3A_493, %mul3A_629 : vector<16xf32>
        %mul3A_631 = arith.mulf %bitcast3A_622, %bitcast3A_628 : vector<16xf32>
        %add3A_632 = arith.addf %add3A_630, %mul3A_631 : vector<16xf32>
        %gather3A_633 = arith.constant 0 : i32
        %gather3A_634 = arith.constant 0 : i32
        %gather3A_635 = tpu.memref_slice %arg8[%scan3A_424, %gather3A_633, %gather3A_634] : memref<4x80x64xi32, #tpu.memory_space<vmem>> -> memref<1x80x64xi32, #tpu.memory_space<vmem>>
        %gather3A_636 = tpu.memref_squeeze %gather3A_635 : memref<1x80x64xi32, #tpu.memory_space<vmem>> -> memref<80x64xi32, #tpu.memory_space<vmem>>
        %gather3A_637 = tpu.vector_load_idx %gather3A_636[%add3A_8, %and3A_606] : memref<80x64xi32, #tpu.memory_space<vmem>>[vector<16xi32>, vector<16xi32>], vector<16xi32>,
        %gather3A_638 = arith.constant 0 : i32
        %gather3A_639 = arith.constant 0 : i32
        %gather3A_640 = tpu.memref_slice %arg9[%scan3A_425, %gather3A_638, %gather3A_639] : memref<4x80x64xi32, #tpu.memory_space<vmem>> -> memref<1x80x64xi32, #tpu.memory_space<vmem>>
        %gather3A_641 = tpu.memref_squeeze %gather3A_640 : memref<1x80x64xi32, #tpu.memory_space<vmem>> -> memref<80x64xi32, #tpu.memory_space<vmem>>
        %gather3A_642 = tpu.vector_load_idx %gather3A_641[%add3A_8, %and3A_606] : memref<80x64xi32, #tpu.memory_space<vmem>>[vector<16xi32>, vector<16xi32>], vector<16xi32>,
        %shift_left3A_643 = arith.constant 16 : i32
        %shift_left3A_644 = vector.broadcast %shift_left3A_643 : i32 to vector<16xi32>
        %shift_left3A_645 = arith.shli %gather3A_637, %shift_left3A_644 : vector<16xi32>
        %bitcast3A_646 = vector.bitcast %shift_left3A_645 : vector<16xi32> to vector<16xf32>
        %and3A_647 = arith.andi %gather3A_637, %broadcast_in_dim3A_423 : vector<16xi32>
        %bitcast3A_648 = vector.bitcast %and3A_647 : vector<16xi32> to vector<16xf32>
        %shift_left3A_649 = arith.constant 16 : i32
        %shift_left3A_650 = vector.broadcast %shift_left3A_649 : i32 to vector<16xi32>
        %shift_left3A_651 = arith.shli %gather3A_642, %shift_left3A_650 : vector<16xi32>
        %bitcast3A_652 = vector.bitcast %shift_left3A_651 : vector<16xi32> to vector<16xf32>
        %and3A_653 = arith.andi %gather3A_642, %broadcast_in_dim3A_423 : vector<16xi32>
        %bitcast3A_654 = vector.bitcast %and3A_653 : vector<16xi32> to vector<16xf32>
        %mul3A_655 = arith.mulf %bitcast3A_646, %bitcast3A_652 : vector<16xf32>
        %add3A_656 = arith.addf %add3A_519, %mul3A_655 : vector<16xf32>
        %mul3A_657 = arith.mulf %bitcast3A_648, %bitcast3A_654 : vector<16xf32>
        %add3A_658 = arith.addf %add3A_656, %mul3A_657 : vector<16xf32>
        %gather3A_659 = arith.constant 0 : i32
        %gather3A_660 = arith.constant 0 : i32
        %gather3A_661 = tpu.memref_slice %arg8[%scan3A_424, %gather3A_659, %gather3A_660] : memref<4x80x64xi32, #tpu.memory_space<vmem>> -> memref<1x80x64xi32, #tpu.memory_space<vmem>>
        %gather3A_662 = tpu.memref_squeeze %gather3A_661 : memref<1x80x64xi32, #tpu.memory_space<vmem>> -> memref<80x64xi32, #tpu.memory_space<vmem>>
        %gather3A_663 = tpu.vector_load_idx %gather3A_662[%add3A_11, %and3A_606] : memref<80x64xi32, #tpu.memory_space<vmem>>[vector<16xi32>, vector<16xi32>], vector<16xi32>,
        %gather3A_664 = arith.constant 0 : i32
        %gather3A_665 = arith.constant 0 : i32
        %gather3A_666 = tpu.memref_slice %arg9[%scan3A_425, %gather3A_664, %gather3A_665] : memref<4x80x64xi32, #tpu.memory_space<vmem>> -> memref<1x80x64xi32, #tpu.memory_space<vmem>>
        %gather3A_667 = tpu.memref_squeeze %gather3A_666 : memref<1x80x64xi32, #tpu.memory_space<vmem>> -> memref<80x64xi32, #tpu.memory_space<vmem>>
        %gather3A_668 = tpu.vector_load_idx %gather3A_667[%add3A_11, %and3A_606] : memref<80x64xi32, #tpu.memory_space<vmem>>[vector<16xi32>, vector<16xi32>], vector<16xi32>,
        %shift_left3A_669 = arith.constant 16 : i32
        %shift_left3A_670 = vector.broadcast %shift_left3A_669 : i32 to vector<16xi32>
        %shift_left3A_671 = arith.shli %gather3A_663, %shift_left3A_670 : vector<16xi32>
        %bitcast3A_672 = vector.bitcast %shift_left3A_671 : vector<16xi32> to vector<16xf32>
        %and3A_673 = arith.andi %gather3A_663, %broadcast_in_dim3A_423 : vector<16xi32>
        %bitcast3A_674 = vector.bitcast %and3A_673 : vector<16xi32> to vector<16xf32>
        %shift_left3A_675 = arith.constant 16 : i32
        %shift_left3A_676 = vector.broadcast %shift_left3A_675 : i32 to vector<16xi32>
        %shift_left3A_677 = arith.shli %gather3A_668, %shift_left3A_676 : vector<16xi32>
        %bitcast3A_678 = vector.bitcast %shift_left3A_677 : vector<16xi32> to vector<16xf32>
        %and3A_679 = arith.andi %gather3A_668, %broadcast_in_dim3A_423 : vector<16xi32>
        %bitcast3A_680 = vector.bitcast %and3A_679 : vector<16xi32> to vector<16xf32>
        %mul3A_681 = arith.mulf %bitcast3A_672, %bitcast3A_678 : vector<16xf32>
        %add3A_682 = arith.addf %add3A_545, %mul3A_681 : vector<16xf32>
        %mul3A_683 = arith.mulf %bitcast3A_674, %bitcast3A_680 : vector<16xf32>
        %add3A_684 = arith.addf %add3A_682, %mul3A_683 : vector<16xf32>
        %gather3A_685 = arith.constant 0 : i32
        %gather3A_686 = arith.constant 0 : i32
        %gather3A_687 = tpu.memref_slice %arg8[%scan3A_424, %gather3A_685, %gather3A_686] : memref<4x80x64xi32, #tpu.memory_space<vmem>> -> memref<1x80x64xi32, #tpu.memory_space<vmem>>
        %gather3A_688 = tpu.memref_squeeze %gather3A_687 : memref<1x80x64xi32, #tpu.memory_space<vmem>> -> memref<80x64xi32, #tpu.memory_space<vmem>>
        %gather3A_689 = tpu.vector_load_idx %gather3A_688[%add3A_14, %and3A_606] : memref<80x64xi32, #tpu.memory_space<vmem>>[vector<16xi32>, vector<16xi32>], vector<16xi32>,
        %gather3A_690 = arith.constant 0 : i32
        %gather3A_691 = arith.constant 0 : i32
        %gather3A_692 = tpu.memref_slice %arg9[%scan3A_425, %gather3A_690, %gather3A_691] : memref<4x80x64xi32, #tpu.memory_space<vmem>> -> memref<1x80x64xi32, #tpu.memory_space<vmem>>
        %gather3A_693 = tpu.memref_squeeze %gather3A_692 : memref<1x80x64xi32, #tpu.memory_space<vmem>> -> memref<80x64xi32, #tpu.memory_space<vmem>>
        %gather3A_694 = tpu.vector_load_idx %gather3A_693[%add3A_14, %and3A_606] : memref<80x64xi32, #tpu.memory_space<vmem>>[vector<16xi32>, vector<16xi32>], vector<16xi32>,
        %shift_left3A_695 = arith.constant 16 : i32
        %shift_left3A_696 = vector.broadcast %shift_left3A_695 : i32 to vector<16xi32>
        %shift_left3A_697 = arith.shli %gather3A_689, %shift_left3A_696 : vector<16xi32>
        %bitcast3A_698 = vector.bitcast %shift_left3A_697 : vector<16xi32> to vector<16xf32>
        %and3A_699 = arith.andi %gather3A_689, %broadcast_in_dim3A_423 : vector<16xi32>
        %bitcast3A_700 = vector.bitcast %and3A_699 : vector<16xi32> to vector<16xf32>
        %shift_left3A_701 = arith.constant 16 : i32
        %shift_left3A_702 = vector.broadcast %shift_left3A_701 : i32 to vector<16xi32>
        %shift_left3A_703 = arith.shli %gather3A_694, %shift_left3A_702 : vector<16xi32>
        %bitcast3A_704 = vector.bitcast %shift_left3A_703 : vector<16xi32> to vector<16xf32>
        %and3A_705 = arith.andi %gather3A_694, %broadcast_in_dim3A_423 : vector<16xi32>
        %bitcast3A_706 = vector.bitcast %and3A_705 : vector<16xi32> to vector<16xf32>
        %mul3A_707 = arith.mulf %bitcast3A_698, %bitcast3A_704 : vector<16xf32>
        %add3A_708 = arith.addf %add3A_571, %mul3A_707 : vector<16xf32>
        %mul3A_709 = arith.mulf %bitcast3A_700, %bitcast3A_706 : vector<16xf32>
        %add3A_710 = arith.addf %add3A_708, %mul3A_709 : vector<16xf32>
        %gather3A_711 = arith.constant 0 : i32
        %gather3A_712 = arith.constant 0 : i32
        %gather3A_713 = tpu.memref_slice %arg8[%scan3A_424, %gather3A_711, %gather3A_712] : memref<4x80x64xi32, #tpu.memory_space<vmem>> -> memref<1x80x64xi32, #tpu.memory_space<vmem>>
        %gather3A_714 = tpu.memref_squeeze %gather3A_713 : memref<1x80x64xi32, #tpu.memory_space<vmem>> -> memref<80x64xi32, #tpu.memory_space<vmem>>
        %gather3A_715 = tpu.vector_load_idx %gather3A_714[%add3A_17, %and3A_606] : memref<80x64xi32, #tpu.memory_space<vmem>>[vector<16xi32>, vector<16xi32>], vector<16xi32>,
        %gather3A_716 = arith.constant 0 : i32
        %gather3A_717 = arith.constant 0 : i32
        %gather3A_718 = tpu.memref_slice %arg9[%scan3A_425, %gather3A_716, %gather3A_717] : memref<4x80x64xi32, #tpu.memory_space<vmem>> -> memref<1x80x64xi32, #tpu.memory_space<vmem>>
        %gather3A_719 = tpu.memref_squeeze %gather3A_718 : memref<1x80x64xi32, #tpu.memory_space<vmem>> -> memref<80x64xi32, #tpu.memory_space<vmem>>
        %gather3A_720 = tpu.vector_load_idx %gather3A_719[%add3A_17, %and3A_606] : memref<80x64xi32, #tpu.memory_space<vmem>>[vector<16xi32>, vector<16xi32>], vector<16xi32>,
        %shift_left3A_721 = arith.constant 16 : i32
        %shift_left3A_722 = vector.broadcast %shift_left3A_721 : i32 to vector<16xi32>
        %shift_left3A_723 = arith.shli %gather3A_715, %shift_left3A_722 : vector<16xi32>
        %bitcast3A_724 = vector.bitcast %shift_left3A_723 : vector<16xi32> to vector<16xf32>
        %and3A_725 = arith.andi %gather3A_715, %broadcast_in_dim3A_423 : vector<16xi32>
        %bitcast3A_726 = vector.bitcast %and3A_725 : vector<16xi32> to vector<16xf32>
        %shift_left3A_727 = arith.constant 16 : i32
        %shift_left3A_728 = vector.broadcast %shift_left3A_727 : i32 to vector<16xi32>
        %shift_left3A_729 = arith.shli %gather3A_720, %shift_left3A_728 : vector<16xi32>
        %bitcast3A_730 = vector.bitcast %shift_left3A_729 : vector<16xi32> to vector<16xf32>
        %and3A_731 = arith.andi %gather3A_720, %broadcast_in_dim3A_423 : vector<16xi32>
        %bitcast3A_732 = vector.bitcast %and3A_731 : vector<16xi32> to vector<16xf32>
        %mul3A_733 = arith.mulf %bitcast3A_724, %bitcast3A_730 : vector<16xf32>
        %add3A_734 = arith.addf %add3A_597, %mul3A_733 : vector<16xf32>
        %mul3A_735 = arith.mulf %bitcast3A_726, %bitcast3A_732 : vector<16xf32>
        %add3A_736 = arith.addf %add3A_734, %mul3A_735 : vector<16xf32>
        scf.yield %add3A_632, %add3A_658, %add3A_684, %add3A_710, %add3A_736 : vector<16xf32>, vector<16xf32>, vector<16xf32>, vector<16xf32>, vector<16xf32>
      }
      %scan3A_431 = arith.constant 32 : i32
      %add3A_432 = arith.constant 0 : i32
      %add3A_433 = arith.addi %mul3A_421, %add3A_432 : i32
      %swap3A_434 = arith.index_cast %add3A_433 : i32 to index
      %swap3A_435 = tpu.vector_load %arg10[%swap3A_434] {strides = array<i32>} : memref<10000xf32, #tpu.memory_space<vmem>>, vector<16xf32>,
      tpu.vector_store %arg10[%swap3A_434], %scan3A_430#0 {strides = array<i32>} : memref<10000xf32, #tpu.memory_space<vmem>>, vector<16xf32>,
      %add3A_436 = arith.constant 16 : i32
      %add3A_437 = arith.addi %mul3A_421, %add3A_436 : i32
      %swap3A_438 = arith.index_cast %add3A_437 : i32 to index
      %swap3A_439 = tpu.vector_load %arg10[%swap3A_438] {strides = array<i32>} : memref<10000xf32, #tpu.memory_space<vmem>>, vector<16xf32>,
      tpu.vector_store %arg10[%swap3A_438], %scan3A_430#1 {strides = array<i32>} : memref<10000xf32, #tpu.memory_space<vmem>>, vector<16xf32>,
      %add3A_440 = arith.constant 32 : i32
      %add3A_441 = arith.addi %mul3A_421, %add3A_440 : i32
      %swap3A_442 = arith.index_cast %add3A_441 : i32 to index
      %swap3A_443 = tpu.vector_load %arg10[%swap3A_442] {strides = array<i32>} : memref<10000xf32, #tpu.memory_space<vmem>>, vector<16xf32>,
      tpu.vector_store %arg10[%swap3A_442], %scan3A_430#2 {strides = array<i32>} : memref<10000xf32, #tpu.memory_space<vmem>>, vector<16xf32>,
      %add3A_444 = arith.constant 48 : i32
      %add3A_445 = arith.addi %mul3A_421, %add3A_444 : i32
      %swap3A_446 = arith.index_cast %add3A_445 : i32 to index
      %swap3A_447 = tpu.vector_load %arg10[%swap3A_446] {strides = array<i32>} : memref<10000xf32, #tpu.memory_space<vmem>>, vector<16xf32>,
      tpu.vector_store %arg10[%swap3A_446], %scan3A_430#3 {strides = array<i32>} : memref<10000xf32, #tpu.memory_space<vmem>>, vector<16xf32>,
      %add3A_448 = arith.constant 64 : i32
      %add3A_449 = arith.addi %mul3A_421, %add3A_448 : i32
      %swap3A_450 = arith.index_cast %add3A_449 : i32 to index
      %swap3A_451 = tpu.vector_load %arg10[%swap3A_450] {strides = array<i32>} : memref<10000xf32, #tpu.memory_space<vmem>>, vector<16xf32>,
      tpu.vector_store %arg10[%swap3A_450], %scan3A_430#4 {strides = array<i32>} : memref<10000xf32, #tpu.memory_space<vmem>>, vector<16xf32>,
      %lt3A_452 = arith.constant 30 : i32
      %lt3A_453 = arith.cmpi slt, %scan3A_193, %lt3A_452 : i32
      %convert_element_type3A_454 = arith.extui %lt3A_453 : i1 to i32
      %cond3A_455 = arith.constant 0 : i32
      %cond3A_456 = arith.cmpi ne, %convert_element_type3A_454, %cond3A_455 : i32
      scf.if %cond3A_456 {
        %add3A_457 = arith.constant 4 : i32
        %add3A_458 = arith.addi %add3A_398, %add3A_457 : i32
        %mul3A_459 = arith.constant 80 : i32
        %mul3A_460 = arith.muli %add3A_458, %mul3A_459 : i32
        %multiple_of3A_461 = tpu.assume_multiple %mul3A_460, 8 : i32
        %dma_start3A_462 = arith.constant 3 : i32
        %dma_start3A_463 = arith.constant 0 : i32
        %dma_start3A_464 = arith.constant 0 : i32
        %dma_start3A_465 = tpu.memref_slice %arg8[%dma_start3A_462, %dma_start3A_463, %dma_start3A_464] : memref<4x80x64xi32, #tpu.memory_space<vmem>> -> memref<1x80x64xi32, #tpu.memory_space<vmem>>
        %dma_start3A_466 = tpu.memref_squeeze %dma_start3A_465 : memref<1x80x64xi32, #tpu.memory_space<vmem>> -> memref<80x64xi32, #tpu.memory_space<vmem>>
        %dma_start3A_467 = tpu.memref_slice %arg6[%multiple_of3A_461] : memref<10000xi32, #tpu.memory_space<vmem>> -> memref<80xi32, #tpu.memory_space<vmem>>
        %dma_start3A_468 = arith.constant 0 : i32
        %dma_start3A_469 = arith.constant 0 : i32
        %dma_start3A_470 = tpu.memref_slice %arg2[%dma_start3A_468, %dma_start3A_469] : memref<10000x64xi32, #tpu.memory_space<hbm>> -> memref<10000x64xi32, #tpu.memory_space<hbm>>
        tpu.enqueue_indirect_dma source(%dma_start3A_470 : memref<10000x64xi32, #tpu.memory_space<hbm>>) target(%dma_start3A_466 : memref<80x64xi32, #tpu.memory_space<vmem>>) offsets(%dma_start3A_467 : memref<80xi32, #tpu.memory_space<vmem>>) semaphore(%arg14 : memref<!tpu.dma_semaphore, #tpu.memory_space<semaphore_mem>>)
        %dma_start3A_471 = arith.constant 3 : i32
        %dma_start3A_472 = arith.constant 0 : i32
        %dma_start3A_473 = arith.constant 0 : i32
        %dma_start3A_474 = tpu.memref_slice %arg9[%dma_start3A_471, %dma_start3A_472, %dma_start3A_473] : memref<4x80x64xi32, #tpu.memory_space<vmem>> -> memref<1x80x64xi32, #tpu.memory_space<vmem>>
        %dma_start3A_475 = tpu.memref_squeeze %dma_start3A_474 : memref<1x80x64xi32, #tpu.memory_space<vmem>> -> memref<80x64xi32, #tpu.memory_space<vmem>>
        %dma_start3A_476 = tpu.memref_slice %arg7[%multiple_of3A_461] : memref<10000xi32, #tpu.memory_space<vmem>> -> memref<80xi32, #tpu.memory_space<vmem>>
        %dma_start3A_477 = arith.constant 0 : i32
        %dma_start3A_478 = arith.constant 0 : i32
        %dma_start3A_479 = tpu.memref_slice %arg2[%dma_start3A_477, %dma_start3A_478] : memref<10000x64xi32, #tpu.memory_space<hbm>> -> memref<10000x64xi32, #tpu.memory_space<hbm>>
        tpu.enqueue_indirect_dma source(%dma_start3A_479 : memref<10000x64xi32, #tpu.memory_space<hbm>>) target(%dma_start3A_475 : memref<80x64xi32, #tpu.memory_space<vmem>>) offsets(%dma_start3A_476 : memref<80xi32, #tpu.memory_space<vmem>>) semaphore(%arg14 : memref<!tpu.dma_semaphore, #tpu.memory_space<semaphore_mem>>)
      } else {
      }
    }
    %scan3A_153 = arith.constant 31 : i32
    %multiple_of3A_154 = arith.constant 9920 : i32
    %multiple_of3A_155 = tpu.assume_multiple %multiple_of3A_154, 8 : i32
    %dma_wait3A_156 = arith.constant 0 : i32
    %dma_wait3A_157 = arith.constant 0 : i32
    %dma_wait3A_158 = arith.constant 0 : i32
    %dma_wait3A_159 = tpu.memref_slice %arg8[%dma_wait3A_156, %dma_wait3A_157, %dma_wait3A_158] : memref<4x80x64xi32, #tpu.memory_space<vmem>> -> memref<1x80x64xi32, #tpu.memory_space<vmem>>
    %dma_wait3A_160 = tpu.memref_squeeze %dma_wait3A_159 : memref<1x80x64xi32, #tpu.memory_space<vmem>> -> memref<80x64xi32, #tpu.memory_space<vmem>>
    %dma_wait3A_161 = tpu.memref_slice %arg6[%multiple_of3A_155] : memref<10000xi32, #tpu.memory_space<vmem>> -> memref<80xi32, #tpu.memory_space<vmem>>
    %dma_wait3A_162 = arith.constant 0 : i32
    %dma_wait3A_163 = arith.constant 0 : i32
    %dma_wait3A_164 = tpu.memref_slice %arg2[%dma_wait3A_162, %dma_wait3A_163] : memref<10000x64xi32, #tpu.memory_space<hbm>> -> memref<10000x64xi32, #tpu.memory_space<hbm>>
    tpu.wait_indirect_dma semaphore(%arg11 : memref<!tpu.dma_semaphore, #tpu.memory_space<semaphore_mem>>) src(%dma_wait3A_164 : memref<10000x64xi32, #tpu.memory_space<hbm>>) dst(%dma_wait3A_160 : memref<80x64xi32, #tpu.memory_space<vmem>>)
    %dma_wait3A_165 = arith.constant 0 : i32
    %dma_wait3A_166 = arith.constant 0 : i32
    %dma_wait3A_167 = arith.constant 0 : i32
    %dma_wait3A_168 = tpu.memref_slice %arg9[%dma_wait3A_165, %dma_wait3A_166, %dma_wait3A_167] : memref<4x80x64xi32, #tpu.memory_space<vmem>> -> memref<1x80x64xi32, #tpu.memory_space<vmem>>
    %dma_wait3A_169 = tpu.memref_squeeze %dma_wait3A_168 : memref<1x80x64xi32, #tpu.memory_space<vmem>> -> memref<80x64xi32, #tpu.memory_space<vmem>>
    %dma_wait3A_170 = tpu.memref_slice %arg7[%multiple_of3A_155] : memref<10000xi32, #tpu.memory_space<vmem>> -> memref<80xi32, #tpu.memory_space<vmem>>
    %dma_wait3A_171 = arith.constant 0 : i32
    %dma_wait3A_172 = arith.constant 0 : i32
    %dma_wait3A_173 = tpu.memref_slice %arg2[%dma_wait3A_171, %dma_wait3A_172] : memref<10000x64xi32, #tpu.memory_space<hbm>> -> memref<10000x64xi32, #tpu.memory_space<hbm>>
    tpu.wait_indirect_dma semaphore(%arg11 : memref<!tpu.dma_semaphore, #tpu.memory_space<semaphore_mem>>) src(%dma_wait3A_173 : memref<10000x64xi32, #tpu.memory_space<hbm>>) dst(%dma_wait3A_169 : memref<80x64xi32, #tpu.memory_space<vmem>>)
    %broadcast_in_dim3A_174 = arith.constant -65536 : i32
    %broadcast_in_dim3A_175 = vector.broadcast %broadcast_in_dim3A_174 : i32 to vector<16xi32>
    %scan3A_176 = arith.constant 0 : i32
    %scan3A_177 = arith.constant 0 : i32
    %scan3A_178 = arith.constant 0 : i32
    %scan3A_179 = arith.constant 32 : i32
    %scan3A_180 = arith.addi %scan3A_178, %scan3A_179 : i32
    %scan3A_181 = arith.constant 1 : i32
    %scan3A_182:5 = scf.for %scan3A_193 = %scan3A_178 to %scan3A_180 step %scan3A_181 iter_args(%scan3A_194 = %broadcast_in_dim3A_18, %scan3A_195 = %broadcast_in_dim3A_18, %scan3A_196 = %broadcast_in_dim3A_18, %scan3A_197 = %broadcast_in_dim3A_18, %scan3A_198 = %broadcast_in_dim3A_18) -> (vector<16xf32>, vector<16xf32>, vector<16xf32>, vector<16xf32>, vector<16xf32>)  : i32 {
      %mul3A_199 = arith.constant 2 : i32
      %mul3A_200 = arith.muli %scan3A_193, %mul3A_199 : i32
      %add3A_201 = arith.constant 0 : i32
      %add3A_202 = arith.addi %mul3A_200, %add3A_201 : i32
      %add3A_203 = vector.broadcast %add3A_202 : i32 to vector<16xi32>
      %add3A_204 = arith.addi %iota3A, %add3A_203 : vector<16xi32>
      %and3A = arith.constant 63 : i32
      %and3A_205 = vector.broadcast %and3A : i32 to vector<16xi32>
      %and3A_206 = arith.andi %add3A_204, %and3A_205 : vector<16xi32>
      %gather3A = arith.constant 0 : i32
      %gather3A_207 = arith.constant 0 : i32
      %gather3A_208 = tpu.memref_slice %arg8[%scan3A_176, %gather3A, %gather3A_207] : memref<4x80x64xi32, #tpu.memory_space<vmem>> -> memref<1x80x64xi32, #tpu.memory_space<vmem>>
      %gather3A_209 = tpu.memref_squeeze %gather3A_208 : memref<1x80x64xi32, #tpu.memory_space<vmem>> -> memref<80x64xi32, #tpu.memory_space<vmem>>
      %gather3A_210 = tpu.vector_load_idx %gather3A_209[%add3A_5, %and3A_206] : memref<80x64xi32, #tpu.memory_space<vmem>>[vector<16xi32>, vector<16xi32>], vector<16xi32>,
      %gather3A_211 = arith.constant 0 : i32
      %gather3A_212 = arith.constant 0 : i32
      %gather3A_213 = tpu.memref_slice %arg9[%scan3A_177, %gather3A_211, %gather3A_212] : memref<4x80x64xi32, #tpu.memory_space<vmem>> -> memref<1x80x64xi32, #tpu.memory_space<vmem>>
      %gather3A_214 = tpu.memref_squeeze %gather3A_213 : memref<1x80x64xi32, #tpu.memory_space<vmem>> -> memref<80x64xi32, #tpu.memory_space<vmem>>
      %gather3A_215 = tpu.vector_load_idx %gather3A_214[%add3A_5, %and3A_206] : memref<80x64xi32, #tpu.memory_space<vmem>>[vector<16xi32>, vector<16xi32>], vector<16xi32>,
      %shift_left3A = arith.constant 16 : i32
      %shift_left3A_216 = vector.broadcast %shift_left3A : i32 to vector<16xi32>
      %shift_left3A_217 = arith.shli %gather3A_210, %shift_left3A_216 : vector<16xi32>
      %bitcast3A = vector.bitcast %shift_left3A_217 : vector<16xi32> to vector<16xf32>
      %and3A_218 = arith.andi %gather3A_210, %broadcast_in_dim3A_175 : vector<16xi32>
      %bitcast3A_219 = vector.bitcast %and3A_218 : vector<16xi32> to vector<16xf32>
      %shift_left3A_220 = arith.constant 16 : i32
      %shift_left3A_221 = vector.broadcast %shift_left3A_220 : i32 to vector<16xi32>
      %shift_left3A_222 = arith.shli %gather3A_215, %shift_left3A_221 : vector<16xi32>
      %bitcast3A_223 = vector.bitcast %shift_left3A_222 : vector<16xi32> to vector<16xf32>
      %and3A_224 = arith.andi %gather3A_215, %broadcast_in_dim3A_175 : vector<16xi32>
      %bitcast3A_225 = vector.bitcast %and3A_224 : vector<16xi32> to vector<16xf32>
      %mul3A_226 = arith.mulf %bitcast3A, %bitcast3A_223 : vector<16xf32>
      %add3A_227 = arith.addf %scan3A_194, %mul3A_226 : vector<16xf32>
      %mul3A_228 = arith.mulf %bitcast3A_219, %bitcast3A_225 : vector<16xf32>
      %add3A_229 = arith.addf %add3A_227, %mul3A_228 : vector<16xf32>
      %gather3A_230 = arith.constant 0 : i32
      %gather3A_231 = arith.constant 0 : i32
      %gather3A_232 = tpu.memref_slice %arg8[%scan3A_176, %gather3A_230, %gather3A_231] : memref<4x80x64xi32, #tpu.memory_space<vmem>> -> memref<1x80x64xi32, #tpu.memory_space<vmem>>
      %gather3A_233 = tpu.memref_squeeze %gather3A_232 : memref<1x80x64xi32, #tpu.memory_space<vmem>> -> memref<80x64xi32, #tpu.memory_space<vmem>>
      %gather3A_234 = tpu.vector_load_idx %gather3A_233[%add3A_8, %and3A_206] : memref<80x64xi32, #tpu.memory_space<vmem>>[vector<16xi32>, vector<16xi32>], vector<16xi32>,
      %gather3A_235 = arith.constant 0 : i32
      %gather3A_236 = arith.constant 0 : i32
      %gather3A_237 = tpu.memref_slice %arg9[%scan3A_177, %gather3A_235, %gather3A_236] : memref<4x80x64xi32, #tpu.memory_space<vmem>> -> memref<1x80x64xi32, #tpu.memory_space<vmem>>
      %gather3A_238 = tpu.memref_squeeze %gather3A_237 : memref<1x80x64xi32, #tpu.memory_space<vmem>> -> memref<80x64xi32, #tpu.memory_space<vmem>>
      %gather3A_239 = tpu.vector_load_idx %gather3A_238[%add3A_8, %and3A_206] : memref<80x64xi32, #tpu.memory_space<vmem>>[vector<16xi32>, vector<16xi32>], vector<16xi32>,
      %shift_left3A_240 = arith.constant 16 : i32
      %shift_left3A_241 = vector.broadcast %shift_left3A_240 : i32 to vector<16xi32>
      %shift_left3A_242 = arith.shli %gather3A_234, %shift_left3A_241 : vector<16xi32>
      %bitcast3A_243 = vector.bitcast %shift_left3A_242 : vector<16xi32> to vector<16xf32>
      %and3A_244 = arith.andi %gather3A_234, %broadcast_in_dim3A_175 : vector<16xi32>
      %bitcast3A_245 = vector.bitcast %and3A_244 : vector<16xi32> to vector<16xf32>
      %shift_left3A_246 = arith.constant 16 : i32
      %shift_left3A_247 = vector.broadcast %shift_left3A_246 : i32 to vector<16xi32>
      %shift_left3A_248 = arith.shli %gather3A_239, %shift_left3A_247 : vector<16xi32>
      %bitcast3A_249 = vector.bitcast %shift_left3A_248 : vector<16xi32> to vector<16xf32>
      %and3A_250 = arith.andi %gather3A_239, %broadcast_in_dim3A_175 : vector<16xi32>
      %bitcast3A_251 = vector.bitcast %and3A_250 : vector<16xi32> to vector<16xf32>
      %mul3A_252 = arith.mulf %bitcast3A_243, %bitcast3A_249 : vector<16xf32>
      %add3A_253 = arith.addf %scan3A_195, %mul3A_252 : vector<16xf32>
      %mul3A_254 = arith.mulf %bitcast3A_245, %bitcast3A_251 : vector<16xf32>
      %add3A_255 = arith.addf %add3A_253, %mul3A_254 : vector<16xf32>
      %gather3A_256 = arith.constant 0 : i32
      %gather3A_257 = arith.constant 0 : i32
      %gather3A_258 = tpu.memref_slice %arg8[%scan3A_176, %gather3A_256, %gather3A_257] : memref<4x80x64xi32, #tpu.memory_space<vmem>> -> memref<1x80x64xi32, #tpu.memory_space<vmem>>
      %gather3A_259 = tpu.memref_squeeze %gather3A_258 : memref<1x80x64xi32, #tpu.memory_space<vmem>> -> memref<80x64xi32, #tpu.memory_space<vmem>>
      %gather3A_260 = tpu.vector_load_idx %gather3A_259[%add3A_11, %and3A_206] : memref<80x64xi32, #tpu.memory_space<vmem>>[vector<16xi32>, vector<16xi32>], vector<16xi32>,
      %gather3A_261 = arith.constant 0 : i32
      %gather3A_262 = arith.constant 0 : i32
      %gather3A_263 = tpu.memref_slice %arg9[%scan3A_177, %gather3A_261, %gather3A_262] : memref<4x80x64xi32, #tpu.memory_space<vmem>> -> memref<1x80x64xi32, #tpu.memory_space<vmem>>
      %gather3A_264 = tpu.memref_squeeze %gather3A_263 : memref<1x80x64xi32, #tpu.memory_space<vmem>> -> memref<80x64xi32, #tpu.memory_space<vmem>>
      %gather3A_265 = tpu.vector_load_idx %gather3A_264[%add3A_11, %and3A_206] : memref<80x64xi32, #tpu.memory_space<vmem>>[vector<16xi32>, vector<16xi32>], vector<16xi32>,
      %shift_left3A_266 = arith.constant 16 : i32
      %shift_left3A_267 = vector.broadcast %shift_left3A_266 : i32 to vector<16xi32>
      %shift_left3A_268 = arith.shli %gather3A_260, %shift_left3A_267 : vector<16xi32>
      %bitcast3A_269 = vector.bitcast %shift_left3A_268 : vector<16xi32> to vector<16xf32>
      %and3A_270 = arith.andi %gather3A_260, %broadcast_in_dim3A_175 : vector<16xi32>
      %bitcast3A_271 = vector.bitcast %and3A_270 : vector<16xi32> to vector<16xf32>
      %shift_left3A_272 = arith.constant 16 : i32
      %shift_left3A_273 = vector.broadcast %shift_left3A_272 : i32 to vector<16xi32>
      %shift_left3A_274 = arith.shli %gather3A_265, %shift_left3A_273 : vector<16xi32>
      %bitcast3A_275 = vector.bitcast %shift_left3A_274 : vector<16xi32> to vector<16xf32>
      %and3A_276 = arith.andi %gather3A_265, %broadcast_in_dim3A_175 : vector<16xi32>
      %bitcast3A_277 = vector.bitcast %and3A_276 : vector<16xi32> to vector<16xf32>
      %mul3A_278 = arith.mulf %bitcast3A_269, %bitcast3A_275 : vector<16xf32>
      %add3A_279 = arith.addf %scan3A_196, %mul3A_278 : vector<16xf32>
      %mul3A_280 = arith.mulf %bitcast3A_271, %bitcast3A_277 : vector<16xf32>
      %add3A_281 = arith.addf %add3A_279, %mul3A_280 : vector<16xf32>
      %gather3A_282 = arith.constant 0 : i32
      %gather3A_283 = arith.constant 0 : i32
      %gather3A_284 = tpu.memref_slice %arg8[%scan3A_176, %gather3A_282, %gather3A_283] : memref<4x80x64xi32, #tpu.memory_space<vmem>> -> memref<1x80x64xi32, #tpu.memory_space<vmem>>
      %gather3A_285 = tpu.memref_squeeze %gather3A_284 : memref<1x80x64xi32, #tpu.memory_space<vmem>> -> memref<80x64xi32, #tpu.memory_space<vmem>>
      %gather3A_286 = tpu.vector_load_idx %gather3A_285[%add3A_14, %and3A_206] : memref<80x64xi32, #tpu.memory_space<vmem>>[vector<16xi32>, vector<16xi32>], vector<16xi32>,
      %gather3A_287 = arith.constant 0 : i32
      %gather3A_288 = arith.constant 0 : i32
      %gather3A_289 = tpu.memref_slice %arg9[%scan3A_177, %gather3A_287, %gather3A_288] : memref<4x80x64xi32, #tpu.memory_space<vmem>> -> memref<1x80x64xi32, #tpu.memory_space<vmem>>
      %gather3A_290 = tpu.memref_squeeze %gather3A_289 : memref<1x80x64xi32, #tpu.memory_space<vmem>> -> memref<80x64xi32, #tpu.memory_space<vmem>>
      %gather3A_291 = tpu.vector_load_idx %gather3A_290[%add3A_14, %and3A_206] : memref<80x64xi32, #tpu.memory_space<vmem>>[vector<16xi32>, vector<16xi32>], vector<16xi32>,
      %shift_left3A_292 = arith.constant 16 : i32
      %shift_left3A_293 = vector.broadcast %shift_left3A_292 : i32 to vector<16xi32>
      %shift_left3A_294 = arith.shli %gather3A_286, %shift_left3A_293 : vector<16xi32>
      %bitcast3A_295 = vector.bitcast %shift_left3A_294 : vector<16xi32> to vector<16xf32>
      %and3A_296 = arith.andi %gather3A_286, %broadcast_in_dim3A_175 : vector<16xi32>
      %bitcast3A_297 = vector.bitcast %and3A_296 : vector<16xi32> to vector<16xf32>
      %shift_left3A_298 = arith.constant 16 : i32
      %shift_left3A_299 = vector.broadcast %shift_left3A_298 : i32 to vector<16xi32>
      %shift_left3A_300 = arith.shli %gather3A_291, %shift_left3A_299 : vector<16xi32>
      %bitcast3A_301 = vector.bitcast %shift_left3A_300 : vector<16xi32> to vector<16xf32>
      %and3A_302 = arith.andi %gather3A_291, %broadcast_in_dim3A_175 : vector<16xi32>
      %bitcast3A_303 = vector.bitcast %and3A_302 : vector<16xi32> to vector<16xf32>
      %mul3A_304 = arith.mulf %bitcast3A_295, %bitcast3A_301 : vector<16xf32>
      %add3A_305 = arith.addf %scan3A_197, %mul3A_304 : vector<16xf32>
      %mul3A_306 = arith.mulf %bitcast3A_297, %bitcast3A_303 : vector<16xf32>
      %add3A_307 = arith.addf %add3A_305, %mul3A_306 : vector<16xf32>
      %gather3A_308 = arith.constant 0 : i32
      %gather3A_309 = arith.constant 0 : i32
      %gather3A_310 = tpu.memref_slice %arg8[%scan3A_176, %gather3A_308, %gather3A_309] : memref<4x80x64xi32, #tpu.memory_space<vmem>> -> memref<1x80x64xi32, #tpu.memory_space<vmem>>
      %gather3A_311 = tpu.memref_squeeze %gather3A_310 : memref<1x80x64xi32, #tpu.memory_space<vmem>> -> memref<80x64xi32, #tpu.memory_space<vmem>>
      %gather3A_312 = tpu.vector_load_idx %gather3A_311[%add3A_17, %and3A_206] : memref<80x64xi32, #tpu.memory_space<vmem>>[vector<16xi32>, vector<16xi32>], vector<16xi32>,
      %gather3A_313 = arith.constant 0 : i32
      %gather3A_314 = arith.constant 0 : i32
      %gather3A_315 = tpu.memref_slice %arg9[%scan3A_177, %gather3A_313, %gather3A_314] : memref<4x80x64xi32, #tpu.memory_space<vmem>> -> memref<1x80x64xi32, #tpu.memory_space<vmem>>
      %gather3A_316 = tpu.memref_squeeze %gather3A_315 : memref<1x80x64xi32, #tpu.memory_space<vmem>> -> memref<80x64xi32, #tpu.memory_space<vmem>>
      %gather3A_317 = tpu.vector_load_idx %gather3A_316[%add3A_17, %and3A_206] : memref<80x64xi32, #tpu.memory_space<vmem>>[vector<16xi32>, vector<16xi32>], vector<16xi32>,
      %shift_left3A_318 = arith.constant 16 : i32
      %shift_left3A_319 = vector.broadcast %shift_left3A_318 : i32 to vector<16xi32>
      %shift_left3A_320 = arith.shli %gather3A_312, %shift_left3A_319 : vector<16xi32>
      %bitcast3A_321 = vector.bitcast %shift_left3A_320 : vector<16xi32> to vector<16xf32>
      %and3A_322 = arith.andi %gather3A_312, %broadcast_in_dim3A_175 : vector<16xi32>
      %bitcast3A_323 = vector.bitcast %and3A_322 : vector<16xi32> to vector<16xf32>
      %shift_left3A_324 = arith.constant 16 : i32
      %shift_left3A_325 = vector.broadcast %shift_left3A_324 : i32 to vector<16xi32>
      %shift_left3A_326 = arith.shli %gather3A_317, %shift_left3A_325 : vector<16xi32>
      %bitcast3A_327 = vector.bitcast %shift_left3A_326 : vector<16xi32> to vector<16xf32>
      %and3A_328 = arith.andi %gather3A_317, %broadcast_in_dim3A_175 : vector<16xi32>
      %bitcast3A_329 = vector.bitcast %and3A_328 : vector<16xi32> to vector<16xf32>
      %mul3A_330 = arith.mulf %bitcast3A_321, %bitcast3A_327 : vector<16xf32>
      %add3A_331 = arith.addf %scan3A_198, %mul3A_330 : vector<16xf32>
      %mul3A_332 = arith.mulf %bitcast3A_323, %bitcast3A_329 : vector<16xf32>
      %add3A_333 = arith.addf %add3A_331, %mul3A_332 : vector<16xf32>
      %mul3A_334 = arith.constant 2 : i32
      %mul3A_335 = arith.muli %scan3A_193, %mul3A_334 : i32
      %add3A_336 = arith.constant 1 : i32
      %add3A_337 = arith.addi %mul3A_335, %add3A_336 : i32
      %add3A_338 = vector.broadcast %add3A_337 : i32 to vector<16xi32>
      %add3A_339 = arith.addi %iota3A, %add3A_338 : vector<16xi32>
      %and3A_340 = arith.constant 63 : i32
      %and3A_341 = vector.broadcast %and3A_340 : i32 to vector<16xi32>
      %and3A_342 = arith.andi %add3A_339, %and3A_341 : vector<16xi32>
      %gather3A_343 = arith.constant 0 : i32
      %gather3A_344 = arith.constant 0 : i32
      %gather3A_345 = tpu.memref_slice %arg8[%scan3A_176, %gather3A_343, %gather3A_344] : memref<4x80x64xi32, #tpu.memory_space<vmem>> -> memref<1x80x64xi32, #tpu.memory_space<vmem>>
      %gather3A_346 = tpu.memref_squeeze %gather3A_345 : memref<1x80x64xi32, #tpu.memory_space<vmem>> -> memref<80x64xi32, #tpu.memory_space<vmem>>
      %gather3A_347 = tpu.vector_load_idx %gather3A_346[%add3A_5, %and3A_342] : memref<80x64xi32, #tpu.memory_space<vmem>>[vector<16xi32>, vector<16xi32>], vector<16xi32>,
      %gather3A_348 = arith.constant 0 : i32
      %gather3A_349 = arith.constant 0 : i32
      %gather3A_350 = tpu.memref_slice %arg9[%scan3A_177, %gather3A_348, %gather3A_349] : memref<4x80x64xi32, #tpu.memory_space<vmem>> -> memref<1x80x64xi32, #tpu.memory_space<vmem>>
      %gather3A_351 = tpu.memref_squeeze %gather3A_350 : memref<1x80x64xi32, #tpu.memory_space<vmem>> -> memref<80x64xi32, #tpu.memory_space<vmem>>
      %gather3A_352 = tpu.vector_load_idx %gather3A_351[%add3A_5, %and3A_342] : memref<80x64xi32, #tpu.memory_space<vmem>>[vector<16xi32>, vector<16xi32>], vector<16xi32>,
      %shift_left3A_353 = arith.constant 16 : i32
      %shift_left3A_354 = vector.broadcast %shift_left3A_353 : i32 to vector<16xi32>
      %shift_left3A_355 = arith.shli %gather3A_347, %shift_left3A_354 : vector<16xi32>
      %bitcast3A_356 = vector.bitcast %shift_left3A_355 : vector<16xi32> to vector<16xf32>
      %and3A_357 = arith.andi %gather3A_347, %broadcast_in_dim3A_175 : vector<16xi32>
      %bitcast3A_358 = vector.bitcast %and3A_357 : vector<16xi32> to vector<16xf32>
      %shift_left3A_359 = arith.constant 16 : i32
      %shift_left3A_360 = vector.broadcast %shift_left3A_359 : i32 to vector<16xi32>
      %shift_left3A_361 = arith.shli %gather3A_352, %shift_left3A_360 : vector<16xi32>
      %bitcast3A_362 = vector.bitcast %shift_left3A_361 : vector<16xi32> to vector<16xf32>
      %and3A_363 = arith.andi %gather3A_352, %broadcast_in_dim3A_175 : vector<16xi32>
      %bitcast3A_364 = vector.bitcast %and3A_363 : vector<16xi32> to vector<16xf32>
      %mul3A_365 = arith.mulf %bitcast3A_356, %bitcast3A_362 : vector<16xf32>
      %add3A_366 = arith.addf %add3A_229, %mul3A_365 : vector<16xf32>
      %mul3A_367 = arith.mulf %bitcast3A_358, %bitcast3A_364 : vector<16xf32>
      %add3A_368 = arith.addf %add3A_366, %mul3A_367 : vector<16xf32>
      %gather3A_369 = arith.constant 0 : i32
      %gather3A_370 = arith.constant 0 : i32
      %gather3A_371 = tpu.memref_slice %arg8[%scan3A_176, %gather3A_369, %gather3A_370] : memref<4x80x64xi32, #tpu.memory_space<vmem>> -> memref<1x80x64xi32, #tpu.memory_space<vmem>>
      %gather3A_372 = tpu.memref_squeeze %gather3A_371 : memref<1x80x64xi32, #tpu.memory_space<vmem>> -> memref<80x64xi32, #tpu.memory_space<vmem>>
      %gather3A_373 = tpu.vector_load_idx %gather3A_372[%add3A_8, %and3A_342] : memref<80x64xi32, #tpu.memory_space<vmem>>[vector<16xi32>, vector<16xi32>], vector<16xi32>,
      %gather3A_374 = arith.constant 0 : i32
      %gather3A_375 = arith.constant 0 : i32
      %gather3A_376 = tpu.memref_slice %arg9[%scan3A_177, %gather3A_374, %gather3A_375] : memref<4x80x64xi32, #tpu.memory_space<vmem>> -> memref<1x80x64xi32, #tpu.memory_space<vmem>>
      %gather3A_377 = tpu.memref_squeeze %gather3A_376 : memref<1x80x64xi32, #tpu.memory_space<vmem>> -> memref<80x64xi32, #tpu.memory_space<vmem>>
      %gather3A_378 = tpu.vector_load_idx %gather3A_377[%add3A_8, %and3A_342] : memref<80x64xi32, #tpu.memory_space<vmem>>[vector<16xi32>, vector<16xi32>], vector<16xi32>,
      %shift_left3A_379 = arith.constant 16 : i32
      %shift_left3A_380 = vector.broadcast %shift_left3A_379 : i32 to vector<16xi32>
      %shift_left3A_381 = arith.shli %gather3A_373, %shift_left3A_380 : vector<16xi32>
      %bitcast3A_382 = vector.bitcast %shift_left3A_381 : vector<16xi32> to vector<16xf32>
      %and3A_383 = arith.andi %gather3A_373, %broadcast_in_dim3A_175 : vector<16xi32>
      %bitcast3A_384 = vector.bitcast %and3A_383 : vector<16xi32> to vector<16xf32>
      %shift_left3A_385 = arith.constant 16 : i32
      %shift_left3A_386 = vector.broadcast %shift_left3A_385 : i32 to vector<16xi32>
      %shift_left3A_387 = arith.shli %gather3A_378, %shift_left3A_386 : vector<16xi32>
      %bitcast3A_388 = vector.bitcast %shift_left3A_387 : vector<16xi32> to vector<16xf32>
      %and3A_389 = arith.andi %gather3A_378, %broadcast_in_dim3A_175 : vector<16xi32>
      %bitcast3A_390 = vector.bitcast %and3A_389 : vector<16xi32> to vector<16xf32>
      %mul3A_391 = arith.mulf %bitcast3A_382, %bitcast3A_388 : vector<16xf32>
      %add3A_392 = arith.addf %add3A_255, %mul3A_391 : vector<16xf32>
      %mul3A_393 = arith.mulf %bitcast3A_384, %bitcast3A_390 : vector<16xf32>
      %add3A_394 = arith.addf %add3A_392, %mul3A_393 : vector<16xf32>
      %gather3A_395 = arith.constant 0 : i32
      %gather3A_396 = arith.constant 0 : i32
      %gather3A_397 = tpu.memref_slice %arg8[%scan3A_176, %gather3A_395, %gather3A_396] : memref<4x80x64xi32, #tpu.memory_space<vmem>> -> memref<1x80x64xi32, #tpu.memory_space<vmem>>
      %gather3A_398 = tpu.memref_squeeze %gather3A_397 : memref<1x80x64xi32, #tpu.memory_space<vmem>> -> memref<80x64xi32, #tpu.memory_space<vmem>>
      %gather3A_399 = tpu.vector_load_idx %gather3A_398[%add3A_11, %and3A_342] : memref<80x64xi32, #tpu.memory_space<vmem>>[vector<16xi32>, vector<16xi32>], vector<16xi32>,
      %gather3A_400 = arith.constant 0 : i32
      %gather3A_401 = arith.constant 0 : i32
      %gather3A_402 = tpu.memref_slice %arg9[%scan3A_177, %gather3A_400, %gather3A_401] : memref<4x80x64xi32, #tpu.memory_space<vmem>> -> memref<1x80x64xi32, #tpu.memory_space<vmem>>
      %gather3A_403 = tpu.memref_squeeze %gather3A_402 : memref<1x80x64xi32, #tpu.memory_space<vmem>> -> memref<80x64xi32, #tpu.memory_space<vmem>>
      %gather3A_404 = tpu.vector_load_idx %gather3A_403[%add3A_11, %and3A_342] : memref<80x64xi32, #tpu.memory_space<vmem>>[vector<16xi32>, vector<16xi32>], vector<16xi32>,
      %shift_left3A_405 = arith.constant 16 : i32
      %shift_left3A_406 = vector.broadcast %shift_left3A_405 : i32 to vector<16xi32>
      %shift_left3A_407 = arith.shli %gather3A_399, %shift_left3A_406 : vector<16xi32>
      %bitcast3A_408 = vector.bitcast %shift_left3A_407 : vector<16xi32> to vector<16xf32>
      %and3A_409 = arith.andi %gather3A_399, %broadcast_in_dim3A_175 : vector<16xi32>
      %bitcast3A_410 = vector.bitcast %and3A_409 : vector<16xi32> to vector<16xf32>
      %shift_left3A_411 = arith.constant 16 : i32
      %shift_left3A_412 = vector.broadcast %shift_left3A_411 : i32 to vector<16xi32>
      %shift_left3A_413 = arith.shli %gather3A_404, %shift_left3A_412 : vector<16xi32>
      %bitcast3A_414 = vector.bitcast %shift_left3A_413 : vector<16xi32> to vector<16xf32>
      %and3A_415 = arith.andi %gather3A_404, %broadcast_in_dim3A_175 : vector<16xi32>
      %bitcast3A_416 = vector.bitcast %and3A_415 : vector<16xi32> to vector<16xf32>
      %mul3A_417 = arith.mulf %bitcast3A_408, %bitcast3A_414 : vector<16xf32>
      %add3A_418 = arith.addf %add3A_281, %mul3A_417 : vector<16xf32>
      %mul3A_419 = arith.mulf %bitcast3A_410, %bitcast3A_416 : vector<16xf32>
      %add3A_420 = arith.addf %add3A_418, %mul3A_419 : vector<16xf32>
      %gather3A_421 = arith.constant 0 : i32
      %gather3A_422 = arith.constant 0 : i32
      %gather3A_423 = tpu.memref_slice %arg8[%scan3A_176, %gather3A_421, %gather3A_422] : memref<4x80x64xi32, #tpu.memory_space<vmem>> -> memref<1x80x64xi32, #tpu.memory_space<vmem>>
      %gather3A_424 = tpu.memref_squeeze %gather3A_423 : memref<1x80x64xi32, #tpu.memory_space<vmem>> -> memref<80x64xi32, #tpu.memory_space<vmem>>
      %gather3A_425 = tpu.vector_load_idx %gather3A_424[%add3A_14, %and3A_342] : memref<80x64xi32, #tpu.memory_space<vmem>>[vector<16xi32>, vector<16xi32>], vector<16xi32>,
      %gather3A_426 = arith.constant 0 : i32
      %gather3A_427 = arith.constant 0 : i32
      %gather3A_428 = tpu.memref_slice %arg9[%scan3A_177, %gather3A_426, %gather3A_427] : memref<4x80x64xi32, #tpu.memory_space<vmem>> -> memref<1x80x64xi32, #tpu.memory_space<vmem>>
      %gather3A_429 = tpu.memref_squeeze %gather3A_428 : memref<1x80x64xi32, #tpu.memory_space<vmem>> -> memref<80x64xi32, #tpu.memory_space<vmem>>
      %gather3A_430 = tpu.vector_load_idx %gather3A_429[%add3A_14, %and3A_342] : memref<80x64xi32, #tpu.memory_space<vmem>>[vector<16xi32>, vector<16xi32>], vector<16xi32>,
      %shift_left3A_431 = arith.constant 16 : i32
      %shift_left3A_432 = vector.broadcast %shift_left3A_431 : i32 to vector<16xi32>
      %shift_left3A_433 = arith.shli %gather3A_425, %shift_left3A_432 : vector<16xi32>
      %bitcast3A_434 = vector.bitcast %shift_left3A_433 : vector<16xi32> to vector<16xf32>
      %and3A_435 = arith.andi %gather3A_425, %broadcast_in_dim3A_175 : vector<16xi32>
      %bitcast3A_436 = vector.bitcast %and3A_435 : vector<16xi32> to vector<16xf32>
      %shift_left3A_437 = arith.constant 16 : i32
      %shift_left3A_438 = vector.broadcast %shift_left3A_437 : i32 to vector<16xi32>
      %shift_left3A_439 = arith.shli %gather3A_430, %shift_left3A_438 : vector<16xi32>
      %bitcast3A_440 = vector.bitcast %shift_left3A_439 : vector<16xi32> to vector<16xf32>
      %and3A_441 = arith.andi %gather3A_430, %broadcast_in_dim3A_175 : vector<16xi32>
      %bitcast3A_442 = vector.bitcast %and3A_441 : vector<16xi32> to vector<16xf32>
      %mul3A_443 = arith.mulf %bitcast3A_434, %bitcast3A_440 : vector<16xf32>
      %add3A_444 = arith.addf %add3A_307, %mul3A_443 : vector<16xf32>
      %mul3A_445 = arith.mulf %bitcast3A_436, %bitcast3A_442 : vector<16xf32>
      %add3A_446 = arith.addf %add3A_444, %mul3A_445 : vector<16xf32>
      %gather3A_447 = arith.constant 0 : i32
      %gather3A_448 = arith.constant 0 : i32
      %gather3A_449 = tpu.memref_slice %arg8[%scan3A_176, %gather3A_447, %gather3A_448] : memref<4x80x64xi32, #tpu.memory_space<vmem>> -> memref<1x80x64xi32, #tpu.memory_space<vmem>>
      %gather3A_450 = tpu.memref_squeeze %gather3A_449 : memref<1x80x64xi32, #tpu.memory_space<vmem>> -> memref<80x64xi32, #tpu.memory_space<vmem>>
      %gather3A_451 = tpu.vector_load_idx %gather3A_450[%add3A_17, %and3A_342] : memref<80x64xi32, #tpu.memory_space<vmem>>[vector<16xi32>, vector<16xi32>], vector<16xi32>,
      %gather3A_452 = arith.constant 0 : i32
      %gather3A_453 = arith.constant 0 : i32
      %gather3A_454 = tpu.memref_slice %arg9[%scan3A_177, %gather3A_452, %gather3A_453] : memref<4x80x64xi32, #tpu.memory_space<vmem>> -> memref<1x80x64xi32, #tpu.memory_space<vmem>>
      %gather3A_455 = tpu.memref_squeeze %gather3A_454 : memref<1x80x64xi32, #tpu.memory_space<vmem>> -> memref<80x64xi32, #tpu.memory_space<vmem>>
      %gather3A_456 = tpu.vector_load_idx %gather3A_455[%add3A_17, %and3A_342] : memref<80x64xi32, #tpu.memory_space<vmem>>[vector<16xi32>, vector<16xi32>], vector<16xi32>,
      %shift_left3A_457 = arith.constant 16 : i32
      %shift_left3A_458 = vector.broadcast %shift_left3A_457 : i32 to vector<16xi32>
      %shift_left3A_459 = arith.shli %gather3A_451, %shift_left3A_458 : vector<16xi32>
      %bitcast3A_460 = vector.bitcast %shift_left3A_459 : vector<16xi32> to vector<16xf32>
      %and3A_461 = arith.andi %gather3A_451, %broadcast_in_dim3A_175 : vector<16xi32>
      %bitcast3A_462 = vector.bitcast %and3A_461 : vector<16xi32> to vector<16xf32>
      %shift_left3A_463 = arith.constant 16 : i32
      %shift_left3A_464 = vector.broadcast %shift_left3A_463 : i32 to vector<16xi32>
      %shift_left3A_465 = arith.shli %gather3A_456, %shift_left3A_464 : vector<16xi32>
      %bitcast3A_466 = vector.bitcast %shift_left3A_465 : vector<16xi32> to vector<16xf32>
      %and3A_467 = arith.andi %gather3A_456, %broadcast_in_dim3A_175 : vector<16xi32>
      %bitcast3A_468 = vector.bitcast %and3A_467 : vector<16xi32> to vector<16xf32>
      %mul3A_469 = arith.mulf %bitcast3A_460, %bitcast3A_466 : vector<16xf32>
      %add3A_470 = arith.addf %add3A_333, %mul3A_469 : vector<16xf32>
      %mul3A_471 = arith.mulf %bitcast3A_462, %bitcast3A_468 : vector<16xf32>
      %add3A_472 = arith.addf %add3A_470, %mul3A_471 : vector<16xf32>
      scf.yield %add3A_368, %add3A_394, %add3A_420, %add3A_446, %add3A_472 : vector<16xf32>, vector<16xf32>, vector<16xf32>, vector<16xf32>, vector<16xf32>
    }
    %scan3A_183 = arith.constant 32 : i32
    %swap3A = arith.constant 9920 : index
    %swap3A_184 = tpu.vector_load %arg10[%swap3A] {strides = array<i32>} : memref<10000xf32, #tpu.memory_space<vmem>>, vector<16xf32>,
    tpu.vector_store %arg10[%swap3A], %scan3A_182#0 {strides = array<i32>} : memref<10000xf32, #tpu.memory_space<vmem>>, vector<16xf32>,
    %swap3A_185 = arith.constant 9936 : index
    %swap3A_186 = tpu.vector_load %arg10[%swap3A_185] {strides = array<i32>} : memref<10000xf32, #tpu.memory_space<vmem>>, vector<16xf32>,
    tpu.vector_store %arg10[%swap3A_185], %scan3A_182#1 {strides = array<i32>} : memref<10000xf32, #tpu.memory_space<vmem>>, vector<16xf32>,
    %swap3A_187 = arith.constant 9952 : index
    %swap3A_188 = tpu.vector_load %arg10[%swap3A_187] {strides = array<i32>} : memref<10000xf32, #tpu.memory_space<vmem>>, vector<16xf32>,
    tpu.vector_store %arg10[%swap3A_187], %scan3A_182#2 {strides = array<i32>} : memref<10000xf32, #tpu.memory_space<vmem>>, vector<16xf32>,
    %swap3A_189 = arith.constant 9968 : index
    %swap3A_190 = tpu.vector_load %arg10[%swap3A_189] {strides = array<i32>} : memref<10000xf32, #tpu.memory_space<vmem>>, vector<16xf32>,
    tpu.vector_store %arg10[%swap3A_189], %scan3A_182#3 {strides = array<i32>} : memref<10000xf32, #tpu.memory_space<vmem>>, vector<16xf32>,
    %swap3A_191 = arith.constant 9984 : index
    %swap3A_192 = tpu.vector_load %arg10[%swap3A_191] {strides = array<i32>} : memref<10000xf32, #tpu.memory_space<vmem>>, vector<16xf32>,
    tpu.vector_store %arg10[%swap3A_191], %scan3A_182#4 {strides = array<i32>} : memref<10000xf32, #tpu.memory_space<vmem>>, vector<16xf32>,
    "tpu.region"() ({
      %run_scoped3A = tpu.sem_alloc : memref<!tpu.dma_semaphore, #tpu.memory_space<semaphore_mem>>
      %dma_start3A_193 = tpu.memref_slice %arg5[%multiple_of3A] : memref<320000xf32, #tpu.memory_space<hbm>> -> memref<10000xf32, #tpu.memory_space<hbm>>
      %dma_start3A_194 = tpu.memref_slice %arg5[%multiple_of3A] : memref<320000xf32, #tpu.memory_space<hbm>> -> memref<10000xf32, #tpu.memory_space<hbm>>
      tpu.enqueue_dma source(%arg10 : memref<10000xf32, #tpu.memory_space<vmem>>) target(%dma_start3A_194 : memref<10000xf32, #tpu.memory_space<hbm>>) target_semaphore(%run_scoped3A : memref<!tpu.dma_semaphore, #tpu.memory_space<semaphore_mem>>)
      %dma_wait3A_195 = tpu.memref_slice %arg5[%multiple_of3A] : memref<320000xf32, #tpu.memory_space<hbm>> -> memref<10000xf32, #tpu.memory_space<hbm>>
      %dma_wait3A_196 = tpu.memref_slice %arg5[%multiple_of3A] : memref<320000xf32, #tpu.memory_space<hbm>> -> memref<10000xf32, #tpu.memory_space<hbm>>
      tpu.wait_dma2 semaphore(%run_scoped3A : memref<!tpu.dma_semaphore, #tpu.memory_space<semaphore_mem>>) src(%arg10 : memref<10000xf32, #tpu.memory_space<vmem>>) dst(%dma_wait3A_196 : memref<10000xf32, #tpu.memory_space<hbm>>)
      tpu.yield
    }) : () -> ()
    return
  }
}

</mosaic_0001>

<sc_bundles>
// kernel: kernel.3.cloned.1.call-start
scs
__scs_entry_jumppad:
0x0: {  	(pc) =	sbr.rel $0x88, $3  }
0x1: {  	(tag) =	ssettag $0x0;
	lr =	simm.s32 $0x1  }
0x2: {  	[smem:$0x3F9F] =	sst lr;
	_ =	strace $0xD0000000  }
0x3: {  	_ = 	snop  }
0x4: {  	_ = 	snop  }
0x5: {  	_ = 	snop  }
0x6: {  	_ = 	snop  }
0x7: {  	_ = 	snop  }
__scs_overlays_trampoline_lowered:
0x8: {  	[smem:$0x3FAE] =	sst s0  }
0x9: {  	[smem:$0x3FAF] =	sst s1  }
0xa: {  	[smem:$0x3FB0] =	sst s2  }
0xb: {  	[smem:$0x3FB1] =	sst s3  }
0xc: {  	[smem:$0x3FB2] =	sst s4  }
0xd: {  	[smem:$0x3FB3] =	sst s5  }
0xe: {  	[smem:$0x3FB4] =	sst s6  }
0xf: {  	[smem:$0x3FB5] =	sst s7  }
0x10: {  	[smem:$0x3FB6] =	sst s8  }
0x11: {  	[smem:$0x3FB7] =	sst s9;
	s0 =	simm.s32 @!p0 $0x0  }
0x12: {  	s1 =	sld [smem:$0x3F9D];
	s0 =	simm.s32 @p0 $0x1  }
0x13: {  	[smem:$0x3FB8] =	sst s0;
	s0 =	simm.s32 @!p1 $0x0  }
0x14: {  	s2 =	sld [smem:$0x3F9C];
	s0 =	simm.s32 @p1 $0x1  }
0x15: {  	[smem:$0x3FB9] =	sst s0;
	s0 =	simm.s32 @!p2 $0x0  }
0x16: {  	s3 =	sld [smem:$0x3FDB];
	s0 =	simm.s32 @p2 $0x1  }
0x17: {  	s4 =	simm.s32 $0x1BF5;
	[smem:$0x3FBB] =	sst s0  }
0x18: {  	s0 =	sld [smem:$0x3F9E];
	_ =	swait.ge [sflag:s4], $0x0  }
0x19: {  	s7 =	sld [smem:$0x3F9F]  }
0x1a: {  	s8 =	sadd.s32 $0xFFFFE003, lr  }
0x1b: {  	s9 =	sadd.s32 $0xFFFFFEF7, lr;
	s5 =	simm.s32 $0xFFFFFFFF;
	p2 =	slt.u32 s8, $0xFFFFF086  }
0x1c: {  	p1 =	slt.u32 s9, $0xF7A;
	s5 =	simm.s32 @!p2 $0x0  }
0x1d: {  	s5 =	simm.s32 @p1 $0x1;
	p0 =	seq.s32 s7, s2  }
0x1e: {  	s7 =	smul.u32 @!p0 $0xF7A, s2;
	p2 =	seq.s32 @!p0 s5, $0x0  }
0x1f: {  	s9 =	smul.u32 $0xF7A, s1;
	s8 =	simm.s32 @!p0 $0x1BF5;
	p2 =	por !p2, p0  }
0x20: {  	[sflag:s8] =	ssyncset.s32 @!p0 $0xFFFFF086;
	s6 =	sadd.s32 @!p0 s3, s7;
	s7 =	simm.s32 @!p0 $0x108  }
0x21: {  	s3 =	sadd.s32 s3, s9;
	s6 =	sadd.s32 @!p0 $0x88, s6;
	s7 =	simm.s32 @p2 $0x1082  }
0x22: {  	[simem:s7], [sflag:s8] =	dma.local @!p0 [hbm:s6], $0xF7A  }
0x23: {  	s9 =	sor.u32 $0xD0000000, s2;
	s6 =	simm.s32 $0x108;
	_ =	swait.ge @!p0 [sflag:s8], $0x0  }
0x24: {  	s3 =	sadd.s32 $0x88, s3;
	s6 =	simm.s32 @!p1 $0x1082;
	[sflag:s4] =	ssyncset.s32 $0xFFFFF086  }
0x25: {  	[simem:s6], [sflag:s4] =	dma.local [hbm:s3], $0xF7A  }
0x26: {  	[smem:$0x3F9F] =	sst s1;
	(tag) =	ssettag s2;
	_ =	strace s9  }
0x27: {  	s1 =	sld [smem:$0x3FAF]  }
0x28: {  	s2 =	sld [smem:$0x3FB0]  }
0x29: {  	s4 =	sld [smem:$0x3FB2]  }
0x2a: {  	p0 =	seq.s32 s5, $0x0;
	s5 =	sld [smem:$0x3FB3]  }
0x2b: {  	s6 =	sld [smem:$0x3FB4]  }
0x2c: {  	s7 =	sld [smem:$0x3FB5]  }
0x2d: {  	s3 =	simm.s32 $0x108;
	s8 =	sld [smem:$0x3FB6]  }
0x2e: {  	s3 =	simm.s32 @!p0 $0x1082;
	s9 =	sld [smem:$0x3FB7]  }
0x2f: {  	lr =	sadd.s32 s0, s3;
	s0 =	sld [smem:$0x3FAE]  }
0x30: {  	s3 =	sld [smem:$0x3FB1]  }
0x31: {  	[smem:$0x3FBA] =	sst s10  }
0x32: {  	s10 =	sld [smem:$0x3FB8];
	_ =	sdelay $0x3  }
0x33: {  	p0 =	seq.s32 s10, $0x1;
	s10 =	sld [smem:$0x3FBA];
	_ =	sdelay $0x3  }
0x34: {  	[smem:$0x3FBA] =	sst s10  }
0x35: {  	s10 =	sld [smem:$0x3FB9];
	_ =	sdelay $0x3  }
0x36: {  	p1 =	seq.s32 s10, $0x1;
	s10 =	sld [smem:$0x3FBA];
	_ =	sdelay $0x3  }
0x37: {  	[smem:$0x3FBA] =	sst s10  }
0x38: {  	s10 =	sld [smem:$0x3FBB]  }
0x39: {  	_ = 	snop;
	(pc) =	sbr.ind lr, $3  }
0x3a: {  	_ = 	snop  }
0x3b: {  	_ = 	snop  }
0x3c: {  	p2 =	seq.s32 s10, $0x1;
	s10 =	sld [smem:$0x3FBA]  }
0x3d: {  	_ =	shalt  }
0x3e: {  	_ =	shalt  }
0x3f: {  	_ =	shalt  }
0x40: {  	_ =	shalt  }
0x41: {  	_ =	shalt  }
0x42: {  	_ =	shalt  }
0x43: {  	_ =	shalt  }
0x44: {  	_ =	shalt  }
0x45: {  	_ =	shalt  }
0x46: {  	_ =	shalt  }
0x47: {  	_ =	shalt  }
0x48: {  	_ =	shalt  }
0x49: {  	_ =	shalt  }
0x4a: {  	_ =	shalt  }
0x4b: {  	_ =	shalt  }
0x4c: {  	_ =	shalt  }
0x4d: {  	_ =	shalt  }
0x4e: {  	_ =	shalt  }
0x4f: {  	_ =	shalt  }
0x50: {  	_ =	shalt  }
0x51: {  	_ =	shalt  }
0x52: {  	_ =	shalt  }
0x53: {  	_ =	shalt  }
0x54: {  	_ =	shalt  }
0x55: {  	_ =	shalt  }
0x56: {  	_ =	shalt  }
0x57: {  	_ =	shalt  }
0x58: {  	_ =	shalt  }
0x59: {  	_ =	shalt  }
0x5a: {  	_ =	shalt  }
0x5b: {  	_ =	shalt  }
0x5c: {  	_ =	shalt  }
0x5d: {  	_ =	shalt  }
0x5e: {  	_ =	shalt  }
0x5f: {  	_ =	shalt  }
0x60: {  	_ =	shalt  }
0x61: {  	_ =	shalt  }
0x62: {  	_ =	shalt  }
0x63: {  	_ =	shalt  }
0x64: {  	_ =	shalt  }
0x65: {  	_ =	shalt  }
0x66: {  	_ =	shalt  }
0x67: {  	_ =	shalt  }
0x68: {  	_ =	shalt  }
0x69: {  	_ =	shalt  }
0x6a: {  	_ =	shalt  }
0x6b: {  	_ =	shalt  }
0x6c: {  	_ =	shalt  }
0x6d: {  	_ =	shalt  }
0x6e: {  	_ =	shalt  }
0x6f: {  	_ =	shalt  }
0x70: {  	_ =	shalt  }
0x71: {  	_ =	shalt  }
0x72: {  	_ =	shalt  }
0x73: {  	_ =	shalt  }
0x74: {  	_ =	shalt  }
0x75: {  	_ =	shalt  }
0x76: {  	_ =	shalt  }
0x77: {  	_ =	shalt  }
0x78: {  	_ =	shalt  }
0x79: {  	_ =	shalt  }
0x7a: {  	_ =	shalt  }
0x7b: {  	_ =	shalt  }
0x7c: {  	_ =	shalt  }
0x7d: {  	_ =	shalt  }
0x7e: {  	_ =	shalt  }
0x7f: {  	_ =	shalt  }
0x80: {  	_ =	shalt  }
0x81: {  	_ =	shalt  }
0x82: {  	_ =	shalt  }
0x83: {  	_ =	shalt  }
0x84: {  	_ =	shalt  }
0x85: {  	_ =	shalt  }
0x86: {  	_ =	shalt  }
0x87: {  	_ =	shalt  }
.Lfunc_end0:
.L_simem_size_0:
called_computation_lowered:
.L_overlay_start_0:
0x88: {  	s2 =	sld [smem:$0x3FD9]  }
0x89: {  	s3 =	sld [smem:$0x3FFE];
	_ =	sdelay $0x1  }
0x8a: {  	s1 =	srdreg.scid  }
0x8b: {  	s0 =	sand.u32 $0x1, s1  }
0x8c: {  	s17 =	sshll.u32 s0, $0xA;
	s2 =	sadd.s32 s3, s2  }
0x8d: {  	s2 =	sadd.s32 s2, s17  }
0x8e: {  	[smem:$0x3FC6] =	sst s2  }
0x8f: {  	_ = 	snop  }
0x90: {  	s2 =	sld [smem:$0x3FD0];
	(tm) =	ssettm $0x1  }
0x91: {  	s18 =	sld [smem:$0x3FFB];
	_ =	sdelay $0x3  }
0x92: {  	_ =	strace s18  }
0x93: {  	s3 =	sld [smem:$0x3FFC];
	_ =	sdelay $0x3  }
0x94: {  	_ =	strace s3  }
0x95: {  	s3 =	sld [smem:$0x3FFD];
	_ =	sdelay $0x3  }
0x96: {  	_ =	strace s3  }
0x97: {  	_ =	strace $0x8FFFFFFF  }
0x98: {  	s19 =	sld [smem:$0x3FDB];
	_ =	sdelay $0x1  }
0x99: {  	s4 =	simm.s32 $_scs_section_size  }
0x9a: {  	s5 =	simm.s32 $_size__tile_overlayer_lowered;
	s6 =	simm.s32 $_tile_overlayer_lowered  }
0x9b: {  	s22 =	simm.s32 $0x1BFF;
	s21 =	sshll.u32 s6, $0x1;
	s3 =	sadd.s32 s4, s19  }
0x9c: {  	s7 =	simm.s32 $0x0;
	s20 =	sshll.u32 s5, $0x1;
	s5 =	sadd.s32 s21, s3  }
0x9d: {  	[timem:s7], [sflag:s22] =	dma.local [hbm:s5], s20  }
0x9e: {  	_ =	swait.ge [sflag:s22], s20  }
0x9f: {  	s4 =	ssub.s32 $0x0, s20;
	[sflag:s22] =	ssyncset.done $0x0  }
0xa0: {  	[sflag:s22] =	ssyncadd.s32 s4;
	_ =	sdelay $0x1  }
0xa1: {  	s23 =	simm.s32 $0x1B8B  }
0xa2: {  	_ =	swait.ge [sflag:s23], $0x1  }
0xa3: {  	[sflag:s23] =	ssyncset.done $0x0  }
0xa4: {  	s25 =	simm.s32 $0x1B8E;
	s24 =	sld [smem:$0x3FFE];
	[sflag:s23] =	ssyncadd.s32 $0xFFFFFFFF  }
0xa5: {  	s26 =	simm.s32 $execute0_lowered;
	[smem:$0x3FD2] =	sst s25  }
0xa6: {  	s5 =	sshll.u32 s26, $0x1;
	_ =	strace $0x80000046;
	[dreg:$0x1] =	wrdreg $0xFFFFFFFF  }
0xa7: {  	s28 =	simm.s32 $_size_execute0_lowered;
	s3 =	sadd.s32 s3, s5;
	[dreg:$0x0] =	wrdreg $0x0  }
0xa8: {  	s5 =	sshll.u32 s28, $0x1;
	[dreg:$0x2] =	wrdreg s3  }
0xa9: {  	[dreg:$0x3] =	wrdreg s5  }
0xaa: {  	[dreg:$0x4] =	wrdreg $0xC0  }
0xab: {  	_ =	task [dreg:s7], $0x5FFFF  }
0xac: {  	[dreg:$0x1] =	wrdreg $0xFFFFFFFF  }
0xad: {  	[dreg:$0x0] =	wrdreg $0x60  }
0xae: {  	[dreg:$0x2] =	wrdreg s24  }
0xaf: {  	[dreg:$0x3] =	wrdreg s2  }
0xb0: {  	[dreg:$0x4] =	wrdreg $0x9  }
0xb1: {  	_ =	task.clear_ibuf [dreg:s7], $0x5FFFF;
	_ =	strace $0x90000046  }
0xb2: {  	s29 =	simm.s32 $0x9;
	_ =	strace $0x80000048  }
0xb3: {  	_ =	swait.ge [sflag:s29], $0x1  }
0xb4: {  	[sflag:s29] =	ssyncadd.s32 $0xFFFFFFFF  }
0xb5: {  	_ =	strace $0x90000048  }
0xb6: {  	_ =	sfence  }
0xb7: {  	s30 =	sld [smem:$0x0];
	_ =	sdelay $0x2  }
0xb8: {  	s31 =	sshll.u32 s1, $0xD;
	s1 =	sshrl.u32 s1, $0x2  }
0xb9: {  	s3 =	sand.u32 $0x4000, s31;
	s1 =	sadd.s32 s1, s30  }
0xba: {  	s0 =	sor.u32 s3, s0;
	s1 =	sshll.u32 s1, $0x11  }
0xbb: {  	s0 =	sor.u32 s1, s0  }
0xbc: {  	s0 =	sadd.s32 $0x8F2B, s0  }
0xbd: {  	[sflag:s0] =	ssyncadd.remote.s32 $0x1  }
0xbe: {  	_ =	sfence.sel $0xFFFF  }
0xbf: {  	[dreg:$0x0] =	wrdreg $0xFFFFFFFF;
	(pc) =	sbr.abs _section_cstart, $3  }
0xc0: {  	[dreg:$0x1] =	wrdreg $0xFFFFFFFF  }
0xc1: {  	_ =	task.clear_ibuf [dreg:s7], $0x2FFFF;
	_ =	strace $0x9FFFFFFF  }
0xc2: {  	(tm) =	ssettm $0x7FFFFFFF  }
0xc3: {  	_ =	shalt  }
tec
execute0_lowered:
.L_overlay_start_1:
0x0: {  	(tag) =	ssettag $0x1  }
0x1: {  	s2 =	rddreg [dreg:$0x0];
	s0 =	srdreg.scid  }
0x2: {  	s3 =	stileid.u32;
	s1 =	rddreg [dreg:$0x1];
	s10 =	simm.s32 $0x2710  }
0x3: {  	s11 =	simm.s32 $0x5;
	s12 =	simm.s32 $0x50;
	s13 =	simm.s32 $0x4E20  }
0x4: {  	s14 =	simm.s32 $0x9E20;
	s15 =	simm.s32 $0x6220;
	s17 =	simm.s32 $0xB220  }
0x5: {  	s19 =	simm.s32 $0x7620;
	s21 =	simm.s32 $0xC620;
	s23 =	simm.s32 $0x8A20  }
0x6: {  	s25 =	simm.s32 $0xDA20;
	s29 =	simm.s32 $0x1;
	s30 =	simm.s32 $0x2  }
0x7: {  	s31 =	simm.s32 $0x3;
	s0 =	sand.u32 $0x1, s0;
	s4 =	sshll.u32 s3, $0x1  }
0x8: {  	s16 =	simm.s32 $0x6;
	s18 =	simm.s32 $0x0;
	s4 =	sor.u32 s0, s4  }
0x9: {  	s3 =	simm.s32 $0x0;
	s6 =	sadd.s32 $0x1D800, s2;
	s4 =	smul.u32 $0x2710, s4  }
0xa: {  	v0 =	vlaneseq.u32;
	s7 =	sadd.s32 $0x13A00, s2;
	[smem:$0x7FF] =	sst s3;
	s0 =	ssub.s32 $0x2, s0  }
0xb: {  	v1 =	vmul.u32 $0x40, v0;
	_ =	strace $0x80000047;
	s5 =	sshrl.u32 s0, $0x1;
	s8 =	sshrl.u32 s4, $0x3  }
0xc: {  	s0 =	ssub.s32 s0, s5;
	s4 =	sadd.s32 s6, s8;
	s9 =	sadd.s32 $0x28, s8  }
0xd: {  	v2 =	vor.u32 $0x400, v1;
	s5 =	sadd.s32 s7, s8;
	s8 =	sadd.s32 s1, s8;
	s1 =	simm.s32 $0x4  }
0xe: {  	v3 =	vor.u32 $0x800, v1;
	v4 =	vor.u32 $0xC00, v1;
	v5 =	vor.u32 $0x1000, v1;
	s6 =	sadd.s32 s6, s9;
	s7 =	sadd.s32 s7, s9;
	s9 =	smax.u32 s0, $0x1  }
.LBB2_1:
0xf: {  	[tilespmem:s3], [sflag:$0x5] =	stream.linear.gather [hbm4b:s4+s3], $0x140, $0x38;
	[tilespmem:$0x11530] =	vst v63  }
0x10: {  	_ = 	snop  }
0x11: {  	[tilespmem:s10], [sflag:$0x5] =	stream.linear.gather [hbm4b:s5+s3], $0x140, $0x38;
	[tilespmem:$0x11530] =	vst v63  }
0x12: {  	_ =	swait.ge [sflag:s11], $0x140  }
0x13: {  	[sflag:s11] =	ssyncset.done $0x0  }
0x14: {  	[sflag:s11] =	ssyncadd.s32 $0xFFFFFEC0  }
0x15: {  	_ =	swait.ge [sflag:s11], $0x140  }
0x16: {  	[sflag:s11] =	ssyncset.done $0x0  }
0x17: {  	[sflag:s11] =	ssyncadd.s32 $0xFFFFFEC0  }
0x18: {  	[tilespmem:s13], [sflag:$0x1] =	stream.indirect.gather [hbm4b:s2+s12], $0x40, s3, s12, $0xb8;
	[tilespmem:$0x11530] =	vst v63  }
0x19: {  	_ = 	snop  }
0x1a: {  	[tilespmem:s14], [sflag:$0x1] =	stream.indirect.gather [hbm4b:s2+s12], $0x40, s10, s12, $0xb8;
	[tilespmem:$0x11530] =	vst v63  }
0x1b: {  	_ = 	snop  }
0x1c: {  	[tilespmem:s15], [sflag:$0x2] =	stream.indirect.gather [hbm4b:s2+s12], $0x40, s12, s12, $0xb8;
	[tilespmem:$0x11530] =	vst v63  }
0x1d: {  	s0 =	simm.s32 $0x2760  }
0x1e: {  	[tilespmem:s17], [sflag:$0x2] =	stream.indirect.gather [hbm4b:s2+s12], $0x40, s0, s12, $0xb8;
	[tilespmem:$0x11530] =	vst v63  }
0x1f: {  	s28 =	simm.s32 $0xA0  }
0x20: {  	[tilespmem:s19], [sflag:$0x3] =	stream.indirect.gather [hbm4b:s2+s12], $0x40, s28, s12, $0xb8;
	[tilespmem:$0x11530] =	vst v63  }
0x21: {  	s20 =	simm.s32 $0x27B0  }
0x22: {  	[tilespmem:s21], [sflag:$0x3] =	stream.indirect.gather [hbm4b:s2+s12], $0x40, s20, s12, $0xb8;
	[tilespmem:$0x11530] =	vst v63  }
0x23: {  	s22 =	simm.s32 $0xF0  }
0x24: {  	[tilespmem:s23], [sflag:$0x4] =	stream.indirect.gather [hbm4b:s2+s12], $0x40, s22, s12, $0xb8;
	[tilespmem:$0x11530] =	vst v63  }
0x25: {  	s24 =	simm.s32 $0x2800  }
0x26: {  	[tilespmem:s25], [sflag:$0x4] =	stream.indirect.gather [hbm4b:s2+s12], $0x40, s24, s12, $0xb8;
	[tilespmem:$0x11530] =	vst v63  }
0x27: {  	s26 =	simm.s32 $0x140  }
0x28: {  	[tilespmem:s26], [sflag:$0x5] =	stream.linear.gather [hbm4b:s6+s3], $0x25D0, $0x38;
	[tilespmem:$0x11530] =	vst v63  }
0x29: {  	s28 =	simm.s32 $0x2850  }
0x2a: {  	[tilespmem:s28], [sflag:$0x5] =	stream.linear.gather [hbm4b:s7+s3], $0x25D0, $0x38;
	[tilespmem:$0x11530] =	vst v63  }
0x2b: {  	_ =	swait.ge [sflag:s11], $0x25D0  }
0x2c: {  	[sflag:s11] =	ssyncset.done $0x0  }
0x2d: {  	[sflag:s11] =	ssyncadd.s32 $0xFFFFDA30  }
0x2e: {  	_ =	swait.ge [sflag:s11], $0x25D0  }
0x2f: {  	[sflag:s11] =	ssyncset.done $0x0  }
0x30: {  	s20 =	simm.s32 $0x0;
	[sflag:s11] =	ssyncadd.s32 $0xFFFFDA30  }
.LBB2_2:
0x31: {  	s22 =	simm.s32 $0x1  }
0x32: {  	v6 =	vadd.s32 s22, v0  }
0x33: {  	_ =	swait.ge [sflag:s29], $0x1400;
	v6 =	vand.u32 $0x3F, v6  }
0x34: {  	[sflag:s29] =	ssyncset.done $0x0;
	v7 =	vor.u32 v2, v6  }
0x35: {  	s28 =	simm.s32 $0x0;
	[sflag:s29] =	ssyncadd.s32 $0xFFFFEC00  }
0x36: {  	v8 =	vadd.s32 s28, v0;
	_ =	swait.ge [sflag:s29], $0x1400;
	v9 =	vor.u32 v3, v6  }
0x37: {  	v8 =	vand.u32 $0x3F, v8;
	[sflag:s29] =	ssyncset.done $0x0  }
0x38: {  	v12 =	vor.u32 v1, v8;
	[sflag:s29] =	ssyncadd.s32 $0xFFFFEC00  }
0x39: {  	v11 =	vor.u32 v4, v6;
	v10 =	vld.idx.msk [tilespmem:v7+s14+$0x0], $0xffff  }
0x3a: {  	v13 =	vor.u32 v2, v8;
	v14 =	vld.idx.msk [tilespmem:v7+s13+$0x0], $0xffff  }
0x3b: {  	v15 =	vor.u32 v1, v6;
	v18 =	vld.idx.msk [tilespmem:v9+s13+$0x0], $0xffff  }
0x3c: {  	v6 =	vor.u32 v5, v6;
	v20 =	vld.idx.msk [tilespmem:v9+s14+$0x0], $0xffff  }
0x3d: {  	v25 =	vld.idx.msk [tilespmem:v12+s13+$0x0], $0xffff  }
0x3e: {  	v24 =	vld.idx.msk [tilespmem:v11+s13+$0x0], $0xffff  }
0x3f: {  	v9 =	vld.idx.msk [tilespmem:v13+s13+$0x0], $0xffff  }
0x40: {  	v30 =	vor.u32 v5, v8;
	v31 =	vld.idx.msk [tilespmem:v15+s14+$0x0], $0xffff  }
0x41: {  	v16 =	vld.idx.msk [tilespmem:v6+s14+$0x0], $0xffff  }
0x42: {  	v17 =	vimm.f32 $0.0e+00;
	v19 =	vor.u32 v4, v8;
	v28 =	vld.idx.msk [tilespmem:v6+s13+$0x0], $0xffff;
	v7 =	vshll.u32 v10, $0x10  }
0x43: {  	v21 =	vshll.u32 v14, $0x10;
	v10 =	vand.u32 $0xFFFF0000, v10;
	v23 =	vand.u32 $0xFFFF0000, v14  }
0x44: {  	v38 =	vld.idx.msk [tilespmem:v11+s14+$0x0], $0xffff;
	v26 =	vshll.u32 v20, $0x10;
	v14 =	vor.u32 v3, v8;
	v11 =	vshll.u32 v9, $0x10  }
0x45: {  	v22 =	vld.idx.msk [tilespmem:v30+s13+$0x0], $0xffff;
	v9 =	vand.u32 $0xFFFF0000, v9;
	v35 =	vand.u32 $0xFFFF0000, v24;
	v34 =	vshll.u32 v31, $0x10  }
0x46: {  	v29 =	vld.idx.msk [tilespmem:v12+s14+$0x0], $0xffff;
	v36 =	vand.u32 $0xFFFF0000, v20;
	v32 =	vshll.u32 v25, $0x10;
	v37 =	vand.u32 $0xFFFF0000, v18  }
0x47: {  	v12 =	vand.u32 $0xFFFF0000, v28;
	v27 =	vshll.u32 v16, $0x10;
	v6 =	vmul.f32 v10, v23;
	v10 =	vld.idx.msk [tilespmem:v13+s14+$0x0], $0xffff  }
0x48: {  	v20 =	vimm.f32 $0.0e+00;
	v7 =	vmul.f32 v7, v21;
	v21 =	vshll.u32 v18, $0x10;
	v23 =	vld.idx.msk [tilespmem:v15+s13+$0x0], $0xffff  }
0x49: {  	v30 =	vld.idx.msk [tilespmem:v30+s14+$0x0], $0xffff;
	v15 =	vimm.f32 $0.0e+00;
	v18 =	vimm.f32 $0.0e+00;
	v13 =	vimm.f32 $0.0e+00  }
0x4a: {  	v8 =	vmul.f32 v26, v21;
	v21 =	vshll.u32 v24, $0x10;
	v24 =	vand.u32 $0xFFFF0000, v25;
	v26 =	vld.idx.msk [tilespmem:v19+s13+$0x0], $0xffff  }
0x4b: {  	s22 =	simm.s32 $0x2;
	v25 =	vand.u32 $0xFFFF0000, v31;
	v31 =	vshll.u32 v38, $0x10;
	v38 =	vand.u32 $0xFFFF0000, v38;
	v33 =	vld.idx.msk [tilespmem:v14+s13+$0x0], $0xffff  }
.LBB2_3:
0x4c: {  	p0 =	sne.s32 s22, $0x3E;
	v19 =	vld.idx.msk [tilespmem:v19+s14+$0x0], $0xffff;
	v36 =	vmul.f32 v36, v37;
	v35 =	vmul.f32 v38, v35;
	v28 =	vshll.u32 v28, $0x10;
	s24 =	smov.u32 s22;
	s22 =	sadd.s32 $0x2, s22  }
0x4d: {  	v37 =	vshll.u32 v10, $0x10;
	v38 =	vshll.u32 v23, $0x10;
	v16 =	vand.u32 $0xFFFF0000, v16  }
0x4e: {  	v21 =	vmul.f32 v31, v21;
	v34 =	vmul.f32 v34, v38  }
0x4f: {  	v38 =	vshll.u32 v22, $0x10;
	v22 =	vand.u32 $0xFFFF0000, v22;
	v31 =	vand.u32 $0xFFFF0000, v26  }
0x50: {  	v39 =	vshll.u32 v29, $0x10;
	v27 =	vmul.f32 v27, v28;
	v41 =	vand.u32 $0xFFFF0000, v33;
	v40 =	vld.idx.msk [tilespmem:v14+s14+$0x0], $0xffff  }
0x51: {  	v28 =	vmul.f32 v39, v32;
	v14 =	vand.u32 $0xFFFF0000, v29;
	v29 =	vshll.u32 v33, $0x10  }
0x52: {  	v23 =	vand.u32 $0xFFFF0000, v23;
	s26 =	sadd.s32 $0x1, s24;
	v33 =	vand.u32 $0xFFFF0000, v30;
	v32 =	vand.u32 $0xFFFF0000, v19  }
0x53: {  	v39 =	vadd.s32 s26, v0;
	v30 =	vshll.u32 v30, $0x10;
	v19 =	vshll.u32 v19, $0x10  }
0x54: {  	v23 =	vmul.f32 v25, v23;
	v39 =	vand.u32 $0x3F, v39;
	v17 =	vadd.f32 v28, v17  }
0x55: {  	v25 =	vor.u32 v2, v39;
	v24 =	vmul.f32 v14, v24;
	v22 =	vmul.f32 v33, v22  }
0x56: {  	v26 =	vshll.u32 v26, $0x10;
	v14 =	vadd.s32 s24, v0;
	v28 =	vshll.u32 v40, $0x10  }
0x57: {  	v42 =	vor.u32 v3, v39;
	v33 =	vand.u32 $0x3F, v14;
	v26 =	vmul.f32 v19, v26  }
0x58: {  	v43 =	vor.u32 v1, v33;
	v44 =	vor.u32 v2, v33;
	v28 =	vmul.f32 v28, v29  }
0x59: {  	v14 =	vor.u32 v3, v33;
	v19 =	vor.u32 v4, v33;
	v29 =	vand.u32 $0xFFFF0000, v40  }
0x5a: {  	v45 =	vor.u32 v4, v39;
	v30 =	vmul.f32 v30, v38;
	v29 =	vmul.f32 v29, v41;
	v40 =	vld.idx.msk [tilespmem:v25+s14+$0x0], $0xffff  }
0x5b: {  	v38 =	vor.u32 v5, v33;
	v17 =	vadd.f32 v17, v24;
	v20 =	vadd.f32 v28, v20;
	v25 =	vld.idx.msk [tilespmem:v25+s13+$0x0], $0xffff  }
0x5c: {  	v24 =	vor.u32 v1, v39;
	v18 =	vadd.f32 v30, v18;
	v15 =	vadd.f32 v26, v15;
	v41 =	vld.idx.msk [tilespmem:v42+s13+$0x0], $0xffff  }
0x5d: {  	v28 =	vor.u32 v5, v39;
	v20 =	vadd.f32 v20, v29;
	v29 =	vmul.f32 v32, v31;
	v26 =	vld.idx.msk [tilespmem:v42+s14+$0x0], $0xffff  }
0x5e: {  	v11 =	vmul.f32 v37, v11;
	v18 =	vadd.f32 v18, v22;
	v17 =	vadd.f32 v34, v17;
	v30 =	vld.idx.msk [tilespmem:v43+s13+$0x0], $0xffff  }
0x5f: {  	v10 =	vand.u32 $0xFFFF0000, v10;
	v12 =	vmul.f32 v16, v12;
	v15 =	vadd.f32 v15, v29;
	v31 =	vld.idx.msk [tilespmem:v45+s13+$0x0], $0xffff  }
0x60: {  	v18 =	vadd.f32 v27, v18;
	v16 =	vshll.u32 v40, $0x10;
	v32 =	vand.u32 $0xFFFF0000, v40;
	v29 =	vld.idx.msk [tilespmem:v44+s13+$0x0], $0xffff  }
0x61: {  	v9 =	vmul.f32 v10, v9;
	v17 =	vadd.f32 v17, v23;
	v22 =	vshll.u32 v25, $0x10;
	v39 =	vld.idx.msk [tilespmem:v24+s14+$0x0], $0xffff  }
0x62: {  	v15 =	vadd.f32 v21, v15;
	v27 =	vmul.f32 v16, v22;
	v10 =	vshll.u32 v41, $0x10;
	v16 =	vld.idx.msk [tilespmem:v28+s14+$0x0], $0xffff  }
0x63: {  	v11 =	vadd.f32 v11, v13;
	v21 =	vand.u32 $0xFFFF0000, v25;
	v23 =	vshll.u32 v26, $0x10;
	v22 =	vld.idx.msk [tilespmem:v38+s13+$0x0], $0xffff  }
0x64: {  	v15 =	vadd.f32 v15, v35;
	v25 =	vmul.f32 v32, v21;
	v13 =	vmul.f32 v23, v10;
	v28 =	vld.idx.msk [tilespmem:v28+s13+$0x0], $0xffff  }
0x65: {  	v20 =	vadd.f32 v8, v20;
	v32 =	vadd.f32 v11, v9;
	v21 =	vshll.u32 v31, $0x10;
	v40 =	vld.idx.msk [tilespmem:v45+s14+$0x0], $0xffff  }
0x66: {  	v18 =	vadd.f32 v18, v12;
	v11 =	vshll.u32 v29, $0x10;
	v9 =	vand.u32 $0xFFFF0000, v29;
	v8 =	vmovc v13;
	v10 =	vld.idx.msk [tilespmem:v44+s14+$0x0], $0xffff  }
.Ltmp0:
0x67: {  	v20 =	vadd.f32 v20, v36;
	v12 =	vadd.f32 v7, v32;
	v7 =	vmovc v27;
	v35 =	vand.u32 $0xFFFF0000, v31;
	v23 =	vld.idx.msk [tilespmem:v24+s13+$0x0], $0xffff;
	(pc) =	sbr.rel @p0 .LBB2_3-.Ltmp0, $4  }
0x68: {  	v36 =	vand.u32 $0xFFFF0000, v26;
	v34 =	vshll.u32 v39, $0x10;
	v24 =	vand.u32 $0xFFFF0000, v30;
	v29 =	vld.idx.msk [tilespmem:v43+s14+$0x0], $0xffff  }
0x69: {  	v32 =	vshll.u32 v30, $0x10;
	v13 =	vadd.f32 v12, v6;
	v6 =	vmov v25;
	v26 =	vld.idx.msk [tilespmem:v19+s13+$0x0], $0xffff  }
0x6a: {  	v37 =	vand.u32 $0xFFFF0000, v41;
	v27 =	vshll.u32 v16, $0x10;
	v12 =	vand.u32 $0xFFFF0000, v28;
	v33 =	vld.idx.msk [tilespmem:v14+s13+$0x0], $0xffff  }
0x6b: {  	v25 =	vand.u32 $0xFFFF0000, v39;
	v31 =	vshll.u32 v40, $0x10;
	v30 =	vld.idx.msk [tilespmem:v38+s14+$0x0], $0xffff;
	v38 =	vand.u32 $0xFFFF0000, v40  }
0x6c: {  	_ = 	snop  }
0x6d: {  	v36 =	vmul.f32 v36, v37  }
0x6e: {  	v35 =	vmul.f32 v38, v35;
	v57 =	vshll.u32 v23, $0x10;
	v58 =	vshll.u32 v10, $0x10  }
0x6f: {  	v40 =	vshll.u32 v22, $0x10;
	v22 =	vand.u32 $0xFFFF0000, v22;
	v23 =	vand.u32 $0xFFFF0000, v23  }
0x70: {  	v19 =	vld.idx.msk [tilespmem:v19+s14+$0x0], $0xffff;
	v10 =	vand.u32 $0xFFFF0000, v10;
	v34 =	vmul.f32 v34, v57;
	v59 =	vshll.u32 v29, $0x10  }
0x71: {  	v29 =	vand.u32 $0xFFFF0000, v29;
	v11 =	vmul.f32 v58, v11;
	v9 =	vmul.f32 v10, v9  }
0x72: {  	v14 =	vld.idx.msk [tilespmem:v14+s14+$0x0], $0xffff;
	v39 =	vand.u32 $0xFFFF0000, v26;
	v32 =	vmul.f32 v59, v32;
	v24 =	vmul.f32 v29, v24  }
0x73: {  	v26 =	vshll.u32 v26, $0x10;
	v60 =	vand.u32 $0xFFFF0000, v33;
	v61 =	vshll.u32 v33, $0x10  }
0x74: {  	v10 =	vadd.f32 v11, v13;
	v29 =	vand.u32 $0xFFFF0000, v30;
	v30 =	vshll.u32 v30, $0x10  }
0x75: {  	v62 =	vand.u32 $0xFFFF0000, v19;
	v19 =	vshll.u32 v19, $0x10;
	v30 =	vmul.f32 v30, v40  }
0x76: {  	v17 =	vadd.f32 v32, v17;
	v11 =	vmul.f32 v29, v22;
	v19 =	vmul.f32 v19, v26  }
0x77: {  	v9 =	vadd.f32 v10, v9;
	v10 =	vmul.f32 v25, v23;
	v26 =	vshll.u32 v14, $0x10  }
0x78: {  	v26 =	vmul.f32 v26, v61;
	v13 =	vadd.f32 v19, v15;
	v15 =	vadd.f32 v30, v18  }
0x79: {  	v14 =	vand.u32 $0xFFFF0000, v14;
	v17 =	vadd.f32 v17, v24;
	v18 =	vmul.f32 v62, v39  }
0x7a: {  	v14 =	vmul.f32 v14, v60;
	v20 =	vadd.f32 v26, v20;
	v11 =	vadd.f32 v15, v11  }
0x7b: {  	v15 =	vadd.f32 v34, v17;
	v17 =	vmul.f32 v31, v21;
	v13 =	vadd.f32 v13, v18  }
0x7c: {  	v28 =	vshll.u32 v28, $0x10;
	v7 =	vadd.f32 v7, v9;
	v14 =	vadd.f32 v20, v14  }
0x7d: {  	s22 =	smul.u32 $0x140, s20;
	v9 =	vmul.f32 v27, v28;
	v10 =	vadd.f32 v15, v10;
	v13 =	vadd.f32 v17, v13  }
0x7e: {  	v6 =	vadd.f32 v7, v6;
	v8 =	vadd.f32 v8, v14;
	v14 =	vand.u32 $0xFFFF0000, v16  }
0x7f: {  	v9 =	vadd.f32 v9, v11;
	v7 =	vmul.f32 v14, v12;
	[tilespmem:s22+$0xEE20] =	vst v10;
	v10 =	vadd.f32 v13, v35  }
0x80: {  	[tilespmem:s22+$0xEE30] =	vst v6;
	v8 =	vadd.f32 v8, v36  }
0x81: {  	v6 =	vadd.f32 v9, v7;
	[tilespmem:s22+$0xEE50] =	vst v10  }
0x82: {  	[tilespmem:s22+$0xEE40] =	vst v8  }
0x83: {  	s24 =	sadd.s32 $0x140, s22;
	[tilespmem:s22+$0xEE60] =	vst v6  }
0x84: {  	[tilespmem:s13], [sflag:$0x1] =	stream.indirect.gather [hbm4b:s2+s12], $0x40, s24, s12, $0xb8;
	[tilespmem:$0x11530] =	vst v63  }
0x85: {  	s26 =	simm.s32 $0x1;
	s0 =	sadd.s32 $0x2850, s22  }
0x86: {  	v6 =	vadd.s32 s26, v0;
	[tilespmem:s14], [sflag:$0x1] =	stream.indirect.gather [hbm4b:s2+s12], $0x40, s0, s12, $0xb8;
	[tilespmem:$0x11530] =	vst v63  }
0x87: {  	v6 =	vand.u32 $0x3F, v6;
	_ =	swait.ge [sflag:s30], $0x1400  }
0x88: {  	v7 =	vor.u32 v2, v6;
	[sflag:s30] =	ssyncset.done $0x0  }
0x89: {  	[sflag:s30] =	ssyncadd.s32 $0xFFFFEC00  }
0x8a: {  	s28 =	simm.s32 $0x0;
	v9 =	vor.u32 v3, v6;
	_ =	swait.ge [sflag:s30], $0x1400  }
0x8b: {  	v8 =	vadd.s32 s28, v0;
	[sflag:s30] =	ssyncset.done $0x0  }
0x8c: {  	v8 =	vand.u32 $0x3F, v8;
	v11 =	vor.u32 v4, v6;
	[sflag:s30] =	ssyncadd.s32 $0xFFFFEC00  }
0x8d: {  	v13 =	vor.u32 v2, v8;
	v10 =	vld.idx.msk [tilespmem:v7+s17+$0x0], $0xffff  }
0x8e: {  	v15 =	vor.u32 v1, v6;
	v7 =	vld.idx.msk [tilespmem:v7+s15+$0x0], $0xffff  }
0x8f: {  	v12 =	vor.u32 v1, v8;
	v18 =	vld.idx.msk [tilespmem:v9+s15+$0x0], $0xffff  }
0x90: {  	v20 =	vld.idx.msk [tilespmem:v9+s17+$0x0], $0xffff  }
0x91: {  	v30 =	vor.u32 v5, v8;
	v24 =	vld.idx.msk [tilespmem:v11+s15+$0x0], $0xffff  }
0x92: {  	v9 =	vor.u32 v5, v6;
	v23 =	vld.idx.msk [tilespmem:v13+s15+$0x0], $0xffff  }
0x93: {  	v31 =	vld.idx.msk [tilespmem:v15+s17+$0x0], $0xffff  }
0x94: {  	v25 =	vld.idx.msk [tilespmem:v12+s15+$0x0], $0xffff  }
0x95: {  	v17 =	vimm.f32 $0.0e+00;
	v19 =	vor.u32 v4, v8;
	v63 =	vld.idx.msk [tilespmem:v11+s17+$0x0], $0xffff;
	v6 =	vshll.u32 v10, $0x10  }
0x96: {  	v22 =	vld.idx.msk [tilespmem:v30+s15+$0x0], $0xffff;
	v14 =	vshll.u32 v7, $0x10;
	v10 =	vand.u32 $0xFFFF0000, v10;
	v21 =	vshll.u32 v18, $0x10  }
0x97: {  	v16 =	vld.idx.msk [tilespmem:v9+s17+$0x0], $0xffff;
	v7 =	vand.u32 $0xFFFF0000, v7;
	v26 =	vshll.u32 v20, $0x10;
	v11 =	vshll.u32 v23, $0x10  }
0x98: {  	v28 =	vld.idx.msk [tilespmem:v9+s15+$0x0], $0xffff;
	v9 =	vand.u32 $0xFFFF0000, v23;
	v35 =	vand.u32 $0xFFFF0000, v24;
	v34 =	vshll.u32 v31, $0x10  }
0x99: {  	v29 =	vld.idx.msk [tilespmem:v12+s17+$0x0], $0xffff;
	v36 =	vand.u32 $0xFFFF0000, v20;
	v6 =	vmul.f32 v6, v14;
	v14 =	vor.u32 v3, v8  }
0x9a: {  	v23 =	vld.idx.msk [tilespmem:v15+s15+$0x0], $0xffff;
	v32 =	vshll.u32 v25, $0x10;
	v37 =	vand.u32 $0xFFFF0000, v18;
	v38 =	vand.u32 $0xFFFF0000, v63  }
0x9b: {  	v20 =	vimm.f32 $0.0e+00;
	v15 =	vimm.f32 $0.0e+00;
	v7 =	vmul.f32 v10, v7;
	v10 =	vld.idx.msk [tilespmem:v13+s17+$0x0], $0xffff  }
0x9c: {  	v30 =	vld.idx.msk [tilespmem:v30+s17+$0x0], $0xffff;
	v18 =	vimm.f32 $0.0e+00;
	v8 =	vmul.f32 v26, v21;
	v21 =	vshll.u32 v24, $0x10  }
0x9d: {  	v24 =	vand.u32 $0xFFFF0000, v25;
	v26 =	vld.idx.msk [tilespmem:v19+s15+$0x0], $0xffff;
	v25 =	vand.u32 $0xFFFF0000, v31;
	v31 =	vshll.u32 v63, $0x10  }
0x9e: {  	s24 =	simm.s32 $0x2;
	v13 =	vimm.f32 $0.0e+00;
	v12 =	vand.u32 $0xFFFF0000, v28;
	v27 =	vshll.u32 v16, $0x10;
	v33 =	vld.idx.msk [tilespmem:v14+s15+$0x0], $0xffff  }
.LBB2_5:
0x9f: {  	p0 =	sne.s32 s24, $0x3E;
	v19 =	vld.idx.msk [tilespmem:v19+s17+$0x0], $0xffff;
	v36 =	vmul.f32 v36, v37;
	v35 =	vmul.f32 v38, v35;
	v28 =	vshll.u32 v28, $0x10;
	s26 =	smov.u32 s24;
	s24 =	sadd.s32 $0x2, s24  }
0xa0: {  	v37 =	vshll.u32 v10, $0x10;
	v38 =	vshll.u32 v23, $0x10;
	v16 =	vand.u32 $0xFFFF0000, v16  }
0xa1: {  	v21 =	vmul.f32 v31, v21;
	v34 =	vmul.f32 v34, v38  }
0xa2: {  	v38 =	vshll.u32 v22, $0x10;
	v22 =	vand.u32 $0xFFFF0000, v22;
	v31 =	vand.u32 $0xFFFF0000, v26  }
0xa3: {  	v39 =	vshll.u32 v29, $0x10;
	v27 =	vmul.f32 v27, v28;
	v41 =	vand.u32 $0xFFFF0000, v33;
	v40 =	vld.idx.msk [tilespmem:v14+s17+$0x0], $0xffff  }
0xa4: {  	v28 =	vmul.f32 v39, v32;
	v14 =	vand.u32 $0xFFFF0000, v29;
	v29 =	vshll.u32 v33, $0x10  }
0xa5: {  	v23 =	vand.u32 $0xFFFF0000, v23;
	s28 =	sadd.s32 $0x1, s26;
	v33 =	vand.u32 $0xFFFF0000, v30;
	v32 =	vand.u32 $0xFFFF0000, v19  }
0xa6: {  	v39 =	vadd.s32 s28, v0;
	v30 =	vshll.u32 v30, $0x10;
	v19 =	vshll.u32 v19, $0x10  }
0xa7: {  	v23 =	vmul.f32 v25, v23;
	v39 =	vand.u32 $0x3F, v39;
	v17 =	vadd.f32 v28, v17  }
0xa8: {  	v25 =	vor.u32 v2, v39;
	v24 =	vmul.f32 v14, v24;
	v22 =	vmul.f32 v33, v22  }
0xa9: {  	v26 =	vshll.u32 v26, $0x10;
	v14 =	vadd.s32 s26, v0;
	v28 =	vshll.u32 v40, $0x10  }
0xaa: {  	v42 =	vor.u32 v3, v39;
	v33 =	vand.u32 $0x3F, v14;
	v26 =	vmul.f32 v19, v26  }
0xab: {  	v43 =	vor.u32 v1, v33;
	v44 =	vor.u32 v2, v33;
	v28 =	vmul.f32 v28, v29  }
0xac: {  	v14 =	vor.u32 v3, v33;
	v19 =	vor.u32 v4, v33;
	v29 =	vand.u32 $0xFFFF0000, v40  }
0xad: {  	v45 =	vor.u32 v4, v39;
	v30 =	vmul.f32 v30, v38;
	v29 =	vmul.f32 v29, v41;
	v40 =	vld.idx.msk [tilespmem:v25+s17+$0x0], $0xffff  }
0xae: {  	v38 =	vor.u32 v5, v33;
	v17 =	vadd.f32 v17, v24;
	v20 =	vadd.f32 v28, v20;
	v25 =	vld.idx.msk [tilespmem:v25+s15+$0x0], $0xffff  }
0xaf: {  	v24 =	vor.u32 v1, v39;
	v18 =	vadd.f32 v30, v18;
	v15 =	vadd.f32 v26, v15;
	v41 =	vld.idx.msk [tilespmem:v42+s15+$0x0], $0xffff  }
0xb0: {  	v28 =	vor.u32 v5, v39;
	v20 =	vadd.f32 v20, v29;
	v29 =	vmul.f32 v32, v31;
	v26 =	vld.idx.msk [tilespmem:v42+s17+$0x0], $0xffff  }
0xb1: {  	v11 =	vmul.f32 v37, v11;
	v18 =	vadd.f32 v18, v22;
	v17 =	vadd.f32 v34, v17;
	v30 =	vld.idx.msk [tilespmem:v43+s15+$0x0], $0xffff  }
0xb2: {  	v10 =	vand.u32 $0xFFFF0000, v10;
	v12 =	vmul.f32 v16, v12;
	v15 =	vadd.f32 v15, v29;
	v31 =	vld.idx.msk [tilespmem:v45+s15+$0x0], $0xffff  }
0xb3: {  	v18 =	vadd.f32 v27, v18;
	v16 =	vshll.u32 v40, $0x10;
	v32 =	vand.u32 $0xFFFF0000, v40;
	v29 =	vld.idx.msk [tilespmem:v44+s15+$0x0], $0xffff  }
0xb4: {  	v9 =	vmul.f32 v10, v9;
	v17 =	vadd.f32 v17, v23;
	v22 =	vshll.u32 v25, $0x10;
	v39 =	vld.idx.msk [tilespmem:v24+s17+$0x0], $0xffff  }
0xb5: {  	v15 =	vadd.f32 v21, v15;
	v27 =	vmul.f32 v16, v22;
	v10 =	vshll.u32 v41, $0x10;
	v16 =	vld.idx.msk [tilespmem:v28+s17+$0x0], $0xffff  }
0xb6: {  	v11 =	vadd.f32 v11, v13;
	v21 =	vand.u32 $0xFFFF0000, v25;
	v23 =	vshll.u32 v26, $0x10;
	v22 =	vld.idx.msk [tilespmem:v38+s15+$0x0], $0xffff  }
0xb7: {  	v15 =	vadd.f32 v15, v35;
	v25 =	vmul.f32 v32, v21;
	v13 =	vmul.f32 v23, v10;
	v28 =	vld.idx.msk [tilespmem:v28+s15+$0x0], $0xffff  }
0xb8: {  	v20 =	vadd.f32 v8, v20;
	v32 =	vadd.f32 v11, v9;
	v21 =	vshll.u32 v31, $0x10;
	v40 =	vld.idx.msk [tilespmem:v45+s17+$0x0], $0xffff  }
0xb9: {  	v18 =	vadd.f32 v18, v12;
	v11 =	vshll.u32 v29, $0x10;
	v9 =	vand.u32 $0xFFFF0000, v29;
	v8 =	vmovc v13;
	v10 =	vld.idx.msk [tilespmem:v44+s17+$0x0], $0xffff  }
.Ltmp1:
0xba: {  	v20 =	vadd.f32 v20, v36;
	v12 =	vadd.f32 v6, v32;
	v6 =	vmovc v27;
	v35 =	vand.u32 $0xFFFF0000, v31;
	v23 =	vld.idx.msk [tilespmem:v24+s15+$0x0], $0xffff;
	(pc) =	sbr.rel @p0 .LBB2_5-.Ltmp1, $4  }
0xbb: {  	v36 =	vand.u32 $0xFFFF0000, v26;
	v34 =	vshll.u32 v39, $0x10;
	v24 =	vand.u32 $0xFFFF0000, v30;
	v29 =	vld.idx.msk [tilespmem:v43+s17+$0x0], $0xffff  }
0xbc: {  	v32 =	vshll.u32 v30, $0x10;
	v13 =	vadd.f32 v12, v7;
	v7 =	vmov v25;
	v26 =	vld.idx.msk [tilespmem:v19+s15+$0x0], $0xffff  }
0xbd: {  	v37 =	vand.u32 $0xFFFF0000, v41;
	v27 =	vshll.u32 v16, $0x10;
	v12 =	vand.u32 $0xFFFF0000, v28;
	v33 =	vld.idx.msk [tilespmem:v14+s15+$0x0], $0xffff  }
0xbe: {  	v25 =	vand.u32 $0xFFFF0000, v39;
	v31 =	vshll.u32 v40, $0x10;
	v30 =	vld.idx.msk [tilespmem:v38+s17+$0x0], $0xffff;
	v38 =	vand.u32 $0xFFFF0000, v40  }
0xbf: {  	_ = 	snop  }
0xc0: {  	v36 =	vmul.f32 v36, v37  }
0xc1: {  	v35 =	vmul.f32 v38, v35;
	v57 =	vshll.u32 v23, $0x10;
	v58 =	vshll.u32 v10, $0x10  }
0xc2: {  	v40 =	vshll.u32 v22, $0x10;
	v22 =	vand.u32 $0xFFFF0000, v22;
	v23 =	vand.u32 $0xFFFF0000, v23  }
0xc3: {  	v19 =	vld.idx.msk [tilespmem:v19+s17+$0x0], $0xffff;
	v10 =	vand.u32 $0xFFFF0000, v10;
	v34 =	vmul.f32 v34, v57;
	v59 =	vshll.u32 v29, $0x10  }
0xc4: {  	v29 =	vand.u32 $0xFFFF0000, v29;
	v11 =	vmul.f32 v58, v11;
	v9 =	vmul.f32 v10, v9  }
0xc5: {  	v14 =	vld.idx.msk [tilespmem:v14+s17+$0x0], $0xffff;
	v39 =	vand.u32 $0xFFFF0000, v26;
	v32 =	vmul.f32 v59, v32;
	v24 =	vmul.f32 v29, v24  }
0xc6: {  	v26 =	vshll.u32 v26, $0x10;
	v60 =	vand.u32 $0xFFFF0000, v33;
	v61 =	vshll.u32 v33, $0x10  }
0xc7: {  	v10 =	vadd.f32 v11, v13;
	v29 =	vand.u32 $0xFFFF0000, v30;
	v30 =	vshll.u32 v30, $0x10  }
0xc8: {  	v62 =	vand.u32 $0xFFFF0000, v19;
	v19 =	vshll.u32 v19, $0x10;
	v30 =	vmul.f32 v30, v40  }
0xc9: {  	v17 =	vadd.f32 v32, v17;
	v11 =	vmul.f32 v29, v22;
	v19 =	vmul.f32 v19, v26  }
0xca: {  	v9 =	vadd.f32 v10, v9;
	v10 =	vmul.f32 v25, v23;
	v26 =	vshll.u32 v14, $0x10  }
0xcb: {  	v26 =	vmul.f32 v26, v61;
	v13 =	vadd.f32 v19, v15;
	v15 =	vadd.f32 v30, v18  }
0xcc: {  	v14 =	vand.u32 $0xFFFF0000, v14;
	v17 =	vadd.f32 v17, v24;
	v18 =	vmul.f32 v62, v39  }
0xcd: {  	v14 =	vmul.f32 v14, v60;
	v20 =	vadd.f32 v26, v20;
	v11 =	vadd.f32 v15, v11  }
0xce: {  	v15 =	vadd.f32 v34, v17;
	v17 =	vmul.f32 v31, v21;
	v13 =	vadd.f32 v13, v18  }
0xcf: {  	v28 =	vshll.u32 v28, $0x10;
	v6 =	vadd.f32 v6, v9;
	v14 =	vadd.f32 v20, v14  }
0xd0: {  	v9 =	vmul.f32 v27, v28;
	v10 =	vadd.f32 v15, v10;
	v13 =	vadd.f32 v17, v13  }
0xd1: {  	v6 =	vadd.f32 v6, v7;
	v8 =	vadd.f32 v8, v14;
	v14 =	vand.u32 $0xFFFF0000, v16  }
0xd2: {  	v9 =	vadd.f32 v9, v11;
	v7 =	vmul.f32 v14, v12;
	[tilespmem:s22+$0xEE70] =	vst v10;
	v10 =	vadd.f32 v13, v35  }
0xd3: {  	[tilespmem:s22+$0xEE80] =	vst v6;
	v8 =	vadd.f32 v8, v36  }
0xd4: {  	v6 =	vadd.f32 v9, v7;
	[tilespmem:s22+$0xEEA0] =	vst v10  }
0xd5: {  	p0 =	seq.s32 s20, $0x1E;
	[tilespmem:s22+$0xEE90] =	vst v8  }
0xd6: {  	s24 =	sadd.s32 @!p0 $0x190, s22;
	s26 =	simm.s32 @!p0 $0x50;
	s28 =	simm.s32 @!p0 $0x6220;
	[tilespmem:s22+$0xEEB0] =	vst v6  }
0xd7: {  	[tilespmem:s28], [sflag:$0x2] =	stream.indirect.gather @!p0 [hbm4b:s2+s26], $0x40, s24, s26, $0xb8;
	[tilespmem:$0x11530] =	vst v63  }
0xd8: {  	s0 =	simm.s32 $0x1;
	s24 =	sadd.s32 @!p0 $0x28A0, s22;
	s28 =	simm.s32 @!p0 $0xB220  }
0xd9: {  	v6 =	vadd.s32 s0, v0;
	[tilespmem:s28], [sflag:$0x2] =	stream.indirect.gather @!p0 [hbm4b:s2+s26], $0x40, s24, s26, $0xb8;
	[tilespmem:$0x11530] =	vst v63  }
0xda: {  	v6 =	vand.u32 $0x3F, v6;
	_ =	swait.ge [sflag:s31], $0x1400  }
0xdb: {  	v7 =	vor.u32 v2, v6;
	[sflag:s31] =	ssyncset.done $0x0  }
0xdc: {  	[sflag:s31] =	ssyncadd.s32 $0xFFFFEC00  }
0xdd: {  	v9 =	vor.u32 v3, v6;
	_ =	swait.ge [sflag:s31], $0x1400  }
0xde: {  	[sflag:s31] =	ssyncset.done $0x0  }
0xdf: {  	v11 =	vor.u32 v4, v6;
	s28 =	simm.s32 $0x0;
	[sflag:s31] =	ssyncadd.s32 $0xFFFFEC00  }
0xe0: {  	v15 =	vor.u32 v1, v6;
	v8 =	vadd.s32 s28, v0;
	v10 =	vld.idx.msk [tilespmem:v7+s21+$0x0], $0xffff  }
0xe1: {  	v8 =	vand.u32 $0x3F, v8;
	v7 =	vld.idx.msk [tilespmem:v7+s19+$0x0], $0xffff  }
0xe2: {  	v12 =	vor.u32 v1, v8;
	v18 =	vld.idx.msk [tilespmem:v9+s19+$0x0], $0xffff  }
0xe3: {  	v13 =	vor.u32 v2, v8;
	v20 =	vld.idx.msk [tilespmem:v9+s21+$0x0], $0xffff  }
0xe4: {  	v30 =	vor.u32 v5, v8;
	v24 =	vld.idx.msk [tilespmem:v11+s19+$0x0], $0xffff  }
0xe5: {  	v31 =	vld.idx.msk [tilespmem:v15+s21+$0x0], $0xffff  }
0xe6: {  	v9 =	vor.u32 v5, v6;
	v63 =	vld.idx.msk [tilespmem:v11+s21+$0x0], $0xffff  }
0xe7: {  	v25 =	vld.idx.msk [tilespmem:v12+s19+$0x0], $0xffff  }
0xe8: {  	v17 =	vimm.f32 $0.0e+00;
	v19 =	vor.u32 v4, v8;
	v23 =	vld.idx.msk [tilespmem:v13+s19+$0x0], $0xffff;
	v6 =	vshll.u32 v10, $0x10  }
0xe9: {  	v22 =	vld.idx.msk [tilespmem:v30+s19+$0x0], $0xffff;
	v14 =	vshll.u32 v7, $0x10;
	v10 =	vand.u32 $0xFFFF0000, v10;
	v21 =	vshll.u32 v18, $0x10  }
0xea: {  	v29 =	vld.idx.msk [tilespmem:v12+s21+$0x0], $0xffff;
	v7 =	vand.u32 $0xFFFF0000, v7;
	v26 =	vshll.u32 v20, $0x10;
	v35 =	vand.u32 $0xFFFF0000, v24  }
0xeb: {  	v16 =	vld.idx.msk [tilespmem:v9+s21+$0x0], $0xffff;
	v34 =	vshll.u32 v31, $0x10;
	v36 =	vand.u32 $0xFFFF0000, v20;
	v37 =	vand.u32 $0xFFFF0000, v18  }
0xec: {  	v28 =	vld.idx.msk [tilespmem:v9+s19+$0x0], $0xffff;
	v38 =	vand.u32 $0xFFFF0000, v63;
	v6 =	vmul.f32 v6, v14;
	v14 =	vor.u32 v3, v8  }
0xed: {  	v20 =	vimm.f32 $0.0e+00;
	v18 =	vimm.f32 $0.0e+00;
	v7 =	vmul.f32 v10, v7;
	v10 =	vld.idx.msk [tilespmem:v13+s21+$0x0], $0xffff  }
0xee: {  	v8 =	vmul.f32 v26, v21;
	v11 =	vshll.u32 v23, $0x10;
	v9 =	vand.u32 $0xFFFF0000, v23;
	v23 =	vld.idx.msk [tilespmem:v15+s19+$0x0], $0xffff  }
0xef: {  	v30 =	vld.idx.msk [tilespmem:v30+s21+$0x0], $0xffff;
	v21 =	vshll.u32 v24, $0x10;
	v24 =	vand.u32 $0xFFFF0000, v25;
	v32 =	vshll.u32 v25, $0x10  }
0xf0: {  	v26 =	vld.idx.msk [tilespmem:v19+s19+$0x0], $0xffff;
	v25 =	vand.u32 $0xFFFF0000, v31;
	v31 =	vshll.u32 v63, $0x10;
	v15 =	vimm.f32 $0.0e+00  }
0xf1: {  	s24 =	simm.s32 $0x2;
	v13 =	vimm.f32 $0.0e+00;
	v12 =	vand.u32 $0xFFFF0000, v28;
	v27 =	vshll.u32 v16, $0x10;
	v33 =	vld.idx.msk [tilespmem:v14+s19+$0x0], $0xffff  }
.LBB2_7:
0xf2: {  	p1 =	sne.s32 s24, $0x3E;
	v19 =	vld.idx.msk [tilespmem:v19+s21+$0x0], $0xffff;
	v36 =	vmul.f32 v36, v37;
	v35 =	vmul.f32 v38, v35;
	v28 =	vshll.u32 v28, $0x10;
	s0 =	smov.u32 s24;
	s24 =	sadd.s32 $0x2, s24  }
0xf3: {  	v37 =	vshll.u32 v10, $0x10;
	v38 =	vshll.u32 v23, $0x10;
	v16 =	vand.u32 $0xFFFF0000, v16  }
0xf4: {  	v21 =	vmul.f32 v31, v21;
	v34 =	vmul.f32 v34, v38  }
0xf5: {  	v38 =	vshll.u32 v22, $0x10;
	v22 =	vand.u32 $0xFFFF0000, v22;
	v31 =	vand.u32 $0xFFFF0000, v26  }
0xf6: {  	v39 =	vshll.u32 v29, $0x10;
	v27 =	vmul.f32 v27, v28;
	v41 =	vand.u32 $0xFFFF0000, v33;
	v40 =	vld.idx.msk [tilespmem:v14+s21+$0x0], $0xffff  }
0xf7: {  	v28 =	vmul.f32 v39, v32;
	v14 =	vand.u32 $0xFFFF0000, v29;
	v29 =	vshll.u32 v33, $0x10  }
0xf8: {  	v23 =	vand.u32 $0xFFFF0000, v23;
	s26 =	sadd.s32 $0x1, s0;
	v33 =	vand.u32 $0xFFFF0000, v30;
	v32 =	vand.u32 $0xFFFF0000, v19  }
0xf9: {  	v39 =	vadd.s32 s26, v0;
	v30 =	vshll.u32 v30, $0x10;
	v19 =	vshll.u32 v19, $0x10  }
0xfa: {  	v23 =	vmul.f32 v25, v23;
	v39 =	vand.u32 $0x3F, v39;
	v17 =	vadd.f32 v28, v17  }
0xfb: {  	v25 =	vor.u32 v2, v39;
	v24 =	vmul.f32 v14, v24;
	v22 =	vmul.f32 v33, v22  }
0xfc: {  	v26 =	vshll.u32 v26, $0x10;
	v14 =	vadd.s32 s0, v0;
	v28 =	vshll.u32 v40, $0x10  }
0xfd: {  	v42 =	vor.u32 v3, v39;
	v33 =	vand.u32 $0x3F, v14;
	v26 =	vmul.f32 v19, v26  }
0xfe: {  	v43 =	vor.u32 v1, v33;
	v44 =	vor.u32 v2, v33;
	v28 =	vmul.f32 v28, v29  }
0xff: {  	v14 =	vor.u32 v3, v33;
	v19 =	vor.u32 v4, v33;
	v29 =	vand.u32 $0xFFFF0000, v40  }
0x100: {  	v45 =	vor.u32 v4, v39;
	v30 =	vmul.f32 v30, v38;
	v29 =	vmul.f32 v29, v41;
	v40 =	vld.idx.msk [tilespmem:v25+s21+$0x0], $0xffff  }
0x101: {  	v38 =	vor.u32 v5, v33;
	v17 =	vadd.f32 v17, v24;
	v20 =	vadd.f32 v28, v20;
	v25 =	vld.idx.msk [tilespmem:v25+s19+$0x0], $0xffff  }
0x102: {  	v24 =	vor.u32 v1, v39;
	v18 =	vadd.f32 v30, v18;
	v15 =	vadd.f32 v26, v15;
	v41 =	vld.idx.msk [tilespmem:v42+s19+$0x0], $0xffff  }
0x103: {  	v28 =	vor.u32 v5, v39;
	v20 =	vadd.f32 v20, v29;
	v29 =	vmul.f32 v32, v31;
	v26 =	vld.idx.msk [tilespmem:v42+s21+$0x0], $0xffff  }
0x104: {  	v11 =	vmul.f32 v37, v11;
	v18 =	vadd.f32 v18, v22;
	v17 =	vadd.f32 v34, v17;
	v30 =	vld.idx.msk [tilespmem:v43+s19+$0x0], $0xffff  }
0x105: {  	v10 =	vand.u32 $0xFFFF0000, v10;
	v12 =	vmul.f32 v16, v12;
	v15 =	vadd.f32 v15, v29;
	v31 =	vld.idx.msk [tilespmem:v45+s19+$0x0], $0xffff  }
0x106: {  	v18 =	vadd.f32 v27, v18;
	v16 =	vshll.u32 v40, $0x10;
	v32 =	vand.u32 $0xFFFF0000, v40;
	v29 =	vld.idx.msk [tilespmem:v44+s19+$0x0], $0xffff  }
0x107: {  	v9 =	vmul.f32 v10, v9;
	v17 =	vadd.f32 v17, v23;
	v22 =	vshll.u32 v25, $0x10;
	v39 =	vld.idx.msk [tilespmem:v24+s21+$0x0], $0xffff  }
0x108: {  	v15 =	vadd.f32 v21, v15;
	v27 =	vmul.f32 v16, v22;
	v10 =	vshll.u32 v41, $0x10;
	v16 =	vld.idx.msk [tilespmem:v28+s21+$0x0], $0xffff  }
0x109: {  	v11 =	vadd.f32 v11, v13;
	v21 =	vand.u32 $0xFFFF0000, v25;
	v23 =	vshll.u32 v26, $0x10;
	v22 =	vld.idx.msk [tilespmem:v38+s19+$0x0], $0xffff  }
0x10a: {  	v15 =	vadd.f32 v15, v35;
	v25 =	vmul.f32 v32, v21;
	v13 =	vmul.f32 v23, v10;
	v28 =	vld.idx.msk [tilespmem:v28+s19+$0x0], $0xffff  }
0x10b: {  	v20 =	vadd.f32 v8, v20;
	v32 =	vadd.f32 v11, v9;
	v21 =	vshll.u32 v31, $0x10;
	v40 =	vld.idx.msk [tilespmem:v45+s21+$0x0], $0xffff  }
0x10c: {  	v18 =	vadd.f32 v18, v12;
	v11 =	vshll.u32 v29, $0x10;
	v9 =	vand.u32 $0xFFFF0000, v29;
	v8 =	vmovc v13;
	v10 =	vld.idx.msk [tilespmem:v44+s21+$0x0], $0xffff  }
.Ltmp2:
0x10d: {  	v20 =	vadd.f32 v20, v36;
	v12 =	vadd.f32 v6, v32;
	v6 =	vmovc v27;
	v35 =	vand.u32 $0xFFFF0000, v31;
	v23 =	vld.idx.msk [tilespmem:v24+s19+$0x0], $0xffff;
	(pc) =	sbr.rel @p1 .LBB2_7-.Ltmp2, $4  }
0x10e: {  	v36 =	vand.u32 $0xFFFF0000, v26;
	v34 =	vshll.u32 v39, $0x10;
	v24 =	vand.u32 $0xFFFF0000, v30;
	v29 =	vld.idx.msk [tilespmem:v43+s21+$0x0], $0xffff  }
0x10f: {  	v32 =	vshll.u32 v30, $0x10;
	v13 =	vadd.f32 v12, v7;
	v7 =	vmov v25;
	v26 =	vld.idx.msk [tilespmem:v19+s19+$0x0], $0xffff  }
0x110: {  	v37 =	vand.u32 $0xFFFF0000, v41;
	v27 =	vshll.u32 v16, $0x10;
	v12 =	vand.u32 $0xFFFF0000, v28;
	v33 =	vld.idx.msk [tilespmem:v14+s19+$0x0], $0xffff  }
0x111: {  	v25 =	vand.u32 $0xFFFF0000, v39;
	v31 =	vshll.u32 v40, $0x10;
	v30 =	vld.idx.msk [tilespmem:v38+s21+$0x0], $0xffff;
	v38 =	vand.u32 $0xFFFF0000, v40  }
0x112: {  	_ = 	snop  }
0x113: {  	v36 =	vmul.f32 v36, v37  }
0x114: {  	v35 =	vmul.f32 v38, v35;
	v57 =	vshll.u32 v23, $0x10;
	v58 =	vshll.u32 v10, $0x10  }
0x115: {  	v40 =	vshll.u32 v22, $0x10;
	v22 =	vand.u32 $0xFFFF0000, v22;
	v23 =	vand.u32 $0xFFFF0000, v23  }
0x116: {  	v19 =	vld.idx.msk [tilespmem:v19+s21+$0x0], $0xffff;
	v10 =	vand.u32 $0xFFFF0000, v10;
	v34 =	vmul.f32 v34, v57;
	v59 =	vshll.u32 v29, $0x10  }
0x117: {  	v29 =	vand.u32 $0xFFFF0000, v29;
	v11 =	vmul.f32 v58, v11;
	v9 =	vmul.f32 v10, v9  }
0x118: {  	v14 =	vld.idx.msk [tilespmem:v14+s21+$0x0], $0xffff;
	v39 =	vand.u32 $0xFFFF0000, v26;
	v32 =	vmul.f32 v59, v32;
	v24 =	vmul.f32 v29, v24  }
0x119: {  	v26 =	vshll.u32 v26, $0x10;
	v60 =	vand.u32 $0xFFFF0000, v33;
	v61 =	vshll.u32 v33, $0x10  }
0x11a: {  	v10 =	vadd.f32 v11, v13;
	v29 =	vand.u32 $0xFFFF0000, v30;
	v30 =	vshll.u32 v30, $0x10  }
0x11b: {  	v62 =	vand.u32 $0xFFFF0000, v19;
	v19 =	vshll.u32 v19, $0x10;
	v30 =	vmul.f32 v30, v40  }
0x11c: {  	v17 =	vadd.f32 v32, v17;
	v11 =	vmul.f32 v29, v22;
	v19 =	vmul.f32 v19, v26  }
0x11d: {  	v9 =	vadd.f32 v10, v9;
	v10 =	vmul.f32 v25, v23;
	v26 =	vshll.u32 v14, $0x10  }
0x11e: {  	v26 =	vmul.f32 v26, v61;
	v13 =	vadd.f32 v19, v15;
	v15 =	vadd.f32 v30, v18  }
0x11f: {  	v14 =	vand.u32 $0xFFFF0000, v14;
	v17 =	vadd.f32 v17, v24;
	v18 =	vmul.f32 v62, v39  }
0x120: {  	v14 =	vmul.f32 v14, v60;
	v20 =	vadd.f32 v26, v20;
	v11 =	vadd.f32 v15, v11  }
0x121: {  	v15 =	vadd.f32 v34, v17;
	v17 =	vmul.f32 v31, v21;
	v13 =	vadd.f32 v13, v18  }
0x122: {  	v28 =	vshll.u32 v28, $0x10;
	v6 =	vadd.f32 v6, v9;
	v14 =	vadd.f32 v20, v14  }
0x123: {  	v9 =	vmul.f32 v27, v28;
	v10 =	vadd.f32 v15, v10;
	v13 =	vadd.f32 v17, v13  }
0x124: {  	v6 =	vadd.f32 v6, v7;
	v8 =	vadd.f32 v8, v14;
	v14 =	vand.u32 $0xFFFF0000, v16  }
0x125: {  	v9 =	vadd.f32 v9, v11;
	v7 =	vmul.f32 v14, v12;
	[tilespmem:s22+$0xEEC0] =	vst v10;
	v10 =	vadd.f32 v13, v35  }
0x126: {  	[tilespmem:s22+$0xEED0] =	vst v6;
	v8 =	vadd.f32 v8, v36  }
0x127: {  	v6 =	vadd.f32 v9, v7;
	[tilespmem:s22+$0xEEF0] =	vst v10  }
0x128: {  	[tilespmem:s22+$0xEEE0] =	vst v8  }
0x129: {  	s0 =	sadd.s32 @!p0 $0x1E0, s22;
	s24 =	simm.s32 @!p0 $0x50;
	s26 =	simm.s32 @!p0 $0x7620;
	[tilespmem:s22+$0xEF00] =	vst v6  }
0x12a: {  	[tilespmem:s26], [sflag:$0x3] =	stream.indirect.gather @!p0 [hbm4b:s2+s24], $0x40, s0, s24, $0xb8;
	[tilespmem:$0x11530] =	vst v63  }
0x12b: {  	s28 =	simm.s32 $0x1;
	s0 =	sadd.s32 @!p0 $0x28F0, s22;
	s26 =	simm.s32 @!p0 $0xC620  }
0x12c: {  	v6 =	vadd.s32 s28, v0;
	[tilespmem:s26], [sflag:$0x3] =	stream.indirect.gather @!p0 [hbm4b:s2+s24], $0x40, s0, s24, $0xb8;
	[tilespmem:$0x11530] =	vst v63  }
0x12d: {  	v6 =	vand.u32 $0x3F, v6;
	_ =	swait.ge [sflag:s1], $0x1400  }
0x12e: {  	v7 =	vor.u32 v2, v6;
	[sflag:s1] =	ssyncset.done $0x0  }
0x12f: {  	[sflag:s1] =	ssyncadd.s32 $0xFFFFEC00  }
0x130: {  	s28 =	simm.s32 $0x0;
	v9 =	vor.u32 v3, v6;
	_ =	swait.ge [sflag:s1], $0x1400  }
0x131: {  	v8 =	vadd.s32 s28, v0;
	[sflag:s1] =	ssyncset.done $0x0  }
0x132: {  	v8 =	vand.u32 $0x3F, v8;
	v11 =	vor.u32 v4, v6;
	[sflag:s1] =	ssyncadd.s32 $0xFFFFEC00  }
0x133: {  	v13 =	vor.u32 v2, v8;
	v10 =	vld.idx.msk [tilespmem:v7+s25+$0x0], $0xffff  }
0x134: {  	v15 =	vor.u32 v1, v6;
	v7 =	vld.idx.msk [tilespmem:v7+s23+$0x0], $0xffff  }
0x135: {  	v12 =	vor.u32 v1, v8;
	v18 =	vld.idx.msk [tilespmem:v9+s23+$0x0], $0xffff  }
0x136: {  	v20 =	vld.idx.msk [tilespmem:v9+s25+$0x0], $0xffff  }
0x137: {  	v30 =	vor.u32 v5, v8;
	v24 =	vld.idx.msk [tilespmem:v11+s23+$0x0], $0xffff  }
0x138: {  	v9 =	vor.u32 v5, v6;
	v23 =	vld.idx.msk [tilespmem:v13+s23+$0x0], $0xffff  }
0x139: {  	v31 =	vld.idx.msk [tilespmem:v15+s25+$0x0], $0xffff  }
0x13a: {  	v25 =	vld.idx.msk [tilespmem:v12+s23+$0x0], $0xffff  }
0x13b: {  	v17 =	vimm.f32 $0.0e+00;
	v19 =	vor.u32 v4, v8;
	v63 =	vld.idx.msk [tilespmem:v11+s25+$0x0], $0xffff;
	v6 =	vshll.u32 v10, $0x10  }
0x13c: {  	v22 =	vld.idx.msk [tilespmem:v30+s23+$0x0], $0xffff;
	v14 =	vshll.u32 v7, $0x10;
	v10 =	vand.u32 $0xFFFF0000, v10;
	v21 =	vshll.u32 v18, $0x10  }
0x13d: {  	v16 =	vld.idx.msk [tilespmem:v9+s25+$0x0], $0xffff;
	v7 =	vand.u32 $0xFFFF0000, v7;
	v26 =	vshll.u32 v20, $0x10;
	v11 =	vshll.u32 v23, $0x10  }
0x13e: {  	v28 =	vld.idx.msk [tilespmem:v9+s23+$0x0], $0xffff;
	v9 =	vand.u32 $0xFFFF0000, v23;
	v35 =	vand.u32 $0xFFFF0000, v24;
	v34 =	vshll.u32 v31, $0x10  }
0x13f: {  	v29 =	vld.idx.msk [tilespmem:v12+s25+$0x0], $0xffff;
	v36 =	vand.u32 $0xFFFF0000, v20;
	v6 =	vmul.f32 v6, v14;
	v14 =	vor.u32 v3, v8  }
0x140: {  	v23 =	vld.idx.msk [tilespmem:v15+s23+$0x0], $0xffff;
	v32 =	vshll.u32 v25, $0x10;
	v37 =	vand.u32 $0xFFFF0000, v18;
	v38 =	vand.u32 $0xFFFF0000, v63  }
0x141: {  	v20 =	vimm.f32 $0.0e+00;
	v15 =	vimm.f32 $0.0e+00;
	v7 =	vmul.f32 v10, v7;
	v10 =	vld.idx.msk [tilespmem:v13+s25+$0x0], $0xffff  }
0x142: {  	v30 =	vld.idx.msk [tilespmem:v30+s25+$0x0], $0xffff;
	v18 =	vimm.f32 $0.0e+00;
	v8 =	vmul.f32 v26, v21;
	v21 =	vshll.u32 v24, $0x10  }
0x143: {  	v24 =	vand.u32 $0xFFFF0000, v25;
	v26 =	vld.idx.msk [tilespmem:v19+s23+$0x0], $0xffff;
	v25 =	vand.u32 $0xFFFF0000, v31;
	v31 =	vshll.u32 v63, $0x10  }
0x144: {  	s24 =	simm.s32 $0x2;
	v13 =	vimm.f32 $0.0e+00;
	v12 =	vand.u32 $0xFFFF0000, v28;
	v27 =	vshll.u32 v16, $0x10;
	v33 =	vld.idx.msk [tilespmem:v14+s23+$0x0], $0xffff  }
.LBB2_9:
0x145: {  	p1 =	sne.s32 s24, $0x3E;
	v19 =	vld.idx.msk [tilespmem:v19+s25+$0x0], $0xffff;
	v36 =	vmul.f32 v36, v37;
	v35 =	vmul.f32 v38, v35;
	v28 =	vshll.u32 v28, $0x10;
	s0 =	smov.u32 s24;
	s24 =	sadd.s32 $0x2, s24  }
0x146: {  	v37 =	vshll.u32 v10, $0x10;
	v38 =	vshll.u32 v23, $0x10;
	v16 =	vand.u32 $0xFFFF0000, v16  }
0x147: {  	v21 =	vmul.f32 v31, v21;
	v34 =	vmul.f32 v34, v38  }
0x148: {  	v38 =	vshll.u32 v22, $0x10;
	v22 =	vand.u32 $0xFFFF0000, v22;
	v31 =	vand.u32 $0xFFFF0000, v26  }
0x149: {  	v39 =	vshll.u32 v29, $0x10;
	v27 =	vmul.f32 v27, v28;
	v41 =	vand.u32 $0xFFFF0000, v33;
	v40 =	vld.idx.msk [tilespmem:v14+s25+$0x0], $0xffff  }
0x14a: {  	v28 =	vmul.f32 v39, v32;
	v14 =	vand.u32 $0xFFFF0000, v29;
	v29 =	vshll.u32 v33, $0x10  }
0x14b: {  	v23 =	vand.u32 $0xFFFF0000, v23;
	s26 =	sadd.s32 $0x1, s0;
	v33 =	vand.u32 $0xFFFF0000, v30;
	v32 =	vand.u32 $0xFFFF0000, v19  }
0x14c: {  	v39 =	vadd.s32 s26, v0;
	v30 =	vshll.u32 v30, $0x10;
	v19 =	vshll.u32 v19, $0x10  }
0x14d: {  	v23 =	vmul.f32 v25, v23;
	v39 =	vand.u32 $0x3F, v39;
	v17 =	vadd.f32 v28, v17  }
0x14e: {  	v25 =	vor.u32 v2, v39;
	v24 =	vmul.f32 v14, v24;
	v22 =	vmul.f32 v33, v22  }
0x14f: {  	v26 =	vshll.u32 v26, $0x10;
	v14 =	vadd.s32 s0, v0;
	v28 =	vshll.u32 v40, $0x10  }
0x150: {  	v42 =	vor.u32 v3, v39;
	v33 =	vand.u32 $0x3F, v14;
	v26 =	vmul.f32 v19, v26  }
0x151: {  	v43 =	vor.u32 v1, v33;
	v44 =	vor.u32 v2, v33;
	v28 =	vmul.f32 v28, v29  }
0x152: {  	v14 =	vor.u32 v3, v33;
	v19 =	vor.u32 v4, v33;
	v29 =	vand.u32 $0xFFFF0000, v40  }
0x153: {  	v45 =	vor.u32 v4, v39;
	v30 =	vmul.f32 v30, v38;
	v29 =	vmul.f32 v29, v41;
	v40 =	vld.idx.msk [tilespmem:v25+s25+$0x0], $0xffff  }
0x154: {  	v38 =	vor.u32 v5, v33;
	v17 =	vadd.f32 v17, v24;
	v20 =	vadd.f32 v28, v20;
	v25 =	vld.idx.msk [tilespmem:v25+s23+$0x0], $0xffff  }
0x155: {  	v24 =	vor.u32 v1, v39;
	v18 =	vadd.f32 v30, v18;
	v15 =	vadd.f32 v26, v15;
	v41 =	vld.idx.msk [tilespmem:v42+s23+$0x0], $0xffff  }
0x156: {  	v28 =	vor.u32 v5, v39;
	v20 =	vadd.f32 v20, v29;
	v29 =	vmul.f32 v32, v31;
	v26 =	vld.idx.msk [tilespmem:v42+s25+$0x0], $0xffff  }
0x157: {  	v11 =	vmul.f32 v37, v11;
	v18 =	vadd.f32 v18, v22;
	v17 =	vadd.f32 v34, v17;
	v30 =	vld.idx.msk [tilespmem:v43+s23+$0x0], $0xffff  }
0x158: {  	v10 =	vand.u32 $0xFFFF0000, v10;
	v12 =	vmul.f32 v16, v12;
	v15 =	vadd.f32 v15, v29;
	v31 =	vld.idx.msk [tilespmem:v45+s23+$0x0], $0xffff  }
0x159: {  	v18 =	vadd.f32 v27, v18;
	v16 =	vshll.u32 v40, $0x10;
	v32 =	vand.u32 $0xFFFF0000, v40;
	v29 =	vld.idx.msk [tilespmem:v44+s23+$0x0], $0xffff  }
0x15a: {  	v9 =	vmul.f32 v10, v9;
	v17 =	vadd.f32 v17, v23;
	v22 =	vshll.u32 v25, $0x10;
	v39 =	vld.idx.msk [tilespmem:v24+s25+$0x0], $0xffff  }
0x15b: {  	v15 =	vadd.f32 v21, v15;
	v27 =	vmul.f32 v16, v22;
	v10 =	vshll.u32 v41, $0x10;
	v16 =	vld.idx.msk [tilespmem:v28+s25+$0x0], $0xffff  }
0x15c: {  	v11 =	vadd.f32 v11, v13;
	v21 =	vand.u32 $0xFFFF0000, v25;
	v23 =	vshll.u32 v26, $0x10;
	v22 =	vld.idx.msk [tilespmem:v38+s23+$0x0], $0xffff  }
0x15d: {  	v15 =	vadd.f32 v15, v35;
	v25 =	vmul.f32 v32, v21;
	v13 =	vmul.f32 v23, v10;
	v28 =	vld.idx.msk [tilespmem:v28+s23+$0x0], $0xffff  }
0x15e: {  	v20 =	vadd.f32 v8, v20;
	v32 =	vadd.f32 v11, v9;
	v21 =	vshll.u32 v31, $0x10;
	v40 =	vld.idx.msk [tilespmem:v45+s25+$0x0], $0xffff  }
0x15f: {  	v18 =	vadd.f32 v18, v12;
	v11 =	vshll.u32 v29, $0x10;
	v9 =	vand.u32 $0xFFFF0000, v29;
	v8 =	vmovc v13;
	v10 =	vld.idx.msk [tilespmem:v44+s25+$0x0], $0xffff  }
.Ltmp3:
0x160: {  	v20 =	vadd.f32 v20, v36;
	v12 =	vadd.f32 v6, v32;
	v6 =	vmovc v27;
	v35 =	vand.u32 $0xFFFF0000, v31;
	v23 =	vld.idx.msk [tilespmem:v24+s23+$0x0], $0xffff;
	(pc) =	sbr.rel @p1 .LBB2_9-.Ltmp3, $4  }
0x161: {  	v36 =	vand.u32 $0xFFFF0000, v26;
	v34 =	vshll.u32 v39, $0x10;
	v24 =	vand.u32 $0xFFFF0000, v30;
	v29 =	vld.idx.msk [tilespmem:v43+s25+$0x0], $0xffff  }
0x162: {  	v32 =	vshll.u32 v30, $0x10;
	v13 =	vadd.f32 v12, v7;
	v7 =	vmov v25;
	v26 =	vld.idx.msk [tilespmem:v19+s23+$0x0], $0xffff  }
0x163: {  	v37 =	vand.u32 $0xFFFF0000, v41;
	v27 =	vshll.u32 v16, $0x10;
	v12 =	vand.u32 $0xFFFF0000, v28;
	v33 =	vld.idx.msk [tilespmem:v14+s23+$0x0], $0xffff  }
0x164: {  	v25 =	vand.u32 $0xFFFF0000, v39;
	v31 =	vshll.u32 v40, $0x10;
	v30 =	vld.idx.msk [tilespmem:v38+s25+$0x0], $0xffff;
	v38 =	vand.u32 $0xFFFF0000, v40  }
0x165: {  	_ = 	snop  }
0x166: {  	v28 =	vshll.u32 v28, $0x10  }
0x167: {  	v61 =	vshll.u32 v23, $0x10;
	v62 =	vshll.u32 v10, $0x10;
	v40 =	vshll.u32 v22, $0x10  }
0x168: {  	v42 =	vand.u32 $0xFFFF0000, v22;
	v50 =	vand.u32 $0xFFFF0000, v23;
	v52 =	vand.u32 $0xFFFF0000, v10  }
0x169: {  	v19 =	vld.idx.msk [tilespmem:v19+s25+$0x0], $0xffff;
	v60 =	vmul.f32 v31, v21;
	v34 =	vmul.f32 v34, v61;
	v63 =	vshll.u32 v29, $0x10  }
0x16a: {  	v14 =	vld.idx.msk [tilespmem:v14+s25+$0x0], $0xffff;
	v44 =	vand.u32 $0xFFFF0000, v29;
	v11 =	vmul.f32 v62, v11;
	v9 =	vmul.f32 v52, v9  }
0x16b: {  	v58 =	vmul.f32 v25, v50;
	v61 =	vmul.f32 v27, v28;
	v39 =	vand.u32 $0xFFFF0000, v26  }
0x16c: {  	v32 =	vmul.f32 v63, v32;
	v24 =	vmul.f32 v44, v24;
	v47 =	vshll.u32 v26, $0x10  }
0x16d: {  	v43 =	vand.u32 $0xFFFF0000, v33;
	v45 =	vshll.u32 v33, $0x10;
	v53 =	vadd.f32 v11, v13  }
0x16e: {  	v17 =	vadd.f32 v32, v17;
	v48 =	vand.u32 $0xFFFF0000, v30;
	v51 =	vshll.u32 v30, $0x10  }
0x16f: {  	v46 =	vand.u32 $0xFFFF0000, v19;
	v19 =	vshll.u32 v19, $0x10;
	v49 =	vshll.u32 v14, $0x10  }
0x170: {  	v14 =	vand.u32 $0xFFFF0000, v14;
	v30 =	vmul.f32 v51, v40;
	v9 =	vadd.f32 v53, v9  }
0x171: {  	v19 =	vmul.f32 v19, v47;
	v26 =	vmul.f32 v49, v45;
	v17 =	vadd.f32 v17, v24  }
0x172: {  	v54 =	vmul.f32 v48, v42;
	v56 =	vadd.f32 v30, v18;
	v6 =	vadd.f32 v6, v9  }
0x173: {  	v14 =	vmul.f32 v14, v43;
	v20 =	vadd.f32 v26, v20;
	v55 =	vadd.f32 v19, v15  }
0x174: {  	v57 =	vmul.f32 v46, v39;
	v59 =	vadd.f32 v34, v17;
	v11 =	vadd.f32 v56, v54  }
0x175: {  	v62 =	vand.u32 $0xFFFF0000, v16;
	v6 =	vadd.f32 v6, v7;
	v14 =	vadd.f32 v20, v14  }
0x176: {  	v7 =	vmul.f32 v62, v12;
	v13 =	vadd.f32 v55, v57;
	v9 =	vadd.f32 v61, v11  }
0x177: {  	v36 =	vmul.f32 v36, v37;
	v10 =	vadd.f32 v59, v58;
	v8 =	vadd.f32 v8, v14  }
.Ltmp4:
0x178: {  	v35 =	vmul.f32 v38, v35;
	[tilespmem:s22+$0xEF20] =	vst v6;
	v13 =	vadd.f32 v60, v13;
	v6 =	vadd.f32 v9, v7;
	(pc) =	sbr.rel @p0 .LBB2_12-.Ltmp4, $4  }
0x179: {  	[tilespmem:s22+$0xEF10] =	vst v10;
	v8 =	vadd.f32 v8, v36  }
0x17a: {  	v63 =	vadd.f32 v13, v35;
	[tilespmem:s22+$0xEF50] =	vst v6  }
0x17b: {  	[tilespmem:s22+$0xEF30] =	vst v8  }
0x17c: {  	[tilespmem:s22+$0xEF40] =	vst v63  }
.Ltmp5:
0x17d: {  	(pc) =	sbr.rel .LBB2_2-.Ltmp5, $4  }
0x17e: {  	s0 =	sadd.s32 $0x230, s22  }
0x17f: {  	[tilespmem:s23], [sflag:$0x4] =	stream.indirect.gather [hbm4b:s2+s12], $0x40, s0, s12, $0xb8;
	[tilespmem:$0x11530] =	vst v63  }
0x180: {  	s28 =	sadd.s32 $0x2940, s22;
	s20 =	sadd.s32 $0x1, s20  }
0x181: {  	[tilespmem:s25], [sflag:$0x4] =	stream.indirect.gather [hbm4b:s2+s12], $0x40, s28, s12, $0xb8;
	[tilespmem:$0x11530] =	vst v63  }
.LBB2_12:
0x182: {  	s0 =	simm.s32 $0x1  }
0x183: {  	v6 =	vadd.s32 s0, v0  }
0x184: {  	_ =	swait.ge [sflag:s29], $0x1400;
	v6 =	vand.u32 $0x3F, v6  }
0x185: {  	[sflag:s29] =	ssyncset.done $0x0;
	v7 =	vor.u32 v2, v6  }
0x186: {  	[sflag:s29] =	ssyncadd.s32 $0xFFFFEC00  }
0x187: {  	s28 =	simm.s32 $0x0;
	_ =	swait.ge [sflag:s29], $0x1400;
	v9 =	vor.u32 v3, v6  }
0x188: {  	v8 =	vadd.s32 s28, v0;
	[sflag:s29] =	ssyncset.done $0x0  }
0x189: {  	v8 =	vand.u32 $0x3F, v8;
	v11 =	vor.u32 v4, v6;
	[sflag:s29] =	ssyncadd.s32 $0xFFFFEC00  }
0x18a: {  	v13 =	vor.u32 v2, v8;
	v10 =	vld.idx.msk [tilespmem:v7+s14+$0x0], $0xffff  }
0x18b: {  	v15 =	vor.u32 v1, v6;
	v7 =	vld.idx.msk [tilespmem:v7+s13+$0x0], $0xffff  }
0x18c: {  	v12 =	vor.u32 v1, v8;
	v18 =	vld.idx.msk [tilespmem:v9+s13+$0x0], $0xffff  }
0x18d: {  	v30 =	vor.u32 v5, v8;
	v20 =	vld.idx.msk [tilespmem:v9+s14+$0x0], $0xffff  }
0x18e: {  	v24 =	vld.idx.msk [tilespmem:v11+s13+$0x0], $0xffff  }
0x18f: {  	v9 =	vor.u32 v5, v6;
	v23 =	vld.idx.msk [tilespmem:v13+s13+$0x0], $0xffff  }
0x190: {  	v31 =	vld.idx.msk [tilespmem:v15+s14+$0x0], $0xffff  }
0x191: {  	v25 =	vld.idx.msk [tilespmem:v12+s13+$0x0], $0xffff  }
0x192: {  	v17 =	vimm.f32 $0.0e+00;
	v19 =	vor.u32 v4, v8;
	v22 =	vld.idx.msk [tilespmem:v30+s13+$0x0], $0xffff;
	v6 =	vshll.u32 v10, $0x10  }
0x193: {  	v38 =	vld.idx.msk [tilespmem:v11+s14+$0x0], $0xffff;
	v14 =	vshll.u32 v7, $0x10;
	v10 =	vand.u32 $0xFFFF0000, v10;
	v21 =	vshll.u32 v18, $0x10  }
0x194: {  	v16 =	vld.idx.msk [tilespmem:v9+s14+$0x0], $0xffff;
	v7 =	vand.u32 $0xFFFF0000, v7;
	v26 =	vshll.u32 v20, $0x10;
	v11 =	vshll.u32 v23, $0x10  }
0x195: {  	v28 =	vld.idx.msk [tilespmem:v9+s13+$0x0], $0xffff;
	v9 =	vand.u32 $0xFFFF0000, v23;
	v35 =	vand.u32 $0xFFFF0000, v24;
	v34 =	vshll.u32 v31, $0x10  }
0x196: {  	v29 =	vld.idx.msk [tilespmem:v12+s14+$0x0], $0xffff;
	v36 =	vand.u32 $0xFFFF0000, v20;
	v6 =	vmul.f32 v6, v14;
	v14 =	vor.u32 v3, v8  }
0x197: {  	v23 =	vld.idx.msk [tilespmem:v15+s13+$0x0], $0xffff;
	v32 =	vshll.u32 v25, $0x10;
	v37 =	vand.u32 $0xFFFF0000, v18;
	v20 =	vimm.f32 $0.0e+00  }
0x198: {  	v15 =	vimm.f32 $0.0e+00;
	v18 =	vimm.f32 $0.0e+00;
	v7 =	vmul.f32 v10, v7;
	v10 =	vld.idx.msk [tilespmem:v13+s14+$0x0], $0xffff  }
0x199: {  	v30 =	vld.idx.msk [tilespmem:v30+s14+$0x0], $0xffff;
	v8 =	vmul.f32 v26, v21;
	v21 =	vshll.u32 v24, $0x10;
	v24 =	vand.u32 $0xFFFF0000, v25  }
0x19a: {  	v26 =	vld.idx.msk [tilespmem:v19+s13+$0x0], $0xffff;
	v25 =	vand.u32 $0xFFFF0000, v31;
	v31 =	vshll.u32 v38, $0x10;
	v38 =	vand.u32 $0xFFFF0000, v38  }
0x19b: {  	s20 =	simm.s32 $0x2;
	v13 =	vimm.f32 $0.0e+00;
	v12 =	vand.u32 $0xFFFF0000, v28;
	v27 =	vshll.u32 v16, $0x10;
	v33 =	vld.idx.msk [tilespmem:v14+s13+$0x0], $0xffff  }
.LBB2_13:
0x19c: {  	p0 =	sne.s32 s20, $0x3E;
	v19 =	vld.idx.msk [tilespmem:v19+s14+$0x0], $0xffff;
	v36 =	vmul.f32 v36, v37;
	v35 =	vmul.f32 v38, v35;
	v28 =	vshll.u32 v28, $0x10;
	s0 =	smov.u32 s20;
	s20 =	sadd.s32 $0x2, s20  }
0x19d: {  	v37 =	vshll.u32 v10, $0x10;
	v38 =	vshll.u32 v23, $0x10;
	v16 =	vand.u32 $0xFFFF0000, v16  }
0x19e: {  	v21 =	vmul.f32 v31, v21;
	v34 =	vmul.f32 v34, v38  }
0x19f: {  	v38 =	vshll.u32 v22, $0x10;
	v22 =	vand.u32 $0xFFFF0000, v22;
	v31 =	vand.u32 $0xFFFF0000, v26  }
0x1a0: {  	v39 =	vshll.u32 v29, $0x10;
	v27 =	vmul.f32 v27, v28;
	v41 =	vand.u32 $0xFFFF0000, v33;
	v40 =	vld.idx.msk [tilespmem:v14+s14+$0x0], $0xffff  }
0x1a1: {  	v28 =	vmul.f32 v39, v32;
	v14 =	vand.u32 $0xFFFF0000, v29;
	v29 =	vshll.u32 v33, $0x10  }
0x1a2: {  	v23 =	vand.u32 $0xFFFF0000, v23;
	s22 =	sadd.s32 $0x1, s0;
	v33 =	vand.u32 $0xFFFF0000, v30;
	v32 =	vand.u32 $0xFFFF0000, v19  }
0x1a3: {  	v39 =	vadd.s32 s22, v0;
	v30 =	vshll.u32 v30, $0x10;
	v19 =	vshll.u32 v19, $0x10  }
0x1a4: {  	v23 =	vmul.f32 v25, v23;
	v39 =	vand.u32 $0x3F, v39;
	v17 =	vadd.f32 v28, v17  }
0x1a5: {  	v25 =	vor.u32 v2, v39;
	v24 =	vmul.f32 v14, v24;
	v22 =	vmul.f32 v33, v22  }
0x1a6: {  	v26 =	vshll.u32 v26, $0x10;
	v14 =	vadd.s32 s0, v0;
	v28 =	vshll.u32 v40, $0x10  }
0x1a7: {  	v42 =	vor.u32 v3, v39;
	v33 =	vand.u32 $0x3F, v14;
	v26 =	vmul.f32 v19, v26  }
0x1a8: {  	v43 =	vor.u32 v1, v33;
	v44 =	vor.u32 v2, v33;
	v28 =	vmul.f32 v28, v29  }
0x1a9: {  	v14 =	vor.u32 v3, v33;
	v19 =	vor.u32 v4, v33;
	v29 =	vand.u32 $0xFFFF0000, v40  }
0x1aa: {  	v45 =	vor.u32 v4, v39;
	v30 =	vmul.f32 v30, v38;
	v29 =	vmul.f32 v29, v41;
	v40 =	vld.idx.msk [tilespmem:v25+s14+$0x0], $0xffff  }
0x1ab: {  	v38 =	vor.u32 v5, v33;
	v17 =	vadd.f32 v17, v24;
	v20 =	vadd.f32 v28, v20;
	v25 =	vld.idx.msk [tilespmem:v25+s13+$0x0], $0xffff  }
0x1ac: {  	v24 =	vor.u32 v1, v39;
	v18 =	vadd.f32 v30, v18;
	v15 =	vadd.f32 v26, v15;
	v41 =	vld.idx.msk [tilespmem:v42+s13+$0x0], $0xffff  }
0x1ad: {  	v28 =	vor.u32 v5, v39;
	v20 =	vadd.f32 v20, v29;
	v29 =	vmul.f32 v32, v31;
	v26 =	vld.idx.msk [tilespmem:v42+s14+$0x0], $0xffff  }
0x1ae: {  	v11 =	vmul.f32 v37, v11;
	v18 =	vadd.f32 v18, v22;
	v17 =	vadd.f32 v34, v17;
	v30 =	vld.idx.msk [tilespmem:v43+s13+$0x0], $0xffff  }
0x1af: {  	v10 =	vand.u32 $0xFFFF0000, v10;
	v12 =	vmul.f32 v16, v12;
	v15 =	vadd.f32 v15, v29;
	v31 =	vld.idx.msk [tilespmem:v45+s13+$0x0], $0xffff  }
0x1b0: {  	v18 =	vadd.f32 v27, v18;
	v16 =	vshll.u32 v40, $0x10;
	v32 =	vand.u32 $0xFFFF0000, v40;
	v29 =	vld.idx.msk [tilespmem:v44+s13+$0x0], $0xffff  }
0x1b1: {  	v9 =	vmul.f32 v10, v9;
	v17 =	vadd.f32 v17, v23;
	v22 =	vshll.u32 v25, $0x10;
	v39 =	vld.idx.msk [tilespmem:v24+s14+$0x0], $0xffff  }
0x1b2: {  	v15 =	vadd.f32 v21, v15;
	v27 =	vmul.f32 v16, v22;
	v10 =	vshll.u32 v41, $0x10;
	v16 =	vld.idx.msk [tilespmem:v28+s14+$0x0], $0xffff  }
0x1b3: {  	v11 =	vadd.f32 v11, v13;
	v21 =	vand.u32 $0xFFFF0000, v25;
	v23 =	vshll.u32 v26, $0x10;
	v22 =	vld.idx.msk [tilespmem:v38+s13+$0x0], $0xffff  }
0x1b4: {  	v15 =	vadd.f32 v15, v35;
	v25 =	vmul.f32 v32, v21;
	v13 =	vmul.f32 v23, v10;
	v28 =	vld.idx.msk [tilespmem:v28+s13+$0x0], $0xffff  }
0x1b5: {  	v20 =	vadd.f32 v8, v20;
	v32 =	vadd.f32 v11, v9;
	v21 =	vshll.u32 v31, $0x10;
	v40 =	vld.idx.msk [tilespmem:v45+s14+$0x0], $0xffff  }
0x1b6: {  	v18 =	vadd.f32 v18, v12;
	v11 =	vshll.u32 v29, $0x10;
	v9 =	vand.u32 $0xFFFF0000, v29;
	v8 =	vmovc v13;
	v10 =	vld.idx.msk [tilespmem:v44+s14+$0x0], $0xffff  }
.Ltmp6:
0x1b7: {  	v20 =	vadd.f32 v20, v36;
	v12 =	vadd.f32 v6, v32;
	v6 =	vmovc v27;
	v35 =	vand.u32 $0xFFFF0000, v31;
	v23 =	vld.idx.msk [tilespmem:v24+s13+$0x0], $0xffff;
	(pc) =	sbr.rel @p0 .LBB2_13-.Ltmp6, $4  }
0x1b8: {  	v36 =	vand.u32 $0xFFFF0000, v26;
	v34 =	vshll.u32 v39, $0x10;
	v24 =	vand.u32 $0xFFFF0000, v30;
	v29 =	vld.idx.msk [tilespmem:v43+s14+$0x0], $0xffff  }
0x1b9: {  	v32 =	vshll.u32 v30, $0x10;
	v13 =	vadd.f32 v12, v7;
	v7 =	vmov v25;
	v26 =	vld.idx.msk [tilespmem:v19+s13+$0x0], $0xffff  }
0x1ba: {  	v37 =	vand.u32 $0xFFFF0000, v41;
	v27 =	vshll.u32 v16, $0x10;
	v12 =	vand.u32 $0xFFFF0000, v28;
	v33 =	vld.idx.msk [tilespmem:v14+s13+$0x0], $0xffff  }
0x1bb: {  	v25 =	vand.u32 $0xFFFF0000, v39;
	v31 =	vshll.u32 v40, $0x10;
	v30 =	vld.idx.msk [tilespmem:v38+s14+$0x0], $0xffff;
	v38 =	vand.u32 $0xFFFF0000, v40  }
0x1bc: {  	_ = 	snop  }
0x1bd: {  	v28 =	vshll.u32 v28, $0x10  }
0x1be: {  	v61 =	vshll.u32 v23, $0x10;
	v62 =	vshll.u32 v10, $0x10;
	v40 =	vshll.u32 v22, $0x10  }
0x1bf: {  	v42 =	vand.u32 $0xFFFF0000, v22;
	v50 =	vand.u32 $0xFFFF0000, v23;
	v52 =	vand.u32 $0xFFFF0000, v10  }
0x1c0: {  	v19 =	vld.idx.msk [tilespmem:v19+s14+$0x0], $0xffff;
	v60 =	vmul.f32 v31, v21;
	v34 =	vmul.f32 v34, v61;
	v63 =	vshll.u32 v29, $0x10  }
0x1c1: {  	v14 =	vld.idx.msk [tilespmem:v14+s14+$0x0], $0xffff;
	v44 =	vand.u32 $0xFFFF0000, v29;
	v11 =	vmul.f32 v62, v11;
	v9 =	vmul.f32 v52, v9  }
0x1c2: {  	v58 =	vmul.f32 v25, v50;
	v61 =	vmul.f32 v27, v28;
	v39 =	vand.u32 $0xFFFF0000, v26  }
0x1c3: {  	v32 =	vmul.f32 v63, v32;
	v24 =	vmul.f32 v44, v24;
	v47 =	vshll.u32 v26, $0x10  }
0x1c4: {  	v43 =	vand.u32 $0xFFFF0000, v33;
	v45 =	vshll.u32 v33, $0x10;
	v53 =	vadd.f32 v11, v13  }
0x1c5: {  	v17 =	vadd.f32 v32, v17;
	v48 =	vand.u32 $0xFFFF0000, v30;
	v51 =	vshll.u32 v30, $0x10  }
0x1c6: {  	v46 =	vand.u32 $0xFFFF0000, v19;
	v19 =	vshll.u32 v19, $0x10;
	v49 =	vshll.u32 v14, $0x10  }
0x1c7: {  	v14 =	vand.u32 $0xFFFF0000, v14;
	v30 =	vmul.f32 v51, v40;
	v9 =	vadd.f32 v53, v9  }
0x1c8: {  	v19 =	vmul.f32 v19, v47;
	v26 =	vmul.f32 v49, v45;
	v17 =	vadd.f32 v17, v24  }
0x1c9: {  	v54 =	vmul.f32 v48, v42;
	v56 =	vadd.f32 v30, v18;
	v6 =	vadd.f32 v6, v9  }
0x1ca: {  	v14 =	vmul.f32 v14, v43;
	v20 =	vadd.f32 v26, v20;
	v55 =	vadd.f32 v19, v15  }
0x1cb: {  	v57 =	vmul.f32 v46, v39;
	v59 =	vadd.f32 v34, v17;
	v11 =	vadd.f32 v56, v54  }
0x1cc: {  	v62 =	vand.u32 $0xFFFF0000, v16;
	v6 =	vadd.f32 v6, v7;
	v14 =	vadd.f32 v20, v14  }
0x1cd: {  	v7 =	vmul.f32 v62, v12;
	v13 =	vadd.f32 v55, v57;
	v9 =	vadd.f32 v61, v11  }
0x1ce: {  	v36 =	vmul.f32 v36, v37;
	v10 =	vadd.f32 v59, v58;
	v8 =	vadd.f32 v8, v14  }
0x1cf: {  	v35 =	vmul.f32 v38, v35;
	[tilespmem:$0x114F0] =	vst v6;
	v13 =	vadd.f32 v60, v13;
	v6 =	vadd.f32 v9, v7  }
0x1d0: {  	[tilespmem:$0x114E0] =	vst v10;
	v8 =	vadd.f32 v8, v36  }
0x1d1: {  	s18 =	sadd.s32 $0x1, s18;
	v63 =	vadd.f32 v13, v35;
	[tilespmem:$0x11520] =	vst v6  }
0x1d2: {  	p0 =	sne.s32 s18, s9;
	[tilespmem:$0x11500] =	vst v8  }
.Ltmp7:
0x1d3: {  	s0 =	simm.s32 $0xEE20;
	[tilespmem:$0x11510] =	vst v63;
	(pc) =	sbr.rel @p0 .LBB2_1-.Ltmp7, $4  }
0x1d4: {  	[hbm4b:s8+s3] =	stream.linear.scatter [tilespmem:s0], [sflag:$0x6], $0x2710, $0x38;
	[tilespmem:$0x11530] =	vst v63  }
0x1d5: {  	_ =	swait.ge [sflag:s16], $0x2710  }
0x1d6: {  	[sflag:s16] =	ssyncset.done $0x0  }
0x1d7: {  	[sflag:s16] =	ssyncadd.s32 $0xFFFFD8F0  }
0x1d8: {  	_ =	sfence.sel $0x180000  }
0x1d9: {  	[bflag:$0x0] =	sbarrier.arrive $0xFFFF  }
0x1da: {  	_ =	strace $0x90000047  }
0x1db: {  	s0 =	stileid.u32;
	[bflag:$0x2] =	sbarrier.arrive $0xFFFF  }
0x1dc: {  	p0 =	sne.s32 s0, $0x0;
	s0 =	rddreg [dreg:$0x2]  }
0x1dd: {  	s0 =	sadd.s32 @!p0 $0x100000, s0  }
0x1de: {  	[sflag:s0] =	ssyncadd.tile.s32 @!p0 $0x1;
	_ =	shalt  }
.Lfunc_end2:
_tile_overlayer_lowered:
.L_overlay_start_2:
0x1df: {  	(tag) =	ssettag $0x2  }
0x1e0: {  	s0 =	rddreg [dreg:$0x0];
	s2 =	stileid.u32  }
0x1e1: {  	s1 =	rddreg [dreg:$0x1];
	p0 =	sne.s32 s2, $0x0  }
0x1e2: {  	s3 =	rddreg [dreg:$0x2];
	[bflag:$0x3] =	sbarrier.arrive $0xFFFF;
	s2 =	simm.s32 @!p0 $0x1C06  }
0x1e3: {  	[timem:s3], [sflag:s2] =	dma.local @!p0 [hbm:s0], s1  }
0x1e4: {  	s0 =	simm.s32 @!p0 $0x6  }
0x1e5: {  	_ =	swait.ge @!p0 [sflag:s0], s1  }
0x1e6: {  	s1 =	ssub.s32 @!p0 $0x0, s1;
	[sflag:s0] =	ssyncset.done @!p0 $0x0  }
0x1e7: {  	[sflag:s0] =	ssyncadd.s32 @!p0 s1  }
0x1e8: {  	[bflag:$0x3] =	sbarrier.arrive $0xFFFF  }
0x1e9: {  	_ =	shalt  }

</sc_bundles>
